<compile_context>
chip_gen: v7x
topology: tpu7x:2x2x1
jax: 0.10.2.dev20260603
libtpu: 0.0.44.dev20260713+nightly
codegen_flags: <defaults>
</compile_context>

<pallas_src>
import functools

import jax
import jax.numpy as jnp
from jax import lax
from jax.experimental import pallas as pl
from jax.experimental.pallas import tpu as pltpu
from jax.experimental.pallas import tpu_sc as plsc

NW = 32
NR = 4


def _emb_call(B, H, D, rpw):
    nch = rpw // NR
    splits = []
    off = 0
    while off < H:
        w = min(128, H - off)
        splits.append((off, w))
        off += w
    mesh = plsc.VectorSubcoreMesh(core_axis_name="c", subcore_axis_name="s")

    @functools.partial(
        pl.kernel,
        mesh=mesh,
        out_type=jax.ShapeDtypeStruct((B, H, D), jnp.float32),
        scratch_types=[
            pltpu.VMEM((rpw, H), jnp.int32),
            pltpu.VMEM((2, NR, H, D), jnp.float32),
            pltpu.SemaphoreType.DMA,
            pltpu.SemaphoreType.DMA,
            pltpu.SemaphoreType.DMA,
            pltpu.SemaphoreType.DMA,
        ],
        compiler_params=pltpu.CompilerParams(use_tc_tiling_on_sc=False),
    )
    def emb(table_hbm, idx_hbm, out_hbm, idx_v, rows_v, g0sem, g1sem,
            w0sem, w1sem):
        wid = lax.axis_index("s") * 2 + lax.axis_index("c")
        base = wid * rpw
        gsems = (g0sem, g1sem)
        wsems = (w0sem, w1sem)

        def fire_gathers(c, s):
            for r in range(NR):
                for (off, w) in splits:
                    pltpu.async_copy(
                        table_hbm.at[idx_v.at[c * NR + r, pl.ds(off, w)]],
                        rows_v.at[s].at[r].at[pl.ds(off, w)],
                        gsems[s],
                    )

        def drain_gathers(c, s):
            for r in range(NR):
                for (off, w) in splits:
                    pltpu.make_async_copy(
                        table_hbm.at[idx_v.at[c * NR + r, pl.ds(off, w)]],
                        rows_v.at[s].at[r].at[pl.ds(off, w)],
                        gsems[s],
                    ).wait()

        def fire_write(c, s):
            pltpu.async_copy(
                rows_v.at[s], out_hbm.at[pl.ds(base + c * NR, NR)], wsems[s])

        def wait_write(c, s):
            pltpu.make_async_copy(
                rows_v.at[s], out_hbm.at[pl.ds(base + c * NR, NR)],
                wsems[s]).wait()

        pltpu.sync_copy(idx_hbm.at[pl.ds(base, rpw)], idx_v)
        fire_gathers(0, 0)
        fire_gathers(1, 1)

        def body(i, carry):
            cc = i * 2
            for b in range(2):
                c = cc + b
                drain_gathers(c, b)
                fire_write(c, b)
                wait_write(c, b)
                fire_gathers(c + 2, b)
            return carry

        lax.fori_loop(0, (nch - 2) // 2, body, 0)

        for b in range(2):
            c = nch - 2 + b
            drain_gathers(c, b)
            fire_write(c, b)
        for b in range(2):
            wait_write(nch - 2 + b, b)

    return emb


def kernel(x, table):
    B, H = x.shape
    V, D = table.shape
    rpw = B // NW
    return _emb_call(B, H, D, rpw)(table, x.astype(jnp.int32))

# --- scband reference (transcript-rebuilt; emitter-appended) ---
"""Pipeline reference for scband-optimized-token-embedding-13649406067063 (READ-ONLY COPY).

The authoritative reference and input builder live on the scoring server;
editing this copy changes nothing except your own understanding.
"""

import jax, jax.numpy as jnp
import numpy as np

VOCAB = 1000000
D_MODEL = 64
BATCH = 4096
HIST = 200

def setup_inputs(seed: int = 0) -> dict:
    key = jax.random.key(seed)
    k_idx, k_tab = jax.random.split(key)
    x = jax.random.randint(k_idx, (BATCH, HIST), 0, VOCAB, dtype=jnp.int64 if jax.config.jax_enable_x64 else jnp.int32)
    table = jax.random.normal(k_tab, (VOCAB, D_MODEL), dtype=jnp.float32)
    return {"x": x, "table": table}

def reference(x, table):
    # OptimizedTokenEmbedding.forward: self.embedding(x) -> row gather from embedding table
    return jnp.take(table, x, axis=0)

if __name__ == "__main__":
    import jax
    _d = setup_inputs()
    print(jax.jit(kernel)(*tuple(_d.values())))

</pallas_src>

<mosaic_0001>
#map = affine_map<(d0, d1) -> (0, 0)>
#map1 = affine_map<(d0, d1) -> (0, 0, 0)>
module attributes {stable_mosaic.version = 14 : i64} {
  func.func @emb(%arg0: i32, %arg1: i32, %arg2: memref<1000000x64xf32, #tpu.memory_space<hbm>>, %arg3: memref<4096x200xi32, #tpu.memory_space<hbm>>, %arg4: memref<4096x200x64xf32, #tpu.memory_space<hbm>>, %arg5: memref<128x200xi32, #tpu.memory_space<vmem>>, %arg6: memref<2x4x200x64xf32, #tpu.memory_space<vmem>>, %arg7: memref<!tpu.dma_semaphore, #tpu.memory_space<semaphore_mem>>, %arg8: memref<!tpu.dma_semaphore, #tpu.memory_space<semaphore_mem>>, %arg9: memref<!tpu.dma_semaphore, #tpu.memory_space<semaphore_mem>>, %arg10: memref<!tpu.dma_semaphore, #tpu.memory_space<semaphore_mem>>) attributes {dimension_semantics = [#tpu.dimension_semantics<core_parallel>, #tpu.dimension_semantics<subcore_parallel>], iteration_bounds = array<i64: 2, 16>, scalar_prefetch = 0 : i64, scratch_operands = 6 : i64, tpu.core_type = #tpu.core_type<sc_vector_subcore>, window_params = [{transform_indices = #map}, {transform_indices = #map}, {transform_indices = #map1}]} {
    %mul3A = arith.constant 2 : i32
    %mul3A_0 = arith.muli %arg1, %mul3A : i32
    %add3A = arith.addi %mul3A_0, %arg0 : i32
    %mul3A_1 = arith.constant 128 : i32
    %mul3A_2 = arith.muli %add3A, %mul3A_1 : i32
    "tpu.region"() ({
      %run_scoped3A = tpu.sem_alloc : memref<!tpu.dma_semaphore, #tpu.memory_space<semaphore_mem>>
      %dma_start3A_754 = arith.constant 0 : i32
      %dma_start3A_755 = tpu.memref_slice %arg3[%mul3A_2, %dma_start3A_754] : memref<4096x200xi32, #tpu.memory_space<hbm>> -> memref<128x200xi32, #tpu.memory_space<hbm>>
      %dma_start3A_756 = arith.constant 0 : i32
      %dma_start3A_757 = tpu.memref_slice %arg3[%mul3A_2, %dma_start3A_756] : memref<4096x200xi32, #tpu.memory_space<hbm>> -> memref<128x200xi32, #tpu.memory_space<hbm>>
      tpu.enqueue_dma source(%dma_start3A_757 : memref<128x200xi32, #tpu.memory_space<hbm>>) target(%arg5 : memref<128x200xi32, #tpu.memory_space<vmem>>) target_semaphore(%run_scoped3A : memref<!tpu.dma_semaphore, #tpu.memory_space<semaphore_mem>>)
      %dma_wait3A_758 = arith.constant 0 : i32
      %dma_wait3A_759 = tpu.memref_slice %arg3[%mul3A_2, %dma_wait3A_758] : memref<4096x200xi32, #tpu.memory_space<hbm>> -> memref<128x200xi32, #tpu.memory_space<hbm>>
      %dma_wait3A_760 = arith.constant 0 : i32
      %dma_wait3A_761 = tpu.memref_slice %arg3[%mul3A_2, %dma_wait3A_760] : memref<4096x200xi32, #tpu.memory_space<hbm>> -> memref<128x200xi32, #tpu.memory_space<hbm>>
      tpu.wait_dma2 semaphore(%run_scoped3A : memref<!tpu.dma_semaphore, #tpu.memory_space<semaphore_mem>>) src(%dma_wait3A_761 : memref<128x200xi32, #tpu.memory_space<hbm>>) dst(%arg5 : memref<128x200xi32, #tpu.memory_space<vmem>>)
      tpu.yield
    }) : () -> ()
    %dma_start3A = arith.constant 0 : i32
    %dma_start3A_3 = arith.constant 0 : i32
    %dma_start3A_4 = arith.constant 0 : i32
    %dma_start3A_5 = arith.constant 0 : i32
    %dma_start3A_6 = arith.constant 0 : i32
    %dma_start3A_7 = arith.constant 0 : i32
    %dma_start3A_8 = tpu.memref_slice %arg6[%dma_start3A_3, %dma_start3A_5, %dma_start3A_6, %dma_start3A_7] : memref<2x4x200x64xf32, #tpu.memory_space<vmem>> -> memref<1x4x200x64xf32, #tpu.memory_space<vmem>>
    %dma_start3A_9 = tpu.memref_squeeze %dma_start3A_8 : memref<1x4x200x64xf32, #tpu.memory_space<vmem>> -> memref<4x200x64xf32, #tpu.memory_space<vmem>>
    %dma_start3A_10 = arith.constant 0 : i32
    %dma_start3A_11 = arith.constant 0 : i32
    %dma_start3A_12 = tpu.memref_slice %dma_start3A_9[%dma_start3A_4, %dma_start3A_10, %dma_start3A_11] : memref<4x200x64xf32, #tpu.memory_space<vmem>> -> memref<1x200x64xf32, #tpu.memory_space<vmem>>
    %dma_start3A_13 = tpu.memref_squeeze %dma_start3A_12 : memref<1x200x64xf32, #tpu.memory_space<vmem>> -> memref<200x64xf32, #tpu.memory_space<vmem>>
    %dma_start3A_14 = arith.constant 0 : i32
    %dma_start3A_15 = arith.constant 0 : i32
    %dma_start3A_16 = tpu.memref_slice %dma_start3A_13[%dma_start3A_14, %dma_start3A_15] : memref<200x64xf32, #tpu.memory_space<vmem>> -> memref<128x64xf32, #tpu.memory_space<vmem>>
    %dma_start3A_17 = arith.constant 0 : i32
    %dma_start3A_18 = tpu.memref_slice %arg5[%dma_start3A, %dma_start3A_17] : memref<128x200xi32, #tpu.memory_space<vmem>> -> memref<1x128xi32, #tpu.memory_space<vmem>>
    %dma_start3A_19 = tpu.memref_squeeze %dma_start3A_18 : memref<1x128xi32, #tpu.memory_space<vmem>> -> memref<128xi32, #tpu.memory_space<vmem>>
    %dma_start3A_20 = arith.constant 0 : i32
    %dma_start3A_21 = arith.constant 0 : i32
    %dma_start3A_22 = tpu.memref_slice %arg2[%dma_start3A_20, %dma_start3A_21] : memref<1000000x64xf32, #tpu.memory_space<hbm>> -> memref<1000000x64xf32, #tpu.memory_space<hbm>>
    tpu.enqueue_indirect_dma source(%dma_start3A_22 : memref<1000000x64xf32, #tpu.memory_space<hbm>>) target(%dma_start3A_16 : memref<128x64xf32, #tpu.memory_space<vmem>>) offsets(%dma_start3A_19 : memref<128xi32, #tpu.memory_space<vmem>>) semaphore(%arg7 : memref<!tpu.dma_semaphore, #tpu.memory_space<semaphore_mem>>)
    %dma_start3A_23 = arith.constant 0 : i32
    %dma_start3A_24 = arith.constant 0 : i32
    %dma_start3A_25 = arith.constant 0 : i32
    %dma_start3A_26 = arith.constant 0 : i32
    %dma_start3A_27 = arith.constant 0 : i32
    %dma_start3A_28 = arith.constant 0 : i32
    %dma_start3A_29 = tpu.memref_slice %arg6[%dma_start3A_24, %dma_start3A_26, %dma_start3A_27, %dma_start3A_28] : memref<2x4x200x64xf32, #tpu.memory_space<vmem>> -> memref<1x4x200x64xf32, #tpu.memory_space<vmem>>
    %dma_start3A_30 = tpu.memref_squeeze %dma_start3A_29 : memref<1x4x200x64xf32, #tpu.memory_space<vmem>> -> memref<4x200x64xf32, #tpu.memory_space<vmem>>
    %dma_start3A_31 = arith.constant 0 : i32
    %dma_start3A_32 = arith.constant 0 : i32
    %dma_start3A_33 = tpu.memref_slice %dma_start3A_30[%dma_start3A_25, %dma_start3A_31, %dma_start3A_32] : memref<4x200x64xf32, #tpu.memory_space<vmem>> -> memref<1x200x64xf32, #tpu.memory_space<vmem>>
    %dma_start3A_34 = tpu.memref_squeeze %dma_start3A_33 : memref<1x200x64xf32, #tpu.memory_space<vmem>> -> memref<200x64xf32, #tpu.memory_space<vmem>>
    %dma_start3A_35 = arith.constant 128 : i32
    %dma_start3A_36 = arith.constant 0 : i32
    %dma_start3A_37 = tpu.memref_slice %dma_start3A_34[%dma_start3A_35, %dma_start3A_36] : memref<200x64xf32, #tpu.memory_space<vmem>> -> memref<72x64xf32, #tpu.memory_space<vmem>>
    %dma_start3A_38 = arith.constant 128 : i32
    %dma_start3A_39 = tpu.memref_slice %arg5[%dma_start3A_23, %dma_start3A_38] : memref<128x200xi32, #tpu.memory_space<vmem>> -> memref<1x72xi32, #tpu.memory_space<vmem>>
    %dma_start3A_40 = tpu.memref_squeeze %dma_start3A_39 : memref<1x72xi32, #tpu.memory_space<vmem>> -> memref<72xi32, #tpu.memory_space<vmem>>
    %dma_start3A_41 = arith.constant 0 : i32
    %dma_start3A_42 = arith.constant 0 : i32
    %dma_start3A_43 = tpu.memref_slice %arg2[%dma_start3A_41, %dma_start3A_42] : memref<1000000x64xf32, #tpu.memory_space<hbm>> -> memref<1000000x64xf32, #tpu.memory_space<hbm>>
    tpu.enqueue_indirect_dma source(%dma_start3A_43 : memref<1000000x64xf32, #tpu.memory_space<hbm>>) target(%dma_start3A_37 : memref<72x64xf32, #tpu.memory_space<vmem>>) offsets(%dma_start3A_40 : memref<72xi32, #tpu.memory_space<vmem>>) semaphore(%arg7 : memref<!tpu.dma_semaphore, #tpu.memory_space<semaphore_mem>>)
    %dma_start3A_44 = arith.constant 1 : i32
    %dma_start3A_45 = arith.constant 0 : i32
    %dma_start3A_46 = arith.constant 1 : i32
    %dma_start3A_47 = arith.constant 0 : i32
    %dma_start3A_48 = arith.constant 0 : i32
    %dma_start3A_49 = arith.constant 0 : i32
    %dma_start3A_50 = tpu.memref_slice %arg6[%dma_start3A_45, %dma_start3A_47, %dma_start3A_48, %dma_start3A_49] : memref<2x4x200x64xf32, #tpu.memory_space<vmem>> -> memref<1x4x200x64xf32, #tpu.memory_space<vmem>>
    %dma_start3A_51 = tpu.memref_squeeze %dma_start3A_50 : memref<1x4x200x64xf32, #tpu.memory_space<vmem>> -> memref<4x200x64xf32, #tpu.memory_space<vmem>>
    %dma_start3A_52 = arith.constant 0 : i32
    %dma_start3A_53 = arith.constant 0 : i32
    %dma_start3A_54 = tpu.memref_slice %dma_start3A_51[%dma_start3A_46, %dma_start3A_52, %dma_start3A_53] : memref<4x200x64xf32, #tpu.memory_space<vmem>> -> memref<1x200x64xf32, #tpu.memory_space<vmem>>
    %dma_start3A_55 = tpu.memref_squeeze %dma_start3A_54 : memref<1x200x64xf32, #tpu.memory_space<vmem>> -> memref<200x64xf32, #tpu.memory_space<vmem>>
    %dma_start3A_56 = arith.constant 0 : i32
    %dma_start3A_57 = arith.constant 0 : i32
    %dma_start3A_58 = tpu.memref_slice %dma_start3A_55[%dma_start3A_56, %dma_start3A_57] : memref<200x64xf32, #tpu.memory_space<vmem>> -> memref<128x64xf32, #tpu.memory_space<vmem>>
    %dma_start3A_59 = arith.constant 0 : i32
    %dma_start3A_60 = tpu.memref_slice %arg5[%dma_start3A_44, %dma_start3A_59] : memref<128x200xi32, #tpu.memory_space<vmem>> -> memref<1x128xi32, #tpu.memory_space<vmem>>
    %dma_start3A_61 = tpu.memref_squeeze %dma_start3A_60 : memref<1x128xi32, #tpu.memory_space<vmem>> -> memref<128xi32, #tpu.memory_space<vmem>>
    %dma_start3A_62 = arith.constant 0 : i32
    %dma_start3A_63 = arith.constant 0 : i32
    %dma_start3A_64 = tpu.memref_slice %arg2[%dma_start3A_62, %dma_start3A_63] : memref<1000000x64xf32, #tpu.memory_space<hbm>> -> memref<1000000x64xf32, #tpu.memory_space<hbm>>
    tpu.enqueue_indirect_dma source(%dma_start3A_64 : memref<1000000x64xf32, #tpu.memory_space<hbm>>) target(%dma_start3A_58 : memref<128x64xf32, #tpu.memory_space<vmem>>) offsets(%dma_start3A_61 : memref<128xi32, #tpu.memory_space<vmem>>) semaphore(%arg7 : memref<!tpu.dma_semaphore, #tpu.memory_space<semaphore_mem>>)
    %dma_start3A_65 = arith.constant 1 : i32
    %dma_start3A_66 = arith.constant 0 : i32
    %dma_start3A_67 = arith.constant 1 : i32
    %dma_start3A_68 = arith.constant 0 : i32
    %dma_start3A_69 = arith.constant 0 : i32
    %dma_start3A_70 = arith.constant 0 : i32
    %dma_start3A_71 = tpu.memref_slice %arg6[%dma_start3A_66, %dma_start3A_68, %dma_start3A_69, %dma_start3A_70] : memref<2x4x200x64xf32, #tpu.memory_space<vmem>> -> memref<1x4x200x64xf32, #tpu.memory_space<vmem>>
    %dma_start3A_72 = tpu.memref_squeeze %dma_start3A_71 : memref<1x4x200x64xf32, #tpu.memory_space<vmem>> -> memref<4x200x64xf32, #tpu.memory_space<vmem>>
    %dma_start3A_73 = arith.constant 0 : i32
    %dma_start3A_74 = arith.constant 0 : i32
    %dma_start3A_75 = tpu.memref_slice %dma_start3A_72[%dma_start3A_67, %dma_start3A_73, %dma_start3A_74] : memref<4x200x64xf32, #tpu.memory_space<vmem>> -> memref<1x200x64xf32, #tpu.memory_space<vmem>>
    %dma_start3A_76 = tpu.memref_squeeze %dma_start3A_75 : memref<1x200x64xf32, #tpu.memory_space<vmem>> -> memref<200x64xf32, #tpu.memory_space<vmem>>
    %dma_start3A_77 = arith.constant 128 : i32
    %dma_start3A_78 = arith.constant 0 : i32
    %dma_start3A_79 = tpu.memref_slice %dma_start3A_76[%dma_start3A_77, %dma_start3A_78] : memref<200x64xf32, #tpu.memory_space<vmem>> -> memref<72x64xf32, #tpu.memory_space<vmem>>
    %dma_start3A_80 = arith.constant 128 : i32
    %dma_start3A_81 = tpu.memref_slice %arg5[%dma_start3A_65, %dma_start3A_80] : memref<128x200xi32, #tpu.memory_space<vmem>> -> memref<1x72xi32, #tpu.memory_space<vmem>>
    %dma_start3A_82 = tpu.memref_squeeze %dma_start3A_81 : memref<1x72xi32, #tpu.memory_space<vmem>> -> memref<72xi32, #tpu.memory_space<vmem>>
    %dma_start3A_83 = arith.constant 0 : i32
    %dma_start3A_84 = arith.constant 0 : i32
    %dma_start3A_85 = tpu.memref_slice %arg2[%dma_start3A_83, %dma_start3A_84] : memref<1000000x64xf32, #tpu.memory_space<hbm>> -> memref<1000000x64xf32, #tpu.memory_space<hbm>>
    tpu.enqueue_indirect_dma source(%dma_start3A_85 : memref<1000000x64xf32, #tpu.memory_space<hbm>>) target(%dma_start3A_79 : memref<72x64xf32, #tpu.memory_space<vmem>>) offsets(%dma_start3A_82 : memref<72xi32, #tpu.memory_space<vmem>>) semaphore(%arg7 : memref<!tpu.dma_semaphore, #tpu.memory_space<semaphore_mem>>)
    %dma_start3A_86 = arith.constant 2 : i32
    %dma_start3A_87 = arith.constant 0 : i32
    %dma_start3A_88 = arith.constant 2 : i32
    %dma_start3A_89 = arith.constant 0 : i32
    %dma_start3A_90 = arith.constant 0 : i32
    %dma_start3A_91 = arith.constant 0 : i32
    %dma_start3A_92 = tpu.memref_slice %arg6[%dma_start3A_87, %dma_start3A_89, %dma_start3A_90, %dma_start3A_91] : memref<2x4x200x64xf32, #tpu.memory_space<vmem>> -> memref<1x4x200x64xf32, #tpu.memory_space<vmem>>
    %dma_start3A_93 = tpu.memref_squeeze %dma_start3A_92 : memref<1x4x200x64xf32, #tpu.memory_space<vmem>> -> memref<4x200x64xf32, #tpu.memory_space<vmem>>
    %dma_start3A_94 = arith.constant 0 : i32
    %dma_start3A_95 = arith.constant 0 : i32
    %dma_start3A_96 = tpu.memref_slice %dma_start3A_93[%dma_start3A_88, %dma_start3A_94, %dma_start3A_95] : memref<4x200x64xf32, #tpu.memory_space<vmem>> -> memref<1x200x64xf32, #tpu.memory_space<vmem>>
    %dma_start3A_97 = tpu.memref_squeeze %dma_start3A_96 : memref<1x200x64xf32, #tpu.memory_space<vmem>> -> memref<200x64xf32, #tpu.memory_space<vmem>>
    %dma_start3A_98 = arith.constant 0 : i32
    %dma_start3A_99 = arith.constant 0 : i32
    %dma_start3A_100 = tpu.memref_slice %dma_start3A_97[%dma_start3A_98, %dma_start3A_99] : memref<200x64xf32, #tpu.memory_space<vmem>> -> memref<128x64xf32, #tpu.memory_space<vmem>>
    %dma_start3A_101 = arith.constant 0 : i32
    %dma_start3A_102 = tpu.memref_slice %arg5[%dma_start3A_86, %dma_start3A_101] : memref<128x200xi32, #tpu.memory_space<vmem>> -> memref<1x128xi32, #tpu.memory_space<vmem>>
    %dma_start3A_103 = tpu.memref_squeeze %dma_start3A_102 : memref<1x128xi32, #tpu.memory_space<vmem>> -> memref<128xi32, #tpu.memory_space<vmem>>
    %dma_start3A_104 = arith.constant 0 : i32
    %dma_start3A_105 = arith.constant 0 : i32
    %dma_start3A_106 = tpu.memref_slice %arg2[%dma_start3A_104, %dma_start3A_105] : memref<1000000x64xf32, #tpu.memory_space<hbm>> -> memref<1000000x64xf32, #tpu.memory_space<hbm>>
    tpu.enqueue_indirect_dma source(%dma_start3A_106 : memref<1000000x64xf32, #tpu.memory_space<hbm>>) target(%dma_start3A_100 : memref<128x64xf32, #tpu.memory_space<vmem>>) offsets(%dma_start3A_103 : memref<128xi32, #tpu.memory_space<vmem>>) semaphore(%arg7 : memref<!tpu.dma_semaphore, #tpu.memory_space<semaphore_mem>>)
    %dma_start3A_107 = arith.constant 2 : i32
    %dma_start3A_108 = arith.constant 0 : i32
    %dma_start3A_109 = arith.constant 2 : i32
    %dma_start3A_110 = arith.constant 0 : i32
    %dma_start3A_111 = arith.constant 0 : i32
    %dma_start3A_112 = arith.constant 0 : i32
    %dma_start3A_113 = tpu.memref_slice %arg6[%dma_start3A_108, %dma_start3A_110, %dma_start3A_111, %dma_start3A_112] : memref<2x4x200x64xf32, #tpu.memory_space<vmem>> -> memref<1x4x200x64xf32, #tpu.memory_space<vmem>>
    %dma_start3A_114 = tpu.memref_squeeze %dma_start3A_113 : memref<1x4x200x64xf32, #tpu.memory_space<vmem>> -> memref<4x200x64xf32, #tpu.memory_space<vmem>>
    %dma_start3A_115 = arith.constant 0 : i32
    %dma_start3A_116 = arith.constant 0 : i32
    %dma_start3A_117 = tpu.memref_slice %dma_start3A_114[%dma_start3A_109, %dma_start3A_115, %dma_start3A_116] : memref<4x200x64xf32, #tpu.memory_space<vmem>> -> memref<1x200x64xf32, #tpu.memory_space<vmem>>
    %dma_start3A_118 = tpu.memref_squeeze %dma_start3A_117 : memref<1x200x64xf32, #tpu.memory_space<vmem>> -> memref<200x64xf32, #tpu.memory_space<vmem>>
    %dma_start3A_119 = arith.constant 128 : i32
    %dma_start3A_120 = arith.constant 0 : i32
    %dma_start3A_121 = tpu.memref_slice %dma_start3A_118[%dma_start3A_119, %dma_start3A_120] : memref<200x64xf32, #tpu.memory_space<vmem>> -> memref<72x64xf32, #tpu.memory_space<vmem>>
    %dma_start3A_122 = arith.constant 128 : i32
    %dma_start3A_123 = tpu.memref_slice %arg5[%dma_start3A_107, %dma_start3A_122] : memref<128x200xi32, #tpu.memory_space<vmem>> -> memref<1x72xi32, #tpu.memory_space<vmem>>
    %dma_start3A_124 = tpu.memref_squeeze %dma_start3A_123 : memref<1x72xi32, #tpu.memory_space<vmem>> -> memref<72xi32, #tpu.memory_space<vmem>>
    %dma_start3A_125 = arith.constant 0 : i32
    %dma_start3A_126 = arith.constant 0 : i32
    %dma_start3A_127 = tpu.memref_slice %arg2[%dma_start3A_125, %dma_start3A_126] : memref<1000000x64xf32, #tpu.memory_space<hbm>> -> memref<1000000x64xf32, #tpu.memory_space<hbm>>
    tpu.enqueue_indirect_dma source(%dma_start3A_127 : memref<1000000x64xf32, #tpu.memory_space<hbm>>) target(%dma_start3A_121 : memref<72x64xf32, #tpu.memory_space<vmem>>) offsets(%dma_start3A_124 : memref<72xi32, #tpu.memory_space<vmem>>) semaphore(%arg7 : memref<!tpu.dma_semaphore, #tpu.memory_space<semaphore_mem>>)
    %dma_start3A_128 = arith.constant 3 : i32
    %dma_start3A_129 = arith.constant 0 : i32
    %dma_start3A_130 = arith.constant 3 : i32
    %dma_start3A_131 = arith.constant 0 : i32
    %dma_start3A_132 = arith.constant 0 : i32
    %dma_start3A_133 = arith.constant 0 : i32
    %dma_start3A_134 = tpu.memref_slice %arg6[%dma_start3A_129, %dma_start3A_131, %dma_start3A_132, %dma_start3A_133] : memref<2x4x200x64xf32, #tpu.memory_space<vmem>> -> memref<1x4x200x64xf32, #tpu.memory_space<vmem>>
    %dma_start3A_135 = tpu.memref_squeeze %dma_start3A_134 : memref<1x4x200x64xf32, #tpu.memory_space<vmem>> -> memref<4x200x64xf32, #tpu.memory_space<vmem>>
    %dma_start3A_136 = arith.constant 0 : i32
    %dma_start3A_137 = arith.constant 0 : i32
    %dma_start3A_138 = tpu.memref_slice %dma_start3A_135[%dma_start3A_130, %dma_start3A_136, %dma_start3A_137] : memref<4x200x64xf32, #tpu.memory_space<vmem>> -> memref<1x200x64xf32, #tpu.memory_space<vmem>>
    %dma_start3A_139 = tpu.memref_squeeze %dma_start3A_138 : memref<1x200x64xf32, #tpu.memory_space<vmem>> -> memref<200x64xf32, #tpu.memory_space<vmem>>
    %dma_start3A_140 = arith.constant 0 : i32
    %dma_start3A_141 = arith.constant 0 : i32
    %dma_start3A_142 = tpu.memref_slice %dma_start3A_139[%dma_start3A_140, %dma_start3A_141] : memref<200x64xf32, #tpu.memory_space<vmem>> -> memref<128x64xf32, #tpu.memory_space<vmem>>
    %dma_start3A_143 = arith.constant 0 : i32
    %dma_start3A_144 = tpu.memref_slice %arg5[%dma_start3A_128, %dma_start3A_143] : memref<128x200xi32, #tpu.memory_space<vmem>> -> memref<1x128xi32, #tpu.memory_space<vmem>>
    %dma_start3A_145 = tpu.memref_squeeze %dma_start3A_144 : memref<1x128xi32, #tpu.memory_space<vmem>> -> memref<128xi32, #tpu.memory_space<vmem>>
    %dma_start3A_146 = arith.constant 0 : i32
    %dma_start3A_147 = arith.constant 0 : i32
    %dma_start3A_148 = tpu.memref_slice %arg2[%dma_start3A_146, %dma_start3A_147] : memref<1000000x64xf32, #tpu.memory_space<hbm>> -> memref<1000000x64xf32, #tpu.memory_space<hbm>>
    tpu.enqueue_indirect_dma source(%dma_start3A_148 : memref<1000000x64xf32, #tpu.memory_space<hbm>>) target(%dma_start3A_142 : memref<128x64xf32, #tpu.memory_space<vmem>>) offsets(%dma_start3A_145 : memref<128xi32, #tpu.memory_space<vmem>>) semaphore(%arg7 : memref<!tpu.dma_semaphore, #tpu.memory_space<semaphore_mem>>)
    %dma_start3A_149 = arith.constant 3 : i32
    %dma_start3A_150 = arith.constant 0 : i32
    %dma_start3A_151 = arith.constant 3 : i32
    %dma_start3A_152 = arith.constant 0 : i32
    %dma_start3A_153 = arith.constant 0 : i32
    %dma_start3A_154 = arith.constant 0 : i32
    %dma_start3A_155 = tpu.memref_slice %arg6[%dma_start3A_150, %dma_start3A_152, %dma_start3A_153, %dma_start3A_154] : memref<2x4x200x64xf32, #tpu.memory_space<vmem>> -> memref<1x4x200x64xf32, #tpu.memory_space<vmem>>
    %dma_start3A_156 = tpu.memref_squeeze %dma_start3A_155 : memref<1x4x200x64xf32, #tpu.memory_space<vmem>> -> memref<4x200x64xf32, #tpu.memory_space<vmem>>
    %dma_start3A_157 = arith.constant 0 : i32
    %dma_start3A_158 = arith.constant 0 : i32
    %dma_start3A_159 = tpu.memref_slice %dma_start3A_156[%dma_start3A_151, %dma_start3A_157, %dma_start3A_158] : memref<4x200x64xf32, #tpu.memory_space<vmem>> -> memref<1x200x64xf32, #tpu.memory_space<vmem>>
    %dma_start3A_160 = tpu.memref_squeeze %dma_start3A_159 : memref<1x200x64xf32, #tpu.memory_space<vmem>> -> memref<200x64xf32, #tpu.memory_space<vmem>>
    %dma_start3A_161 = arith.constant 128 : i32
    %dma_start3A_162 = arith.constant 0 : i32
    %dma_start3A_163 = tpu.memref_slice %dma_start3A_160[%dma_start3A_161, %dma_start3A_162] : memref<200x64xf32, #tpu.memory_space<vmem>> -> memref<72x64xf32, #tpu.memory_space<vmem>>
    %dma_start3A_164 = arith.constant 128 : i32
    %dma_start3A_165 = tpu.memref_slice %arg5[%dma_start3A_149, %dma_start3A_164] : memref<128x200xi32, #tpu.memory_space<vmem>> -> memref<1x72xi32, #tpu.memory_space<vmem>>
    %dma_start3A_166 = tpu.memref_squeeze %dma_start3A_165 : memref<1x72xi32, #tpu.memory_space<vmem>> -> memref<72xi32, #tpu.memory_space<vmem>>
    %dma_start3A_167 = arith.constant 0 : i32
    %dma_start3A_168 = arith.constant 0 : i32
    %dma_start3A_169 = tpu.memref_slice %arg2[%dma_start3A_167, %dma_start3A_168] : memref<1000000x64xf32, #tpu.memory_space<hbm>> -> memref<1000000x64xf32, #tpu.memory_space<hbm>>
    tpu.enqueue_indirect_dma source(%dma_start3A_169 : memref<1000000x64xf32, #tpu.memory_space<hbm>>) target(%dma_start3A_163 : memref<72x64xf32, #tpu.memory_space<vmem>>) offsets(%dma_start3A_166 : memref<72xi32, #tpu.memory_space<vmem>>) semaphore(%arg7 : memref<!tpu.dma_semaphore, #tpu.memory_space<semaphore_mem>>)
    %dma_start3A_170 = arith.constant 4 : i32
    %dma_start3A_171 = arith.constant 1 : i32
    %dma_start3A_172 = arith.constant 0 : i32
    %dma_start3A_173 = arith.constant 0 : i32
    %dma_start3A_174 = arith.constant 0 : i32
    %dma_start3A_175 = arith.constant 0 : i32
    %dma_start3A_176 = tpu.memref_slice %arg6[%dma_start3A_171, %dma_start3A_173, %dma_start3A_174, %dma_start3A_175] : memref<2x4x200x64xf32, #tpu.memory_space<vmem>> -> memref<1x4x200x64xf32, #tpu.memory_space<vmem>>
    %dma_start3A_177 = tpu.memref_squeeze %dma_start3A_176 : memref<1x4x200x64xf32, #tpu.memory_space<vmem>> -> memref<4x200x64xf32, #tpu.memory_space<vmem>>
    %dma_start3A_178 = arith.constant 0 : i32
    %dma_start3A_179 = arith.constant 0 : i32
    %dma_start3A_180 = tpu.memref_slice %dma_start3A_177[%dma_start3A_172, %dma_start3A_178, %dma_start3A_179] : memref<4x200x64xf32, #tpu.memory_space<vmem>> -> memref<1x200x64xf32, #tpu.memory_space<vmem>>
    %dma_start3A_181 = tpu.memref_squeeze %dma_start3A_180 : memref<1x200x64xf32, #tpu.memory_space<vmem>> -> memref<200x64xf32, #tpu.memory_space<vmem>>
    %dma_start3A_182 = arith.constant 0 : i32
    %dma_start3A_183 = arith.constant 0 : i32
    %dma_start3A_184 = tpu.memref_slice %dma_start3A_181[%dma_start3A_182, %dma_start3A_183] : memref<200x64xf32, #tpu.memory_space<vmem>> -> memref<128x64xf32, #tpu.memory_space<vmem>>
    %dma_start3A_185 = arith.constant 0 : i32
    %dma_start3A_186 = tpu.memref_slice %arg5[%dma_start3A_170, %dma_start3A_185] : memref<128x200xi32, #tpu.memory_space<vmem>> -> memref<1x128xi32, #tpu.memory_space<vmem>>
    %dma_start3A_187 = tpu.memref_squeeze %dma_start3A_186 : memref<1x128xi32, #tpu.memory_space<vmem>> -> memref<128xi32, #tpu.memory_space<vmem>>
    %dma_start3A_188 = arith.constant 0 : i32
    %dma_start3A_189 = arith.constant 0 : i32
    %dma_start3A_190 = tpu.memref_slice %arg2[%dma_start3A_188, %dma_start3A_189] : memref<1000000x64xf32, #tpu.memory_space<hbm>> -> memref<1000000x64xf32, #tpu.memory_space<hbm>>
    tpu.enqueue_indirect_dma source(%dma_start3A_190 : memref<1000000x64xf32, #tpu.memory_space<hbm>>) target(%dma_start3A_184 : memref<128x64xf32, #tpu.memory_space<vmem>>) offsets(%dma_start3A_187 : memref<128xi32, #tpu.memory_space<vmem>>) semaphore(%arg8 : memref<!tpu.dma_semaphore, #tpu.memory_space<semaphore_mem>>)
    %dma_start3A_191 = arith.constant 4 : i32
    %dma_start3A_192 = arith.constant 1 : i32
    %dma_start3A_193 = arith.constant 0 : i32
    %dma_start3A_194 = arith.constant 0 : i32
    %dma_start3A_195 = arith.constant 0 : i32
    %dma_start3A_196 = arith.constant 0 : i32
    %dma_start3A_197 = tpu.memref_slice %arg6[%dma_start3A_192, %dma_start3A_194, %dma_start3A_195, %dma_start3A_196] : memref<2x4x200x64xf32, #tpu.memory_space<vmem>> -> memref<1x4x200x64xf32, #tpu.memory_space<vmem>>
    %dma_start3A_198 = tpu.memref_squeeze %dma_start3A_197 : memref<1x4x200x64xf32, #tpu.memory_space<vmem>> -> memref<4x200x64xf32, #tpu.memory_space<vmem>>
    %dma_start3A_199 = arith.constant 0 : i32
    %dma_start3A_200 = arith.constant 0 : i32
    %dma_start3A_201 = tpu.memref_slice %dma_start3A_198[%dma_start3A_193, %dma_start3A_199, %dma_start3A_200] : memref<4x200x64xf32, #tpu.memory_space<vmem>> -> memref<1x200x64xf32, #tpu.memory_space<vmem>>
    %dma_start3A_202 = tpu.memref_squeeze %dma_start3A_201 : memref<1x200x64xf32, #tpu.memory_space<vmem>> -> memref<200x64xf32, #tpu.memory_space<vmem>>
    %dma_start3A_203 = arith.constant 128 : i32
    %dma_start3A_204 = arith.constant 0 : i32
    %dma_start3A_205 = tpu.memref_slice %dma_start3A_202[%dma_start3A_203, %dma_start3A_204] : memref<200x64xf32, #tpu.memory_space<vmem>> -> memref<72x64xf32, #tpu.memory_space<vmem>>
    %dma_start3A_206 = arith.constant 128 : i32
    %dma_start3A_207 = tpu.memref_slice %arg5[%dma_start3A_191, %dma_start3A_206] : memref<128x200xi32, #tpu.memory_space<vmem>> -> memref<1x72xi32, #tpu.memory_space<vmem>>
    %dma_start3A_208 = tpu.memref_squeeze %dma_start3A_207 : memref<1x72xi32, #tpu.memory_space<vmem>> -> memref<72xi32, #tpu.memory_space<vmem>>
    %dma_start3A_209 = arith.constant 0 : i32
    %dma_start3A_210 = arith.constant 0 : i32
    %dma_start3A_211 = tpu.memref_slice %arg2[%dma_start3A_209, %dma_start3A_210] : memref<1000000x64xf32, #tpu.memory_space<hbm>> -> memref<1000000x64xf32, #tpu.memory_space<hbm>>
    tpu.enqueue_indirect_dma source(%dma_start3A_211 : memref<1000000x64xf32, #tpu.memory_space<hbm>>) target(%dma_start3A_205 : memref<72x64xf32, #tpu.memory_space<vmem>>) offsets(%dma_start3A_208 : memref<72xi32, #tpu.memory_space<vmem>>) semaphore(%arg8 : memref<!tpu.dma_semaphore, #tpu.memory_space<semaphore_mem>>)
    %dma_start3A_212 = arith.constant 5 : i32
    %dma_start3A_213 = arith.constant 1 : i32
    %dma_start3A_214 = arith.constant 1 : i32
    %dma_start3A_215 = arith.constant 0 : i32
    %dma_start3A_216 = arith.constant 0 : i32
    %dma_start3A_217 = arith.constant 0 : i32
    %dma_start3A_218 = tpu.memref_slice %arg6[%dma_start3A_213, %dma_start3A_215, %dma_start3A_216, %dma_start3A_217] : memref<2x4x200x64xf32, #tpu.memory_space<vmem>> -> memref<1x4x200x64xf32, #tpu.memory_space<vmem>>
    %dma_start3A_219 = tpu.memref_squeeze %dma_start3A_218 : memref<1x4x200x64xf32, #tpu.memory_space<vmem>> -> memref<4x200x64xf32, #tpu.memory_space<vmem>>
    %dma_start3A_220 = arith.constant 0 : i32
    %dma_start3A_221 = arith.constant 0 : i32
    %dma_start3A_222 = tpu.memref_slice %dma_start3A_219[%dma_start3A_214, %dma_start3A_220, %dma_start3A_221] : memref<4x200x64xf32, #tpu.memory_space<vmem>> -> memref<1x200x64xf32, #tpu.memory_space<vmem>>
    %dma_start3A_223 = tpu.memref_squeeze %dma_start3A_222 : memref<1x200x64xf32, #tpu.memory_space<vmem>> -> memref<200x64xf32, #tpu.memory_space<vmem>>
    %dma_start3A_224 = arith.constant 0 : i32
    %dma_start3A_225 = arith.constant 0 : i32
    %dma_start3A_226 = tpu.memref_slice %dma_start3A_223[%dma_start3A_224, %dma_start3A_225] : memref<200x64xf32, #tpu.memory_space<vmem>> -> memref<128x64xf32, #tpu.memory_space<vmem>>
    %dma_start3A_227 = arith.constant 0 : i32
    %dma_start3A_228 = tpu.memref_slice %arg5[%dma_start3A_212, %dma_start3A_227] : memref<128x200xi32, #tpu.memory_space<vmem>> -> memref<1x128xi32, #tpu.memory_space<vmem>>
    %dma_start3A_229 = tpu.memref_squeeze %dma_start3A_228 : memref<1x128xi32, #tpu.memory_space<vmem>> -> memref<128xi32, #tpu.memory_space<vmem>>
    %dma_start3A_230 = arith.constant 0 : i32
    %dma_start3A_231 = arith.constant 0 : i32
    %dma_start3A_232 = tpu.memref_slice %arg2[%dma_start3A_230, %dma_start3A_231] : memref<1000000x64xf32, #tpu.memory_space<hbm>> -> memref<1000000x64xf32, #tpu.memory_space<hbm>>
    tpu.enqueue_indirect_dma source(%dma_start3A_232 : memref<1000000x64xf32, #tpu.memory_space<hbm>>) target(%dma_start3A_226 : memref<128x64xf32, #tpu.memory_space<vmem>>) offsets(%dma_start3A_229 : memref<128xi32, #tpu.memory_space<vmem>>) semaphore(%arg8 : memref<!tpu.dma_semaphore, #tpu.memory_space<semaphore_mem>>)
    %dma_start3A_233 = arith.constant 5 : i32
    %dma_start3A_234 = arith.constant 1 : i32
    %dma_start3A_235 = arith.constant 1 : i32
    %dma_start3A_236 = arith.constant 0 : i32
    %dma_start3A_237 = arith.constant 0 : i32
    %dma_start3A_238 = arith.constant 0 : i32
    %dma_start3A_239 = tpu.memref_slice %arg6[%dma_start3A_234, %dma_start3A_236, %dma_start3A_237, %dma_start3A_238] : memref<2x4x200x64xf32, #tpu.memory_space<vmem>> -> memref<1x4x200x64xf32, #tpu.memory_space<vmem>>
    %dma_start3A_240 = tpu.memref_squeeze %dma_start3A_239 : memref<1x4x200x64xf32, #tpu.memory_space<vmem>> -> memref<4x200x64xf32, #tpu.memory_space<vmem>>
    %dma_start3A_241 = arith.constant 0 : i32
    %dma_start3A_242 = arith.constant 0 : i32
    %dma_start3A_243 = tpu.memref_slice %dma_start3A_240[%dma_start3A_235, %dma_start3A_241, %dma_start3A_242] : memref<4x200x64xf32, #tpu.memory_space<vmem>> -> memref<1x200x64xf32, #tpu.memory_space<vmem>>
    %dma_start3A_244 = tpu.memref_squeeze %dma_start3A_243 : memref<1x200x64xf32, #tpu.memory_space<vmem>> -> memref<200x64xf32, #tpu.memory_space<vmem>>
    %dma_start3A_245 = arith.constant 128 : i32
    %dma_start3A_246 = arith.constant 0 : i32
    %dma_start3A_247 = tpu.memref_slice %dma_start3A_244[%dma_start3A_245, %dma_start3A_246] : memref<200x64xf32, #tpu.memory_space<vmem>> -> memref<72x64xf32, #tpu.memory_space<vmem>>
    %dma_start3A_248 = arith.constant 128 : i32
    %dma_start3A_249 = tpu.memref_slice %arg5[%dma_start3A_233, %dma_start3A_248] : memref<128x200xi32, #tpu.memory_space<vmem>> -> memref<1x72xi32, #tpu.memory_space<vmem>>
    %dma_start3A_250 = tpu.memref_squeeze %dma_start3A_249 : memref<1x72xi32, #tpu.memory_space<vmem>> -> memref<72xi32, #tpu.memory_space<vmem>>
    %dma_start3A_251 = arith.constant 0 : i32
    %dma_start3A_252 = arith.constant 0 : i32
    %dma_start3A_253 = tpu.memref_slice %arg2[%dma_start3A_251, %dma_start3A_252] : memref<1000000x64xf32, #tpu.memory_space<hbm>> -> memref<1000000x64xf32, #tpu.memory_space<hbm>>
    tpu.enqueue_indirect_dma source(%dma_start3A_253 : memref<1000000x64xf32, #tpu.memory_space<hbm>>) target(%dma_start3A_247 : memref<72x64xf32, #tpu.memory_space<vmem>>) offsets(%dma_start3A_250 : memref<72xi32, #tpu.memory_space<vmem>>) semaphore(%arg8 : memref<!tpu.dma_semaphore, #tpu.memory_space<semaphore_mem>>)
    %dma_start3A_254 = arith.constant 6 : i32
    %dma_start3A_255 = arith.constant 1 : i32
    %dma_start3A_256 = arith.constant 2 : i32
    %dma_start3A_257 = arith.constant 0 : i32
    %dma_start3A_258 = arith.constant 0 : i32
    %dma_start3A_259 = arith.constant 0 : i32
    %dma_start3A_260 = tpu.memref_slice %arg6[%dma_start3A_255, %dma_start3A_257, %dma_start3A_258, %dma_start3A_259] : memref<2x4x200x64xf32, #tpu.memory_space<vmem>> -> memref<1x4x200x64xf32, #tpu.memory_space<vmem>>
    %dma_start3A_261 = tpu.memref_squeeze %dma_start3A_260 : memref<1x4x200x64xf32, #tpu.memory_space<vmem>> -> memref<4x200x64xf32, #tpu.memory_space<vmem>>
    %dma_start3A_262 = arith.constant 0 : i32
    %dma_start3A_263 = arith.constant 0 : i32
    %dma_start3A_264 = tpu.memref_slice %dma_start3A_261[%dma_start3A_256, %dma_start3A_262, %dma_start3A_263] : memref<4x200x64xf32, #tpu.memory_space<vmem>> -> memref<1x200x64xf32, #tpu.memory_space<vmem>>
    %dma_start3A_265 = tpu.memref_squeeze %dma_start3A_264 : memref<1x200x64xf32, #tpu.memory_space<vmem>> -> memref<200x64xf32, #tpu.memory_space<vmem>>
    %dma_start3A_266 = arith.constant 0 : i32
    %dma_start3A_267 = arith.constant 0 : i32
    %dma_start3A_268 = tpu.memref_slice %dma_start3A_265[%dma_start3A_266, %dma_start3A_267] : memref<200x64xf32, #tpu.memory_space<vmem>> -> memref<128x64xf32, #tpu.memory_space<vmem>>
    %dma_start3A_269 = arith.constant 0 : i32
    %dma_start3A_270 = tpu.memref_slice %arg5[%dma_start3A_254, %dma_start3A_269] : memref<128x200xi32, #tpu.memory_space<vmem>> -> memref<1x128xi32, #tpu.memory_space<vmem>>
    %dma_start3A_271 = tpu.memref_squeeze %dma_start3A_270 : memref<1x128xi32, #tpu.memory_space<vmem>> -> memref<128xi32, #tpu.memory_space<vmem>>
    %dma_start3A_272 = arith.constant 0 : i32
    %dma_start3A_273 = arith.constant 0 : i32
    %dma_start3A_274 = tpu.memref_slice %arg2[%dma_start3A_272, %dma_start3A_273] : memref<1000000x64xf32, #tpu.memory_space<hbm>> -> memref<1000000x64xf32, #tpu.memory_space<hbm>>
    tpu.enqueue_indirect_dma source(%dma_start3A_274 : memref<1000000x64xf32, #tpu.memory_space<hbm>>) target(%dma_start3A_268 : memref<128x64xf32, #tpu.memory_space<vmem>>) offsets(%dma_start3A_271 : memref<128xi32, #tpu.memory_space<vmem>>) semaphore(%arg8 : memref<!tpu.dma_semaphore, #tpu.memory_space<semaphore_mem>>)
    %dma_start3A_275 = arith.constant 6 : i32
    %dma_start3A_276 = arith.constant 1 : i32
    %dma_start3A_277 = arith.constant 2 : i32
    %dma_start3A_278 = arith.constant 0 : i32
    %dma_start3A_279 = arith.constant 0 : i32
    %dma_start3A_280 = arith.constant 0 : i32
    %dma_start3A_281 = tpu.memref_slice %arg6[%dma_start3A_276, %dma_start3A_278, %dma_start3A_279, %dma_start3A_280] : memref<2x4x200x64xf32, #tpu.memory_space<vmem>> -> memref<1x4x200x64xf32, #tpu.memory_space<vmem>>
    %dma_start3A_282 = tpu.memref_squeeze %dma_start3A_281 : memref<1x4x200x64xf32, #tpu.memory_space<vmem>> -> memref<4x200x64xf32, #tpu.memory_space<vmem>>
    %dma_start3A_283 = arith.constant 0 : i32
    %dma_start3A_284 = arith.constant 0 : i32
    %dma_start3A_285 = tpu.memref_slice %dma_start3A_282[%dma_start3A_277, %dma_start3A_283, %dma_start3A_284] : memref<4x200x64xf32, #tpu.memory_space<vmem>> -> memref<1x200x64xf32, #tpu.memory_space<vmem>>
    %dma_start3A_286 = tpu.memref_squeeze %dma_start3A_285 : memref<1x200x64xf32, #tpu.memory_space<vmem>> -> memref<200x64xf32, #tpu.memory_space<vmem>>
    %dma_start3A_287 = arith.constant 128 : i32
    %dma_start3A_288 = arith.constant 0 : i32
    %dma_start3A_289 = tpu.memref_slice %dma_start3A_286[%dma_start3A_287, %dma_start3A_288] : memref<200x64xf32, #tpu.memory_space<vmem>> -> memref<72x64xf32, #tpu.memory_space<vmem>>
    %dma_start3A_290 = arith.constant 128 : i32
    %dma_start3A_291 = tpu.memref_slice %arg5[%dma_start3A_275, %dma_start3A_290] : memref<128x200xi32, #tpu.memory_space<vmem>> -> memref<1x72xi32, #tpu.memory_space<vmem>>
    %dma_start3A_292 = tpu.memref_squeeze %dma_start3A_291 : memref<1x72xi32, #tpu.memory_space<vmem>> -> memref<72xi32, #tpu.memory_space<vmem>>
    %dma_start3A_293 = arith.constant 0 : i32
    %dma_start3A_294 = arith.constant 0 : i32
    %dma_start3A_295 = tpu.memref_slice %arg2[%dma_start3A_293, %dma_start3A_294] : memref<1000000x64xf32, #tpu.memory_space<hbm>> -> memref<1000000x64xf32, #tpu.memory_space<hbm>>
    tpu.enqueue_indirect_dma source(%dma_start3A_295 : memref<1000000x64xf32, #tpu.memory_space<hbm>>) target(%dma_start3A_289 : memref<72x64xf32, #tpu.memory_space<vmem>>) offsets(%dma_start3A_292 : memref<72xi32, #tpu.memory_space<vmem>>) semaphore(%arg8 : memref<!tpu.dma_semaphore, #tpu.memory_space<semaphore_mem>>)
    %dma_start3A_296 = arith.constant 7 : i32
    %dma_start3A_297 = arith.constant 1 : i32
    %dma_start3A_298 = arith.constant 3 : i32
    %dma_start3A_299 = arith.constant 0 : i32
    %dma_start3A_300 = arith.constant 0 : i32
    %dma_start3A_301 = arith.constant 0 : i32
    %dma_start3A_302 = tpu.memref_slice %arg6[%dma_start3A_297, %dma_start3A_299, %dma_start3A_300, %dma_start3A_301] : memref<2x4x200x64xf32, #tpu.memory_space<vmem>> -> memref<1x4x200x64xf32, #tpu.memory_space<vmem>>
    %dma_start3A_303 = tpu.memref_squeeze %dma_start3A_302 : memref<1x4x200x64xf32, #tpu.memory_space<vmem>> -> memref<4x200x64xf32, #tpu.memory_space<vmem>>
    %dma_start3A_304 = arith.constant 0 : i32
    %dma_start3A_305 = arith.constant 0 : i32
    %dma_start3A_306 = tpu.memref_slice %dma_start3A_303[%dma_start3A_298, %dma_start3A_304, %dma_start3A_305] : memref<4x200x64xf32, #tpu.memory_space<vmem>> -> memref<1x200x64xf32, #tpu.memory_space<vmem>>
    %dma_start3A_307 = tpu.memref_squeeze %dma_start3A_306 : memref<1x200x64xf32, #tpu.memory_space<vmem>> -> memref<200x64xf32, #tpu.memory_space<vmem>>
    %dma_start3A_308 = arith.constant 0 : i32
    %dma_start3A_309 = arith.constant 0 : i32
    %dma_start3A_310 = tpu.memref_slice %dma_start3A_307[%dma_start3A_308, %dma_start3A_309] : memref<200x64xf32, #tpu.memory_space<vmem>> -> memref<128x64xf32, #tpu.memory_space<vmem>>
    %dma_start3A_311 = arith.constant 0 : i32
    %dma_start3A_312 = tpu.memref_slice %arg5[%dma_start3A_296, %dma_start3A_311] : memref<128x200xi32, #tpu.memory_space<vmem>> -> memref<1x128xi32, #tpu.memory_space<vmem>>
    %dma_start3A_313 = tpu.memref_squeeze %dma_start3A_312 : memref<1x128xi32, #tpu.memory_space<vmem>> -> memref<128xi32, #tpu.memory_space<vmem>>
    %dma_start3A_314 = arith.constant 0 : i32
    %dma_start3A_315 = arith.constant 0 : i32
    %dma_start3A_316 = tpu.memref_slice %arg2[%dma_start3A_314, %dma_start3A_315] : memref<1000000x64xf32, #tpu.memory_space<hbm>> -> memref<1000000x64xf32, #tpu.memory_space<hbm>>
    tpu.enqueue_indirect_dma source(%dma_start3A_316 : memref<1000000x64xf32, #tpu.memory_space<hbm>>) target(%dma_start3A_310 : memref<128x64xf32, #tpu.memory_space<vmem>>) offsets(%dma_start3A_313 : memref<128xi32, #tpu.memory_space<vmem>>) semaphore(%arg8 : memref<!tpu.dma_semaphore, #tpu.memory_space<semaphore_mem>>)
    %dma_start3A_317 = arith.constant 7 : i32
    %dma_start3A_318 = arith.constant 1 : i32
    %dma_start3A_319 = arith.constant 3 : i32
    %dma_start3A_320 = arith.constant 0 : i32
    %dma_start3A_321 = arith.constant 0 : i32
    %dma_start3A_322 = arith.constant 0 : i32
    %dma_start3A_323 = tpu.memref_slice %arg6[%dma_start3A_318, %dma_start3A_320, %dma_start3A_321, %dma_start3A_322] : memref<2x4x200x64xf32, #tpu.memory_space<vmem>> -> memref<1x4x200x64xf32, #tpu.memory_space<vmem>>
    %dma_start3A_324 = tpu.memref_squeeze %dma_start3A_323 : memref<1x4x200x64xf32, #tpu.memory_space<vmem>> -> memref<4x200x64xf32, #tpu.memory_space<vmem>>
    %dma_start3A_325 = arith.constant 0 : i32
    %dma_start3A_326 = arith.constant 0 : i32
    %dma_start3A_327 = tpu.memref_slice %dma_start3A_324[%dma_start3A_319, %dma_start3A_325, %dma_start3A_326] : memref<4x200x64xf32, #tpu.memory_space<vmem>> -> memref<1x200x64xf32, #tpu.memory_space<vmem>>
    %dma_start3A_328 = tpu.memref_squeeze %dma_start3A_327 : memref<1x200x64xf32, #tpu.memory_space<vmem>> -> memref<200x64xf32, #tpu.memory_space<vmem>>
    %dma_start3A_329 = arith.constant 128 : i32
    %dma_start3A_330 = arith.constant 0 : i32
    %dma_start3A_331 = tpu.memref_slice %dma_start3A_328[%dma_start3A_329, %dma_start3A_330] : memref<200x64xf32, #tpu.memory_space<vmem>> -> memref<72x64xf32, #tpu.memory_space<vmem>>
    %dma_start3A_332 = arith.constant 128 : i32
    %dma_start3A_333 = tpu.memref_slice %arg5[%dma_start3A_317, %dma_start3A_332] : memref<128x200xi32, #tpu.memory_space<vmem>> -> memref<1x72xi32, #tpu.memory_space<vmem>>
    %dma_start3A_334 = tpu.memref_squeeze %dma_start3A_333 : memref<1x72xi32, #tpu.memory_space<vmem>> -> memref<72xi32, #tpu.memory_space<vmem>>
    %dma_start3A_335 = arith.constant 0 : i32
    %dma_start3A_336 = arith.constant 0 : i32
    %dma_start3A_337 = tpu.memref_slice %arg2[%dma_start3A_335, %dma_start3A_336] : memref<1000000x64xf32, #tpu.memory_space<hbm>> -> memref<1000000x64xf32, #tpu.memory_space<hbm>>
    tpu.enqueue_indirect_dma source(%dma_start3A_337 : memref<1000000x64xf32, #tpu.memory_space<hbm>>) target(%dma_start3A_331 : memref<72x64xf32, #tpu.memory_space<vmem>>) offsets(%dma_start3A_334 : memref<72xi32, #tpu.memory_space<vmem>>) semaphore(%arg8 : memref<!tpu.dma_semaphore, #tpu.memory_space<semaphore_mem>>)
    %scan3A = arith.constant 0 : i32
    %scan3A_338 = arith.constant 0 : i32
    %scan3A_339 = arith.constant 15 : i32
    %scan3A_340 = arith.addi %scan3A_338, %scan3A_339 : i32
    %scan3A_341 = arith.constant 1 : i32
    scf.for %scan3A_754 = %scan3A_338 to %scan3A_340 step %scan3A_341  : i32 {
      %mul3A_755 = arith.constant 2 : i32
      %mul3A_756 = arith.muli %scan3A_754, %mul3A_755 : i32
      %add3A_757 = arith.constant 0 : i32
      %add3A_758 = arith.addi %mul3A_756, %add3A_757 : i32
      %mul3A_759 = arith.constant 4 : i32
      %mul3A_760 = arith.muli %add3A_758, %mul3A_759 : i32
      %add3A_761 = arith.constant 0 : i32
      %add3A_762 = arith.addi %mul3A_760, %add3A_761 : i32
      %dma_wait3A_763 = arith.constant 0 : i32
      %dma_wait3A_764 = arith.constant 0 : i32
      %dma_wait3A_765 = arith.constant 0 : i32
      %dma_wait3A_766 = arith.constant 0 : i32
      %dma_wait3A_767 = arith.constant 0 : i32
      %dma_wait3A_768 = tpu.memref_slice %arg6[%dma_wait3A_763, %dma_wait3A_765, %dma_wait3A_766, %dma_wait3A_767] : memref<2x4x200x64xf32, #tpu.memory_space<vmem>> -> memref<1x4x200x64xf32, #tpu.memory_space<vmem>>
      %dma_wait3A_769 = tpu.memref_squeeze %dma_wait3A_768 : memref<1x4x200x64xf32, #tpu.memory_space<vmem>> -> memref<4x200x64xf32, #tpu.memory_space<vmem>>
      %dma_wait3A_770 = arith.constant 0 : i32
      %dma_wait3A_771 = arith.constant 0 : i32
      %dma_wait3A_772 = tpu.memref_slice %dma_wait3A_769[%dma_wait3A_764, %dma_wait3A_770, %dma_wait3A_771] : memref<4x200x64xf32, #tpu.memory_space<vmem>> -> memref<1x200x64xf32, #tpu.memory_space<vmem>>
      %dma_wait3A_773 = tpu.memref_squeeze %dma_wait3A_772 : memref<1x200x64xf32, #tpu.memory_space<vmem>> -> memref<200x64xf32, #tpu.memory_space<vmem>>
      %dma_wait3A_774 = arith.constant 0 : i32
      %dma_wait3A_775 = arith.constant 0 : i32
      %dma_wait3A_776 = tpu.memref_slice %dma_wait3A_773[%dma_wait3A_774, %dma_wait3A_775] : memref<200x64xf32, #tpu.memory_space<vmem>> -> memref<128x64xf32, #tpu.memory_space<vmem>>
      %dma_wait3A_777 = arith.constant 0 : i32
      %dma_wait3A_778 = tpu.memref_slice %arg5[%add3A_762, %dma_wait3A_777] : memref<128x200xi32, #tpu.memory_space<vmem>> -> memref<1x128xi32, #tpu.memory_space<vmem>>
      %dma_wait3A_779 = tpu.memref_squeeze %dma_wait3A_778 : memref<1x128xi32, #tpu.memory_space<vmem>> -> memref<128xi32, #tpu.memory_space<vmem>>
      %dma_wait3A_780 = arith.constant 0 : i32
      %dma_wait3A_781 = arith.constant 0 : i32
      %dma_wait3A_782 = tpu.memref_slice %arg2[%dma_wait3A_780, %dma_wait3A_781] : memref<1000000x64xf32, #tpu.memory_space<hbm>> -> memref<1000000x64xf32, #tpu.memory_space<hbm>>
      tpu.wait_indirect_dma semaphore(%arg7 : memref<!tpu.dma_semaphore, #tpu.memory_space<semaphore_mem>>) src(%dma_wait3A_782 : memref<1000000x64xf32, #tpu.memory_space<hbm>>) dst(%dma_wait3A_776 : memref<128x64xf32, #tpu.memory_space<vmem>>)
      %mul3A_783 = arith.constant 4 : i32
      %mul3A_784 = arith.muli %add3A_758, %mul3A_783 : i32
      %add3A_785 = arith.constant 0 : i32
      %add3A_786 = arith.addi %mul3A_784, %add3A_785 : i32
      %dma_wait3A_787 = arith.constant 0 : i32
      %dma_wait3A_788 = arith.constant 0 : i32
      %dma_wait3A_789 = arith.constant 0 : i32
      %dma_wait3A_790 = arith.constant 0 : i32
      %dma_wait3A_791 = arith.constant 0 : i32
      %dma_wait3A_792 = tpu.memref_slice %arg6[%dma_wait3A_787, %dma_wait3A_789, %dma_wait3A_790, %dma_wait3A_791] : memref<2x4x200x64xf32, #tpu.memory_space<vmem>> -> memref<1x4x200x64xf32, #tpu.memory_space<vmem>>
      %dma_wait3A_793 = tpu.memref_squeeze %dma_wait3A_792 : memref<1x4x200x64xf32, #tpu.memory_space<vmem>> -> memref<4x200x64xf32, #tpu.memory_space<vmem>>
      %dma_wait3A_794 = arith.constant 0 : i32
      %dma_wait3A_795 = arith.constant 0 : i32
      %dma_wait3A_796 = tpu.memref_slice %dma_wait3A_793[%dma_wait3A_788, %dma_wait3A_794, %dma_wait3A_795] : memref<4x200x64xf32, #tpu.memory_space<vmem>> -> memref<1x200x64xf32, #tpu.memory_space<vmem>>
      %dma_wait3A_797 = tpu.memref_squeeze %dma_wait3A_796 : memref<1x200x64xf32, #tpu.memory_space<vmem>> -> memref<200x64xf32, #tpu.memory_space<vmem>>
      %dma_wait3A_798 = arith.constant 128 : i32
      %dma_wait3A_799 = arith.constant 0 : i32
      %dma_wait3A_800 = tpu.memref_slice %dma_wait3A_797[%dma_wait3A_798, %dma_wait3A_799] : memref<200x64xf32, #tpu.memory_space<vmem>> -> memref<72x64xf32, #tpu.memory_space<vmem>>
      %dma_wait3A_801 = arith.constant 128 : i32
      %dma_wait3A_802 = tpu.memref_slice %arg5[%add3A_786, %dma_wait3A_801] : memref<128x200xi32, #tpu.memory_space<vmem>> -> memref<1x72xi32, #tpu.memory_space<vmem>>
      %dma_wait3A_803 = tpu.memref_squeeze %dma_wait3A_802 : memref<1x72xi32, #tpu.memory_space<vmem>> -> memref<72xi32, #tpu.memory_space<vmem>>
      %dma_wait3A_804 = arith.constant 0 : i32
      %dma_wait3A_805 = arith.constant 0 : i32
      %dma_wait3A_806 = tpu.memref_slice %arg2[%dma_wait3A_804, %dma_wait3A_805] : memref<1000000x64xf32, #tpu.memory_space<hbm>> -> memref<1000000x64xf32, #tpu.memory_space<hbm>>
      tpu.wait_indirect_dma semaphore(%arg7 : memref<!tpu.dma_semaphore, #tpu.memory_space<semaphore_mem>>) src(%dma_wait3A_806 : memref<1000000x64xf32, #tpu.memory_space<hbm>>) dst(%dma_wait3A_800 : memref<72x64xf32, #tpu.memory_space<vmem>>)
      %mul3A_807 = arith.constant 4 : i32
      %mul3A_808 = arith.muli %add3A_758, %mul3A_807 : i32
      %add3A_809 = arith.constant 1 : i32
      %add3A_810 = arith.addi %mul3A_808, %add3A_809 : i32
      %dma_wait3A_811 = arith.constant 0 : i32
      %dma_wait3A_812 = arith.constant 1 : i32
      %dma_wait3A_813 = arith.constant 0 : i32
      %dma_wait3A_814 = arith.constant 0 : i32
      %dma_wait3A_815 = arith.constant 0 : i32
      %dma_wait3A_816 = tpu.memref_slice %arg6[%dma_wait3A_811, %dma_wait3A_813, %dma_wait3A_814, %dma_wait3A_815] : memref<2x4x200x64xf32, #tpu.memory_space<vmem>> -> memref<1x4x200x64xf32, #tpu.memory_space<vmem>>
      %dma_wait3A_817 = tpu.memref_squeeze %dma_wait3A_816 : memref<1x4x200x64xf32, #tpu.memory_space<vmem>> -> memref<4x200x64xf32, #tpu.memory_space<vmem>>
      %dma_wait3A_818 = arith.constant 0 : i32
      %dma_wait3A_819 = arith.constant 0 : i32
      %dma_wait3A_820 = tpu.memref_slice %dma_wait3A_817[%dma_wait3A_812, %dma_wait3A_818, %dma_wait3A_819] : memref<4x200x64xf32, #tpu.memory_space<vmem>> -> memref<1x200x64xf32, #tpu.memory_space<vmem>>
      %dma_wait3A_821 = tpu.memref_squeeze %dma_wait3A_820 : memref<1x200x64xf32, #tpu.memory_space<vmem>> -> memref<200x64xf32, #tpu.memory_space<vmem>>
      %dma_wait3A_822 = arith.constant 0 : i32
      %dma_wait3A_823 = arith.constant 0 : i32
      %dma_wait3A_824 = tpu.memref_slice %dma_wait3A_821[%dma_wait3A_822, %dma_wait3A_823] : memref<200x64xf32, #tpu.memory_space<vmem>> -> memref<128x64xf32, #tpu.memory_space<vmem>>
      %dma_wait3A_825 = arith.constant 0 : i32
      %dma_wait3A_826 = tpu.memref_slice %arg5[%add3A_810, %dma_wait3A_825] : memref<128x200xi32, #tpu.memory_space<vmem>> -> memref<1x128xi32, #tpu.memory_space<vmem>>
      %dma_wait3A_827 = tpu.memref_squeeze %dma_wait3A_826 : memref<1x128xi32, #tpu.memory_space<vmem>> -> memref<128xi32, #tpu.memory_space<vmem>>
      %dma_wait3A_828 = arith.constant 0 : i32
      %dma_wait3A_829 = arith.constant 0 : i32
      %dma_wait3A_830 = tpu.memref_slice %arg2[%dma_wait3A_828, %dma_wait3A_829] : memref<1000000x64xf32, #tpu.memory_space<hbm>> -> memref<1000000x64xf32, #tpu.memory_space<hbm>>
      tpu.wait_indirect_dma semaphore(%arg7 : memref<!tpu.dma_semaphore, #tpu.memory_space<semaphore_mem>>) src(%dma_wait3A_830 : memref<1000000x64xf32, #tpu.memory_space<hbm>>) dst(%dma_wait3A_824 : memref<128x64xf32, #tpu.memory_space<vmem>>)
      %mul3A_831 = arith.constant 4 : i32
      %mul3A_832 = arith.muli %add3A_758, %mul3A_831 : i32
      %add3A_833 = arith.constant 1 : i32
      %add3A_834 = arith.addi %mul3A_832, %add3A_833 : i32
      %dma_wait3A_835 = arith.constant 0 : i32
      %dma_wait3A_836 = arith.constant 1 : i32
      %dma_wait3A_837 = arith.constant 0 : i32
      %dma_wait3A_838 = arith.constant 0 : i32
      %dma_wait3A_839 = arith.constant 0 : i32
      %dma_wait3A_840 = tpu.memref_slice %arg6[%dma_wait3A_835, %dma_wait3A_837, %dma_wait3A_838, %dma_wait3A_839] : memref<2x4x200x64xf32, #tpu.memory_space<vmem>> -> memref<1x4x200x64xf32, #tpu.memory_space<vmem>>
      %dma_wait3A_841 = tpu.memref_squeeze %dma_wait3A_840 : memref<1x4x200x64xf32, #tpu.memory_space<vmem>> -> memref<4x200x64xf32, #tpu.memory_space<vmem>>
      %dma_wait3A_842 = arith.constant 0 : i32
      %dma_wait3A_843 = arith.constant 0 : i32
      %dma_wait3A_844 = tpu.memref_slice %dma_wait3A_841[%dma_wait3A_836, %dma_wait3A_842, %dma_wait3A_843] : memref<4x200x64xf32, #tpu.memory_space<vmem>> -> memref<1x200x64xf32, #tpu.memory_space<vmem>>
      %dma_wait3A_845 = tpu.memref_squeeze %dma_wait3A_844 : memref<1x200x64xf32, #tpu.memory_space<vmem>> -> memref<200x64xf32, #tpu.memory_space<vmem>>
      %dma_wait3A_846 = arith.constant 128 : i32
      %dma_wait3A_847 = arith.constant 0 : i32
      %dma_wait3A_848 = tpu.memref_slice %dma_wait3A_845[%dma_wait3A_846, %dma_wait3A_847] : memref<200x64xf32, #tpu.memory_space<vmem>> -> memref<72x64xf32, #tpu.memory_space<vmem>>
      %dma_wait3A_849 = arith.constant 128 : i32
      %dma_wait3A_850 = tpu.memref_slice %arg5[%add3A_834, %dma_wait3A_849] : memref<128x200xi32, #tpu.memory_space<vmem>> -> memref<1x72xi32, #tpu.memory_space<vmem>>
      %dma_wait3A_851 = tpu.memref_squeeze %dma_wait3A_850 : memref<1x72xi32, #tpu.memory_space<vmem>> -> memref<72xi32, #tpu.memory_space<vmem>>
      %dma_wait3A_852 = arith.constant 0 : i32
      %dma_wait3A_853 = arith.constant 0 : i32
      %dma_wait3A_854 = tpu.memref_slice %arg2[%dma_wait3A_852, %dma_wait3A_853] : memref<1000000x64xf32, #tpu.memory_space<hbm>> -> memref<1000000x64xf32, #tpu.memory_space<hbm>>
      tpu.wait_indirect_dma semaphore(%arg7 : memref<!tpu.dma_semaphore, #tpu.memory_space<semaphore_mem>>) src(%dma_wait3A_854 : memref<1000000x64xf32, #tpu.memory_space<hbm>>) dst(%dma_wait3A_848 : memref<72x64xf32, #tpu.memory_space<vmem>>)
      %mul3A_855 = arith.constant 4 : i32
      %mul3A_856 = arith.muli %add3A_758, %mul3A_855 : i32
      %add3A_857 = arith.constant 2 : i32
      %add3A_858 = arith.addi %mul3A_856, %add3A_857 : i32
      %dma_wait3A_859 = arith.constant 0 : i32
      %dma_wait3A_860 = arith.constant 2 : i32
      %dma_wait3A_861 = arith.constant 0 : i32
      %dma_wait3A_862 = arith.constant 0 : i32
      %dma_wait3A_863 = arith.constant 0 : i32
      %dma_wait3A_864 = tpu.memref_slice %arg6[%dma_wait3A_859, %dma_wait3A_861, %dma_wait3A_862, %dma_wait3A_863] : memref<2x4x200x64xf32, #tpu.memory_space<vmem>> -> memref<1x4x200x64xf32, #tpu.memory_space<vmem>>
      %dma_wait3A_865 = tpu.memref_squeeze %dma_wait3A_864 : memref<1x4x200x64xf32, #tpu.memory_space<vmem>> -> memref<4x200x64xf32, #tpu.memory_space<vmem>>
      %dma_wait3A_866 = arith.constant 0 : i32
      %dma_wait3A_867 = arith.constant 0 : i32
      %dma_wait3A_868 = tpu.memref_slice %dma_wait3A_865[%dma_wait3A_860, %dma_wait3A_866, %dma_wait3A_867] : memref<4x200x64xf32, #tpu.memory_space<vmem>> -> memref<1x200x64xf32, #tpu.memory_space<vmem>>
      %dma_wait3A_869 = tpu.memref_squeeze %dma_wait3A_868 : memref<1x200x64xf32, #tpu.memory_space<vmem>> -> memref<200x64xf32, #tpu.memory_space<vmem>>
      %dma_wait3A_870 = arith.constant 0 : i32
      %dma_wait3A_871 = arith.constant 0 : i32
      %dma_wait3A_872 = tpu.memref_slice %dma_wait3A_869[%dma_wait3A_870, %dma_wait3A_871] : memref<200x64xf32, #tpu.memory_space<vmem>> -> memref<128x64xf32, #tpu.memory_space<vmem>>
      %dma_wait3A_873 = arith.constant 0 : i32
      %dma_wait3A_874 = tpu.memref_slice %arg5[%add3A_858, %dma_wait3A_873] : memref<128x200xi32, #tpu.memory_space<vmem>> -> memref<1x128xi32, #tpu.memory_space<vmem>>
      %dma_wait3A_875 = tpu.memref_squeeze %dma_wait3A_874 : memref<1x128xi32, #tpu.memory_space<vmem>> -> memref<128xi32, #tpu.memory_space<vmem>>
      %dma_wait3A_876 = arith.constant 0 : i32
      %dma_wait3A_877 = arith.constant 0 : i32
      %dma_wait3A_878 = tpu.memref_slice %arg2[%dma_wait3A_876, %dma_wait3A_877] : memref<1000000x64xf32, #tpu.memory_space<hbm>> -> memref<1000000x64xf32, #tpu.memory_space<hbm>>
      tpu.wait_indirect_dma semaphore(%arg7 : memref<!tpu.dma_semaphore, #tpu.memory_space<semaphore_mem>>) src(%dma_wait3A_878 : memref<1000000x64xf32, #tpu.memory_space<hbm>>) dst(%dma_wait3A_872 : memref<128x64xf32, #tpu.memory_space<vmem>>)
      %mul3A_879 = arith.constant 4 : i32
      %mul3A_880 = arith.muli %add3A_758, %mul3A_879 : i32
      %add3A_881 = arith.constant 2 : i32
      %add3A_882 = arith.addi %mul3A_880, %add3A_881 : i32
      %dma_wait3A_883 = arith.constant 0 : i32
      %dma_wait3A_884 = arith.constant 2 : i32
      %dma_wait3A_885 = arith.constant 0 : i32
      %dma_wait3A_886 = arith.constant 0 : i32
      %dma_wait3A_887 = arith.constant 0 : i32
      %dma_wait3A_888 = tpu.memref_slice %arg6[%dma_wait3A_883, %dma_wait3A_885, %dma_wait3A_886, %dma_wait3A_887] : memref<2x4x200x64xf32, #tpu.memory_space<vmem>> -> memref<1x4x200x64xf32, #tpu.memory_space<vmem>>
      %dma_wait3A_889 = tpu.memref_squeeze %dma_wait3A_888 : memref<1x4x200x64xf32, #tpu.memory_space<vmem>> -> memref<4x200x64xf32, #tpu.memory_space<vmem>>
      %dma_wait3A_890 = arith.constant 0 : i32
      %dma_wait3A_891 = arith.constant 0 : i32
      %dma_wait3A_892 = tpu.memref_slice %dma_wait3A_889[%dma_wait3A_884, %dma_wait3A_890, %dma_wait3A_891] : memref<4x200x64xf32, #tpu.memory_space<vmem>> -> memref<1x200x64xf32, #tpu.memory_space<vmem>>
      %dma_wait3A_893 = tpu.memref_squeeze %dma_wait3A_892 : memref<1x200x64xf32, #tpu.memory_space<vmem>> -> memref<200x64xf32, #tpu.memory_space<vmem>>
      %dma_wait3A_894 = arith.constant 128 : i32
      %dma_wait3A_895 = arith.constant 0 : i32
      %dma_wait3A_896 = tpu.memref_slice %dma_wait3A_893[%dma_wait3A_894, %dma_wait3A_895] : memref<200x64xf32, #tpu.memory_space<vmem>> -> memref<72x64xf32, #tpu.memory_space<vmem>>
      %dma_wait3A_897 = arith.constant 128 : i32
      %dma_wait3A_898 = tpu.memref_slice %arg5[%add3A_882, %dma_wait3A_897] : memref<128x200xi32, #tpu.memory_space<vmem>> -> memref<1x72xi32, #tpu.memory_space<vmem>>
      %dma_wait3A_899 = tpu.memref_squeeze %dma_wait3A_898 : memref<1x72xi32, #tpu.memory_space<vmem>> -> memref<72xi32, #tpu.memory_space<vmem>>
      %dma_wait3A_900 = arith.constant 0 : i32
      %dma_wait3A_901 = arith.constant 0 : i32
      %dma_wait3A_902 = tpu.memref_slice %arg2[%dma_wait3A_900, %dma_wait3A_901] : memref<1000000x64xf32, #tpu.memory_space<hbm>> -> memref<1000000x64xf32, #tpu.memory_space<hbm>>
      tpu.wait_indirect_dma semaphore(%arg7 : memref<!tpu.dma_semaphore, #tpu.memory_space<semaphore_mem>>) src(%dma_wait3A_902 : memref<1000000x64xf32, #tpu.memory_space<hbm>>) dst(%dma_wait3A_896 : memref<72x64xf32, #tpu.memory_space<vmem>>)
      %mul3A_903 = arith.constant 4 : i32
      %mul3A_904 = arith.muli %add3A_758, %mul3A_903 : i32
      %add3A_905 = arith.constant 3 : i32
      %add3A_906 = arith.addi %mul3A_904, %add3A_905 : i32
      %dma_wait3A_907 = arith.constant 0 : i32
      %dma_wait3A_908 = arith.constant 3 : i32
      %dma_wait3A_909 = arith.constant 0 : i32
      %dma_wait3A_910 = arith.constant 0 : i32
      %dma_wait3A_911 = arith.constant 0 : i32
      %dma_wait3A_912 = tpu.memref_slice %arg6[%dma_wait3A_907, %dma_wait3A_909, %dma_wait3A_910, %dma_wait3A_911] : memref<2x4x200x64xf32, #tpu.memory_space<vmem>> -> memref<1x4x200x64xf32, #tpu.memory_space<vmem>>
      %dma_wait3A_913 = tpu.memref_squeeze %dma_wait3A_912 : memref<1x4x200x64xf32, #tpu.memory_space<vmem>> -> memref<4x200x64xf32, #tpu.memory_space<vmem>>
      %dma_wait3A_914 = arith.constant 0 : i32
      %dma_wait3A_915 = arith.constant 0 : i32
      %dma_wait3A_916 = tpu.memref_slice %dma_wait3A_913[%dma_wait3A_908, %dma_wait3A_914, %dma_wait3A_915] : memref<4x200x64xf32, #tpu.memory_space<vmem>> -> memref<1x200x64xf32, #tpu.memory_space<vmem>>
      %dma_wait3A_917 = tpu.memref_squeeze %dma_wait3A_916 : memref<1x200x64xf32, #tpu.memory_space<vmem>> -> memref<200x64xf32, #tpu.memory_space<vmem>>
      %dma_wait3A_918 = arith.constant 0 : i32
      %dma_wait3A_919 = arith.constant 0 : i32
      %dma_wait3A_920 = tpu.memref_slice %dma_wait3A_917[%dma_wait3A_918, %dma_wait3A_919] : memref<200x64xf32, #tpu.memory_space<vmem>> -> memref<128x64xf32, #tpu.memory_space<vmem>>
      %dma_wait3A_921 = arith.constant 0 : i32
      %dma_wait3A_922 = tpu.memref_slice %arg5[%add3A_906, %dma_wait3A_921] : memref<128x200xi32, #tpu.memory_space<vmem>> -> memref<1x128xi32, #tpu.memory_space<vmem>>
      %dma_wait3A_923 = tpu.memref_squeeze %dma_wait3A_922 : memref<1x128xi32, #tpu.memory_space<vmem>> -> memref<128xi32, #tpu.memory_space<vmem>>
      %dma_wait3A_924 = arith.constant 0 : i32
      %dma_wait3A_925 = arith.constant 0 : i32
      %dma_wait3A_926 = tpu.memref_slice %arg2[%dma_wait3A_924, %dma_wait3A_925] : memref<1000000x64xf32, #tpu.memory_space<hbm>> -> memref<1000000x64xf32, #tpu.memory_space<hbm>>
      tpu.wait_indirect_dma semaphore(%arg7 : memref<!tpu.dma_semaphore, #tpu.memory_space<semaphore_mem>>) src(%dma_wait3A_926 : memref<1000000x64xf32, #tpu.memory_space<hbm>>) dst(%dma_wait3A_920 : memref<128x64xf32, #tpu.memory_space<vmem>>)
      %mul3A_927 = arith.constant 4 : i32
      %mul3A_928 = arith.muli %add3A_758, %mul3A_927 : i32
      %add3A_929 = arith.constant 3 : i32
      %add3A_930 = arith.addi %mul3A_928, %add3A_929 : i32
      %dma_wait3A_931 = arith.constant 0 : i32
      %dma_wait3A_932 = arith.constant 3 : i32
      %dma_wait3A_933 = arith.constant 0 : i32
      %dma_wait3A_934 = arith.constant 0 : i32
      %dma_wait3A_935 = arith.constant 0 : i32
      %dma_wait3A_936 = tpu.memref_slice %arg6[%dma_wait3A_931, %dma_wait3A_933, %dma_wait3A_934, %dma_wait3A_935] : memref<2x4x200x64xf32, #tpu.memory_space<vmem>> -> memref<1x4x200x64xf32, #tpu.memory_space<vmem>>
      %dma_wait3A_937 = tpu.memref_squeeze %dma_wait3A_936 : memref<1x4x200x64xf32, #tpu.memory_space<vmem>> -> memref<4x200x64xf32, #tpu.memory_space<vmem>>
      %dma_wait3A_938 = arith.constant 0 : i32
      %dma_wait3A_939 = arith.constant 0 : i32
      %dma_wait3A_940 = tpu.memref_slice %dma_wait3A_937[%dma_wait3A_932, %dma_wait3A_938, %dma_wait3A_939] : memref<4x200x64xf32, #tpu.memory_space<vmem>> -> memref<1x200x64xf32, #tpu.memory_space<vmem>>
      %dma_wait3A_941 = tpu.memref_squeeze %dma_wait3A_940 : memref<1x200x64xf32, #tpu.memory_space<vmem>> -> memref<200x64xf32, #tpu.memory_space<vmem>>
      %dma_wait3A_942 = arith.constant 128 : i32
      %dma_wait3A_943 = arith.constant 0 : i32
      %dma_wait3A_944 = tpu.memref_slice %dma_wait3A_941[%dma_wait3A_942, %dma_wait3A_943] : memref<200x64xf32, #tpu.memory_space<vmem>> -> memref<72x64xf32, #tpu.memory_space<vmem>>
      %dma_wait3A_945 = arith.constant 128 : i32
      %dma_wait3A_946 = tpu.memref_slice %arg5[%add3A_930, %dma_wait3A_945] : memref<128x200xi32, #tpu.memory_space<vmem>> -> memref<1x72xi32, #tpu.memory_space<vmem>>
      %dma_wait3A_947 = tpu.memref_squeeze %dma_wait3A_946 : memref<1x72xi32, #tpu.memory_space<vmem>> -> memref<72xi32, #tpu.memory_space<vmem>>
      %dma_wait3A_948 = arith.constant 0 : i32
      %dma_wait3A_949 = arith.constant 0 : i32
      %dma_wait3A_950 = tpu.memref_slice %arg2[%dma_wait3A_948, %dma_wait3A_949] : memref<1000000x64xf32, #tpu.memory_space<hbm>> -> memref<1000000x64xf32, #tpu.memory_space<hbm>>
      tpu.wait_indirect_dma semaphore(%arg7 : memref<!tpu.dma_semaphore, #tpu.memory_space<semaphore_mem>>) src(%dma_wait3A_950 : memref<1000000x64xf32, #tpu.memory_space<hbm>>) dst(%dma_wait3A_944 : memref<72x64xf32, #tpu.memory_space<vmem>>)
      %mul3A_951 = arith.constant 4 : i32
      %mul3A_952 = arith.muli %add3A_758, %mul3A_951 : i32
      %add3A_953 = arith.addi %mul3A_2, %mul3A_952 : i32
      %dma_start3A_954 = arith.constant 0 : i32
      %dma_start3A_955 = arith.constant 0 : i32
      %dma_start3A_956 = arith.constant 0 : i32
      %dma_start3A_957 = arith.constant 0 : i32
      %dma_start3A_958 = tpu.memref_slice %arg6[%dma_start3A_954, %dma_start3A_955, %dma_start3A_956, %dma_start3A_957] : memref<2x4x200x64xf32, #tpu.memory_space<vmem>> -> memref<1x4x200x64xf32, #tpu.memory_space<vmem>>
      %dma_start3A_959 = tpu.memref_squeeze %dma_start3A_958 : memref<1x4x200x64xf32, #tpu.memory_space<vmem>> -> memref<4x200x64xf32, #tpu.memory_space<vmem>>
      %dma_start3A_960 = arith.constant 0 : i32
      %dma_start3A_961 = arith.constant 0 : i32
      %dma_start3A_962 = tpu.memref_slice %arg4[%add3A_953, %dma_start3A_960, %dma_start3A_961] : memref<4096x200x64xf32, #tpu.memory_space<hbm>> -> memref<4x200x64xf32, #tpu.memory_space<hbm>>
      %dma_start3A_963 = arith.constant 0 : i32
      %dma_start3A_964 = arith.constant 0 : i32
      %dma_start3A_965 = tpu.memref_slice %arg4[%add3A_953, %dma_start3A_963, %dma_start3A_964] : memref<4096x200x64xf32, #tpu.memory_space<hbm>> -> memref<4x200x64xf32, #tpu.memory_space<hbm>>
      %dma_start3A_966 = arith.constant 0 : i32
      %dma_start3A_967 = arith.constant 0 : i32
      %dma_start3A_968 = arith.constant 0 : i32
      %dma_start3A_969 = tpu.memref_slice %arg6[%dma_start3A_954, %dma_start3A_966, %dma_start3A_967, %dma_start3A_968] : memref<2x4x200x64xf32, #tpu.memory_space<vmem>> -> memref<1x4x200x64xf32, #tpu.memory_space<vmem>>
      %dma_start3A_970 = tpu.memref_squeeze %dma_start3A_969 : memref<1x4x200x64xf32, #tpu.memory_space<vmem>> -> memref<4x200x64xf32, #tpu.memory_space<vmem>>
      tpu.enqueue_dma source(%dma_start3A_970 : memref<4x200x64xf32, #tpu.memory_space<vmem>>) target(%dma_start3A_965 : memref<4x200x64xf32, #tpu.memory_space<hbm>>) target_semaphore(%arg9 : memref<!tpu.dma_semaphore, #tpu.memory_space<semaphore_mem>>)
      %mul3A_971 = arith.constant 4 : i32
      %mul3A_972 = arith.muli %add3A_758, %mul3A_971 : i32
      %add3A_973 = arith.addi %mul3A_2, %mul3A_972 : i32
      %dma_wait3A_974 = arith.constant 0 : i32
      %dma_wait3A_975 = arith.constant 0 : i32
      %dma_wait3A_976 = arith.constant 0 : i32
      %dma_wait3A_977 = arith.constant 0 : i32
      %dma_wait3A_978 = tpu.memref_slice %arg6[%dma_wait3A_974, %dma_wait3A_975, %dma_wait3A_976, %dma_wait3A_977] : memref<2x4x200x64xf32, #tpu.memory_space<vmem>> -> memref<1x4x200x64xf32, #tpu.memory_space<vmem>>
      %dma_wait3A_979 = tpu.memref_squeeze %dma_wait3A_978 : memref<1x4x200x64xf32, #tpu.memory_space<vmem>> -> memref<4x200x64xf32, #tpu.memory_space<vmem>>
      %dma_wait3A_980 = arith.constant 0 : i32
      %dma_wait3A_981 = arith.constant 0 : i32
      %dma_wait3A_982 = tpu.memref_slice %arg4[%add3A_973, %dma_wait3A_980, %dma_wait3A_981] : memref<4096x200x64xf32, #tpu.memory_space<hbm>> -> memref<4x200x64xf32, #tpu.memory_space<hbm>>
      %dma_wait3A_983 = arith.constant 0 : i32
      %dma_wait3A_984 = arith.constant 0 : i32
      %dma_wait3A_985 = tpu.memref_slice %arg4[%add3A_973, %dma_wait3A_983, %dma_wait3A_984] : memref<4096x200x64xf32, #tpu.memory_space<hbm>> -> memref<4x200x64xf32, #tpu.memory_space<hbm>>
      %dma_wait3A_986 = arith.constant 0 : i32
      %dma_wait3A_987 = arith.constant 0 : i32
      %dma_wait3A_988 = arith.constant 0 : i32
      %dma_wait3A_989 = tpu.memref_slice %arg6[%dma_wait3A_974, %dma_wait3A_986, %dma_wait3A_987, %dma_wait3A_988] : memref<2x4x200x64xf32, #tpu.memory_space<vmem>> -> memref<1x4x200x64xf32, #tpu.memory_space<vmem>>
      %dma_wait3A_990 = tpu.memref_squeeze %dma_wait3A_989 : memref<1x4x200x64xf32, #tpu.memory_space<vmem>> -> memref<4x200x64xf32, #tpu.memory_space<vmem>>
      tpu.wait_dma2 semaphore(%arg9 : memref<!tpu.dma_semaphore, #tpu.memory_space<semaphore_mem>>) src(%dma_wait3A_990 : memref<4x200x64xf32, #tpu.memory_space<vmem>>) dst(%dma_wait3A_985 : memref<4x200x64xf32, #tpu.memory_space<hbm>>)
      %add3A_991 = arith.constant 2 : i32
      %add3A_992 = arith.addi %add3A_758, %add3A_991 : i32
      %mul3A_993 = arith.constant 4 : i32
      %mul3A_994 = arith.muli %add3A_992, %mul3A_993 : i32
      %add3A_995 = arith.constant 0 : i32
      %add3A_996 = arith.addi %mul3A_994, %add3A_995 : i32
      %dma_start3A_997 = arith.constant 0 : i32
      %dma_start3A_998 = arith.constant 0 : i32
      %dma_start3A_999 = arith.constant 0 : i32
      %dma_start3A_1000 = arith.constant 0 : i32
      %dma_start3A_1001 = arith.constant 0 : i32
      %dma_start3A_1002 = tpu.memref_slice %arg6[%dma_start3A_997, %dma_start3A_999, %dma_start3A_1000, %dma_start3A_1001] : memref<2x4x200x64xf32, #tpu.memory_space<vmem>> -> memref<1x4x200x64xf32, #tpu.memory_space<vmem>>
      %dma_start3A_1003 = tpu.memref_squeeze %dma_start3A_1002 : memref<1x4x200x64xf32, #tpu.memory_space<vmem>> -> memref<4x200x64xf32, #tpu.memory_space<vmem>>
      %dma_start3A_1004 = arith.constant 0 : i32
      %dma_start3A_1005 = arith.constant 0 : i32
      %dma_start3A_1006 = tpu.memref_slice %dma_start3A_1003[%dma_start3A_998, %dma_start3A_1004, %dma_start3A_1005] : memref<4x200x64xf32, #tpu.memory_space<vmem>> -> memref<1x200x64xf32, #tpu.memory_space<vmem>>
      %dma_start3A_1007 = tpu.memref_squeeze %dma_start3A_1006 : memref<1x200x64xf32, #tpu.memory_space<vmem>> -> memref<200x64xf32, #tpu.memory_space<vmem>>
      %dma_start3A_1008 = arith.constant 0 : i32
      %dma_start3A_1009 = arith.constant 0 : i32
      %dma_start3A_1010 = tpu.memref_slice %dma_start3A_1007[%dma_start3A_1008, %dma_start3A_1009] : memref<200x64xf32, #tpu.memory_space<vmem>> -> memref<128x64xf32, #tpu.memory_space<vmem>>
      %dma_start3A_1011 = arith.constant 0 : i32
      %dma_start3A_1012 = tpu.memref_slice %arg5[%add3A_996, %dma_start3A_1011] : memref<128x200xi32, #tpu.memory_space<vmem>> -> memref<1x128xi32, #tpu.memory_space<vmem>>
      %dma_start3A_1013 = tpu.memref_squeeze %dma_start3A_1012 : memref<1x128xi32, #tpu.memory_space<vmem>> -> memref<128xi32, #tpu.memory_space<vmem>>
      %dma_start3A_1014 = arith.constant 0 : i32
      %dma_start3A_1015 = arith.constant 0 : i32
      %dma_start3A_1016 = tpu.memref_slice %arg2[%dma_start3A_1014, %dma_start3A_1015] : memref<1000000x64xf32, #tpu.memory_space<hbm>> -> memref<1000000x64xf32, #tpu.memory_space<hbm>>
      tpu.enqueue_indirect_dma source(%dma_start3A_1016 : memref<1000000x64xf32, #tpu.memory_space<hbm>>) target(%dma_start3A_1010 : memref<128x64xf32, #tpu.memory_space<vmem>>) offsets(%dma_start3A_1013 : memref<128xi32, #tpu.memory_space<vmem>>) semaphore(%arg7 : memref<!tpu.dma_semaphore, #tpu.memory_space<semaphore_mem>>)
      %mul3A_1017 = arith.constant 4 : i32
      %mul3A_1018 = arith.muli %add3A_992, %mul3A_1017 : i32
      %add3A_1019 = arith.constant 0 : i32
      %add3A_1020 = arith.addi %mul3A_1018, %add3A_1019 : i32
      %dma_start3A_1021 = arith.constant 0 : i32
      %dma_start3A_1022 = arith.constant 0 : i32
      %dma_start3A_1023 = arith.constant 0 : i32
      %dma_start3A_1024 = arith.constant 0 : i32
      %dma_start3A_1025 = arith.constant 0 : i32
      %dma_start3A_1026 = tpu.memref_slice %arg6[%dma_start3A_1021, %dma_start3A_1023, %dma_start3A_1024, %dma_start3A_1025] : memref<2x4x200x64xf32, #tpu.memory_space<vmem>> -> memref<1x4x200x64xf32, #tpu.memory_space<vmem>>
      %dma_start3A_1027 = tpu.memref_squeeze %dma_start3A_1026 : memref<1x4x200x64xf32, #tpu.memory_space<vmem>> -> memref<4x200x64xf32, #tpu.memory_space<vmem>>
      %dma_start3A_1028 = arith.constant 0 : i32
      %dma_start3A_1029 = arith.constant 0 : i32
      %dma_start3A_1030 = tpu.memref_slice %dma_start3A_1027[%dma_start3A_1022, %dma_start3A_1028, %dma_start3A_1029] : memref<4x200x64xf32, #tpu.memory_space<vmem>> -> memref<1x200x64xf32, #tpu.memory_space<vmem>>
      %dma_start3A_1031 = tpu.memref_squeeze %dma_start3A_1030 : memref<1x200x64xf32, #tpu.memory_space<vmem>> -> memref<200x64xf32, #tpu.memory_space<vmem>>
      %dma_start3A_1032 = arith.constant 128 : i32
      %dma_start3A_1033 = arith.constant 0 : i32
      %dma_start3A_1034 = tpu.memref_slice %dma_start3A_1031[%dma_start3A_1032, %dma_start3A_1033] : memref<200x64xf32, #tpu.memory_space<vmem>> -> memref<72x64xf32, #tpu.memory_space<vmem>>
      %dma_start3A_1035 = arith.constant 128 : i32
      %dma_start3A_1036 = tpu.memref_slice %arg5[%add3A_1020, %dma_start3A_1035] : memref<128x200xi32, #tpu.memory_space<vmem>> -> memref<1x72xi32, #tpu.memory_space<vmem>>
      %dma_start3A_1037 = tpu.memref_squeeze %dma_start3A_1036 : memref<1x72xi32, #tpu.memory_space<vmem>> -> memref<72xi32, #tpu.memory_space<vmem>>
      %dma_start3A_1038 = arith.constant 0 : i32
      %dma_start3A_1039 = arith.constant 0 : i32
      %dma_start3A_1040 = tpu.memref_slice %arg2[%dma_start3A_1038, %dma_start3A_1039] : memref<1000000x64xf32, #tpu.memory_space<hbm>> -> memref<1000000x64xf32, #tpu.memory_space<hbm>>
      tpu.enqueue_indirect_dma source(%dma_start3A_1040 : memref<1000000x64xf32, #tpu.memory_space<hbm>>) target(%dma_start3A_1034 : memref<72x64xf32, #tpu.memory_space<vmem>>) offsets(%dma_start3A_1037 : memref<72xi32, #tpu.memory_space<vmem>>) semaphore(%arg7 : memref<!tpu.dma_semaphore, #tpu.memory_space<semaphore_mem>>)
      %mul3A_1041 = arith.constant 4 : i32
      %mul3A_1042 = arith.muli %add3A_992, %mul3A_1041 : i32
      %add3A_1043 = arith.constant 1 : i32
      %add3A_1044 = arith.addi %mul3A_1042, %add3A_1043 : i32
      %dma_start3A_1045 = arith.constant 0 : i32
      %dma_start3A_1046 = arith.constant 1 : i32
      %dma_start3A_1047 = arith.constant 0 : i32
      %dma_start3A_1048 = arith.constant 0 : i32
      %dma_start3A_1049 = arith.constant 0 : i32
      %dma_start3A_1050 = tpu.memref_slice %arg6[%dma_start3A_1045, %dma_start3A_1047, %dma_start3A_1048, %dma_start3A_1049] : memref<2x4x200x64xf32, #tpu.memory_space<vmem>> -> memref<1x4x200x64xf32, #tpu.memory_space<vmem>>
      %dma_start3A_1051 = tpu.memref_squeeze %dma_start3A_1050 : memref<1x4x200x64xf32, #tpu.memory_space<vmem>> -> memref<4x200x64xf32, #tpu.memory_space<vmem>>
      %dma_start3A_1052 = arith.constant 0 : i32
      %dma_start3A_1053 = arith.constant 0 : i32
      %dma_start3A_1054 = tpu.memref_slice %dma_start3A_1051[%dma_start3A_1046, %dma_start3A_1052, %dma_start3A_1053] : memref<4x200x64xf32, #tpu.memory_space<vmem>> -> memref<1x200x64xf32, #tpu.memory_space<vmem>>
      %dma_start3A_1055 = tpu.memref_squeeze %dma_start3A_1054 : memref<1x200x64xf32, #tpu.memory_space<vmem>> -> memref<200x64xf32, #tpu.memory_space<vmem>>
      %dma_start3A_1056 = arith.constant 0 : i32
      %dma_start3A_1057 = arith.constant 0 : i32
      %dma_start3A_1058 = tpu.memref_slice %dma_start3A_1055[%dma_start3A_1056, %dma_start3A_1057] : memref<200x64xf32, #tpu.memory_space<vmem>> -> memref<128x64xf32, #tpu.memory_space<vmem>>
      %dma_start3A_1059 = arith.constant 0 : i32
      %dma_start3A_1060 = tpu.memref_slice %arg5[%add3A_1044, %dma_start3A_1059] : memref<128x200xi32, #tpu.memory_space<vmem>> -> memref<1x128xi32, #tpu.memory_space<vmem>>
      %dma_start3A_1061 = tpu.memref_squeeze %dma_start3A_1060 : memref<1x128xi32, #tpu.memory_space<vmem>> -> memref<128xi32, #tpu.memory_space<vmem>>
      %dma_start3A_1062 = arith.constant 0 : i32
      %dma_start3A_1063 = arith.constant 0 : i32
      %dma_start3A_1064 = tpu.memref_slice %arg2[%dma_start3A_1062, %dma_start3A_1063] : memref<1000000x64xf32, #tpu.memory_space<hbm>> -> memref<1000000x64xf32, #tpu.memory_space<hbm>>
      tpu.enqueue_indirect_dma source(%dma_start3A_1064 : memref<1000000x64xf32, #tpu.memory_space<hbm>>) target(%dma_start3A_1058 : memref<128x64xf32, #tpu.memory_space<vmem>>) offsets(%dma_start3A_1061 : memref<128xi32, #tpu.memory_space<vmem>>) semaphore(%arg7 : memref<!tpu.dma_semaphore, #tpu.memory_space<semaphore_mem>>)
      %mul3A_1065 = arith.constant 4 : i32
      %mul3A_1066 = arith.muli %add3A_992, %mul3A_1065 : i32
      %add3A_1067 = arith.constant 1 : i32
      %add3A_1068 = arith.addi %mul3A_1066, %add3A_1067 : i32
      %dma_start3A_1069 = arith.constant 0 : i32
      %dma_start3A_1070 = arith.constant 1 : i32
      %dma_start3A_1071 = arith.constant 0 : i32
      %dma_start3A_1072 = arith.constant 0 : i32
      %dma_start3A_1073 = arith.constant 0 : i32
      %dma_start3A_1074 = tpu.memref_slice %arg6[%dma_start3A_1069, %dma_start3A_1071, %dma_start3A_1072, %dma_start3A_1073] : memref<2x4x200x64xf32, #tpu.memory_space<vmem>> -> memref<1x4x200x64xf32, #tpu.memory_space<vmem>>
      %dma_start3A_1075 = tpu.memref_squeeze %dma_start3A_1074 : memref<1x4x200x64xf32, #tpu.memory_space<vmem>> -> memref<4x200x64xf32, #tpu.memory_space<vmem>>
      %dma_start3A_1076 = arith.constant 0 : i32
      %dma_start3A_1077 = arith.constant 0 : i32
      %dma_start3A_1078 = tpu.memref_slice %dma_start3A_1075[%dma_start3A_1070, %dma_start3A_1076, %dma_start3A_1077] : memref<4x200x64xf32, #tpu.memory_space<vmem>> -> memref<1x200x64xf32, #tpu.memory_space<vmem>>
      %dma_start3A_1079 = tpu.memref_squeeze %dma_start3A_1078 : memref<1x200x64xf32, #tpu.memory_space<vmem>> -> memref<200x64xf32, #tpu.memory_space<vmem>>
      %dma_start3A_1080 = arith.constant 128 : i32
      %dma_start3A_1081 = arith.constant 0 : i32
      %dma_start3A_1082 = tpu.memref_slice %dma_start3A_1079[%dma_start3A_1080, %dma_start3A_1081] : memref<200x64xf32, #tpu.memory_space<vmem>> -> memref<72x64xf32, #tpu.memory_space<vmem>>
      %dma_start3A_1083 = arith.constant 128 : i32
      %dma_start3A_1084 = tpu.memref_slice %arg5[%add3A_1068, %dma_start3A_1083] : memref<128x200xi32, #tpu.memory_space<vmem>> -> memref<1x72xi32, #tpu.memory_space<vmem>>
      %dma_start3A_1085 = tpu.memref_squeeze %dma_start3A_1084 : memref<1x72xi32, #tpu.memory_space<vmem>> -> memref<72xi32, #tpu.memory_space<vmem>>
      %dma_start3A_1086 = arith.constant 0 : i32
      %dma_start3A_1087 = arith.constant 0 : i32
      %dma_start3A_1088 = tpu.memref_slice %arg2[%dma_start3A_1086, %dma_start3A_1087] : memref<1000000x64xf32, #tpu.memory_space<hbm>> -> memref<1000000x64xf32, #tpu.memory_space<hbm>>
      tpu.enqueue_indirect_dma source(%dma_start3A_1088 : memref<1000000x64xf32, #tpu.memory_space<hbm>>) target(%dma_start3A_1082 : memref<72x64xf32, #tpu.memory_space<vmem>>) offsets(%dma_start3A_1085 : memref<72xi32, #tpu.memory_space<vmem>>) semaphore(%arg7 : memref<!tpu.dma_semaphore, #tpu.memory_space<semaphore_mem>>)
      %mul3A_1089 = arith.constant 4 : i32
      %mul3A_1090 = arith.muli %add3A_992, %mul3A_1089 : i32
      %add3A_1091 = arith.constant 2 : i32
      %add3A_1092 = arith.addi %mul3A_1090, %add3A_1091 : i32
      %dma_start3A_1093 = arith.constant 0 : i32
      %dma_start3A_1094 = arith.constant 2 : i32
      %dma_start3A_1095 = arith.constant 0 : i32
      %dma_start3A_1096 = arith.constant 0 : i32
      %dma_start3A_1097 = arith.constant 0 : i32
      %dma_start3A_1098 = tpu.memref_slice %arg6[%dma_start3A_1093, %dma_start3A_1095, %dma_start3A_1096, %dma_start3A_1097] : memref<2x4x200x64xf32, #tpu.memory_space<vmem>> -> memref<1x4x200x64xf32, #tpu.memory_space<vmem>>
      %dma_start3A_1099 = tpu.memref_squeeze %dma_start3A_1098 : memref<1x4x200x64xf32, #tpu.memory_space<vmem>> -> memref<4x200x64xf32, #tpu.memory_space<vmem>>
      %dma_start3A_1100 = arith.constant 0 : i32
      %dma_start3A_1101 = arith.constant 0 : i32
      %dma_start3A_1102 = tpu.memref_slice %dma_start3A_1099[%dma_start3A_1094, %dma_start3A_1100, %dma_start3A_1101] : memref<4x200x64xf32, #tpu.memory_space<vmem>> -> memref<1x200x64xf32, #tpu.memory_space<vmem>>
      %dma_start3A_1103 = tpu.memref_squeeze %dma_start3A_1102 : memref<1x200x64xf32, #tpu.memory_space<vmem>> -> memref<200x64xf32, #tpu.memory_space<vmem>>
      %dma_start3A_1104 = arith.constant 0 : i32
      %dma_start3A_1105 = arith.constant 0 : i32
      %dma_start3A_1106 = tpu.memref_slice %dma_start3A_1103[%dma_start3A_1104, %dma_start3A_1105] : memref<200x64xf32, #tpu.memory_space<vmem>> -> memref<128x64xf32, #tpu.memory_space<vmem>>
      %dma_start3A_1107 = arith.constant 0 : i32
      %dma_start3A_1108 = tpu.memref_slice %arg5[%add3A_1092, %dma_start3A_1107] : memref<128x200xi32, #tpu.memory_space<vmem>> -> memref<1x128xi32, #tpu.memory_space<vmem>>
      %dma_start3A_1109 = tpu.memref_squeeze %dma_start3A_1108 : memref<1x128xi32, #tpu.memory_space<vmem>> -> memref<128xi32, #tpu.memory_space<vmem>>
      %dma_start3A_1110 = arith.constant 0 : i32
      %dma_start3A_1111 = arith.constant 0 : i32
      %dma_start3A_1112 = tpu.memref_slice %arg2[%dma_start3A_1110, %dma_start3A_1111] : memref<1000000x64xf32, #tpu.memory_space<hbm>> -> memref<1000000x64xf32, #tpu.memory_space<hbm>>
      tpu.enqueue_indirect_dma source(%dma_start3A_1112 : memref<1000000x64xf32, #tpu.memory_space<hbm>>) target(%dma_start3A_1106 : memref<128x64xf32, #tpu.memory_space<vmem>>) offsets(%dma_start3A_1109 : memref<128xi32, #tpu.memory_space<vmem>>) semaphore(%arg7 : memref<!tpu.dma_semaphore, #tpu.memory_space<semaphore_mem>>)
      %mul3A_1113 = arith.constant 4 : i32
      %mul3A_1114 = arith.muli %add3A_992, %mul3A_1113 : i32
      %add3A_1115 = arith.constant 2 : i32
      %add3A_1116 = arith.addi %mul3A_1114, %add3A_1115 : i32
      %dma_start3A_1117 = arith.constant 0 : i32
      %dma_start3A_1118 = arith.constant 2 : i32
      %dma_start3A_1119 = arith.constant 0 : i32
      %dma_start3A_1120 = arith.constant 0 : i32
      %dma_start3A_1121 = arith.constant 0 : i32
      %dma_start3A_1122 = tpu.memref_slice %arg6[%dma_start3A_1117, %dma_start3A_1119, %dma_start3A_1120, %dma_start3A_1121] : memref<2x4x200x64xf32, #tpu.memory_space<vmem>> -> memref<1x4x200x64xf32, #tpu.memory_space<vmem>>
      %dma_start3A_1123 = tpu.memref_squeeze %dma_start3A_1122 : memref<1x4x200x64xf32, #tpu.memory_space<vmem>> -> memref<4x200x64xf32, #tpu.memory_space<vmem>>
      %dma_start3A_1124 = arith.constant 0 : i32
      %dma_start3A_1125 = arith.constant 0 : i32
      %dma_start3A_1126 = tpu.memref_slice %dma_start3A_1123[%dma_start3A_1118, %dma_start3A_1124, %dma_start3A_1125] : memref<4x200x64xf32, #tpu.memory_space<vmem>> -> memref<1x200x64xf32, #tpu.memory_space<vmem>>
      %dma_start3A_1127 = tpu.memref_squeeze %dma_start3A_1126 : memref<1x200x64xf32, #tpu.memory_space<vmem>> -> memref<200x64xf32, #tpu.memory_space<vmem>>
      %dma_start3A_1128 = arith.constant 128 : i32
      %dma_start3A_1129 = arith.constant 0 : i32
      %dma_start3A_1130 = tpu.memref_slice %dma_start3A_1127[%dma_start3A_1128, %dma_start3A_1129] : memref<200x64xf32, #tpu.memory_space<vmem>> -> memref<72x64xf32, #tpu.memory_space<vmem>>
      %dma_start3A_1131 = arith.constant 128 : i32
      %dma_start3A_1132 = tpu.memref_slice %arg5[%add3A_1116, %dma_start3A_1131] : memref<128x200xi32, #tpu.memory_space<vmem>> -> memref<1x72xi32, #tpu.memory_space<vmem>>
      %dma_start3A_1133 = tpu.memref_squeeze %dma_start3A_1132 : memref<1x72xi32, #tpu.memory_space<vmem>> -> memref<72xi32, #tpu.memory_space<vmem>>
      %dma_start3A_1134 = arith.constant 0 : i32
      %dma_start3A_1135 = arith.constant 0 : i32
      %dma_start3A_1136 = tpu.memref_slice %arg2[%dma_start3A_1134, %dma_start3A_1135] : memref<1000000x64xf32, #tpu.memory_space<hbm>> -> memref<1000000x64xf32, #tpu.memory_space<hbm>>
      tpu.enqueue_indirect_dma source(%dma_start3A_1136 : memref<1000000x64xf32, #tpu.memory_space<hbm>>) target(%dma_start3A_1130 : memref<72x64xf32, #tpu.memory_space<vmem>>) offsets(%dma_start3A_1133 : memref<72xi32, #tpu.memory_space<vmem>>) semaphore(%arg7 : memref<!tpu.dma_semaphore, #tpu.memory_space<semaphore_mem>>)
      %mul3A_1137 = arith.constant 4 : i32
      %mul3A_1138 = arith.muli %add3A_992, %mul3A_1137 : i32
      %add3A_1139 = arith.constant 3 : i32
      %add3A_1140 = arith.addi %mul3A_1138, %add3A_1139 : i32
      %dma_start3A_1141 = arith.constant 0 : i32
      %dma_start3A_1142 = arith.constant 3 : i32
      %dma_start3A_1143 = arith.constant 0 : i32
      %dma_start3A_1144 = arith.constant 0 : i32
      %dma_start3A_1145 = arith.constant 0 : i32
      %dma_start3A_1146 = tpu.memref_slice %arg6[%dma_start3A_1141, %dma_start3A_1143, %dma_start3A_1144, %dma_start3A_1145] : memref<2x4x200x64xf32, #tpu.memory_space<vmem>> -> memref<1x4x200x64xf32, #tpu.memory_space<vmem>>
      %dma_start3A_1147 = tpu.memref_squeeze %dma_start3A_1146 : memref<1x4x200x64xf32, #tpu.memory_space<vmem>> -> memref<4x200x64xf32, #tpu.memory_space<vmem>>
      %dma_start3A_1148 = arith.constant 0 : i32
      %dma_start3A_1149 = arith.constant 0 : i32
      %dma_start3A_1150 = tpu.memref_slice %dma_start3A_1147[%dma_start3A_1142, %dma_start3A_1148, %dma_start3A_1149] : memref<4x200x64xf32, #tpu.memory_space<vmem>> -> memref<1x200x64xf32, #tpu.memory_space<vmem>>
      %dma_start3A_1151 = tpu.memref_squeeze %dma_start3A_1150 : memref<1x200x64xf32, #tpu.memory_space<vmem>> -> memref<200x64xf32, #tpu.memory_space<vmem>>
      %dma_start3A_1152 = arith.constant 0 : i32
      %dma_start3A_1153 = arith.constant 0 : i32
      %dma_start3A_1154 = tpu.memref_slice %dma_start3A_1151[%dma_start3A_1152, %dma_start3A_1153] : memref<200x64xf32, #tpu.memory_space<vmem>> -> memref<128x64xf32, #tpu.memory_space<vmem>>
      %dma_start3A_1155 = arith.constant 0 : i32
      %dma_start3A_1156 = tpu.memref_slice %arg5[%add3A_1140, %dma_start3A_1155] : memref<128x200xi32, #tpu.memory_space<vmem>> -> memref<1x128xi32, #tpu.memory_space<vmem>>
      %dma_start3A_1157 = tpu.memref_squeeze %dma_start3A_1156 : memref<1x128xi32, #tpu.memory_space<vmem>> -> memref<128xi32, #tpu.memory_space<vmem>>
      %dma_start3A_1158 = arith.constant 0 : i32
      %dma_start3A_1159 = arith.constant 0 : i32
      %dma_start3A_1160 = tpu.memref_slice %arg2[%dma_start3A_1158, %dma_start3A_1159] : memref<1000000x64xf32, #tpu.memory_space<hbm>> -> memref<1000000x64xf32, #tpu.memory_space<hbm>>
      tpu.enqueue_indirect_dma source(%dma_start3A_1160 : memref<1000000x64xf32, #tpu.memory_space<hbm>>) target(%dma_start3A_1154 : memref<128x64xf32, #tpu.memory_space<vmem>>) offsets(%dma_start3A_1157 : memref<128xi32, #tpu.memory_space<vmem>>) semaphore(%arg7 : memref<!tpu.dma_semaphore, #tpu.memory_space<semaphore_mem>>)
      %mul3A_1161 = arith.constant 4 : i32
      %mul3A_1162 = arith.muli %add3A_992, %mul3A_1161 : i32
      %add3A_1163 = arith.constant 3 : i32
      %add3A_1164 = arith.addi %mul3A_1162, %add3A_1163 : i32
      %dma_start3A_1165 = arith.constant 0 : i32
      %dma_start3A_1166 = arith.constant 3 : i32
      %dma_start3A_1167 = arith.constant 0 : i32
      %dma_start3A_1168 = arith.constant 0 : i32
      %dma_start3A_1169 = arith.constant 0 : i32
      %dma_start3A_1170 = tpu.memref_slice %arg6[%dma_start3A_1165, %dma_start3A_1167, %dma_start3A_1168, %dma_start3A_1169] : memref<2x4x200x64xf32, #tpu.memory_space<vmem>> -> memref<1x4x200x64xf32, #tpu.memory_space<vmem>>
      %dma_start3A_1171 = tpu.memref_squeeze %dma_start3A_1170 : memref<1x4x200x64xf32, #tpu.memory_space<vmem>> -> memref<4x200x64xf32, #tpu.memory_space<vmem>>
      %dma_start3A_1172 = arith.constant 0 : i32
      %dma_start3A_1173 = arith.constant 0 : i32
      %dma_start3A_1174 = tpu.memref_slice %dma_start3A_1171[%dma_start3A_1166, %dma_start3A_1172, %dma_start3A_1173] : memref<4x200x64xf32, #tpu.memory_space<vmem>> -> memref<1x200x64xf32, #tpu.memory_space<vmem>>
      %dma_start3A_1175 = tpu.memref_squeeze %dma_start3A_1174 : memref<1x200x64xf32, #tpu.memory_space<vmem>> -> memref<200x64xf32, #tpu.memory_space<vmem>>
      %dma_start3A_1176 = arith.constant 128 : i32
      %dma_start3A_1177 = arith.constant 0 : i32
      %dma_start3A_1178 = tpu.memref_slice %dma_start3A_1175[%dma_start3A_1176, %dma_start3A_1177] : memref<200x64xf32, #tpu.memory_space<vmem>> -> memref<72x64xf32, #tpu.memory_space<vmem>>
      %dma_start3A_1179 = arith.constant 128 : i32
      %dma_start3A_1180 = tpu.memref_slice %arg5[%add3A_1164, %dma_start3A_1179] : memref<128x200xi32, #tpu.memory_space<vmem>> -> memref<1x72xi32, #tpu.memory_space<vmem>>
      %dma_start3A_1181 = tpu.memref_squeeze %dma_start3A_1180 : memref<1x72xi32, #tpu.memory_space<vmem>> -> memref<72xi32, #tpu.memory_space<vmem>>
      %dma_start3A_1182 = arith.constant 0 : i32
      %dma_start3A_1183 = arith.constant 0 : i32
      %dma_start3A_1184 = tpu.memref_slice %arg2[%dma_start3A_1182, %dma_start3A_1183] : memref<1000000x64xf32, #tpu.memory_space<hbm>> -> memref<1000000x64xf32, #tpu.memory_space<hbm>>
      tpu.enqueue_indirect_dma source(%dma_start3A_1184 : memref<1000000x64xf32, #tpu.memory_space<hbm>>) target(%dma_start3A_1178 : memref<72x64xf32, #tpu.memory_space<vmem>>) offsets(%dma_start3A_1181 : memref<72xi32, #tpu.memory_space<vmem>>) semaphore(%arg7 : memref<!tpu.dma_semaphore, #tpu.memory_space<semaphore_mem>>)
      %add3A_1185 = arith.constant 1 : i32
      %add3A_1186 = arith.addi %mul3A_756, %add3A_1185 : i32
      %mul3A_1187 = arith.constant 4 : i32
      %mul3A_1188 = arith.muli %add3A_1186, %mul3A_1187 : i32
      %add3A_1189 = arith.constant 0 : i32
      %add3A_1190 = arith.addi %mul3A_1188, %add3A_1189 : i32
      %dma_wait3A_1191 = arith.constant 1 : i32
      %dma_wait3A_1192 = arith.constant 0 : i32
      %dma_wait3A_1193 = arith.constant 0 : i32
      %dma_wait3A_1194 = arith.constant 0 : i32
      %dma_wait3A_1195 = arith.constant 0 : i32
      %dma_wait3A_1196 = tpu.memref_slice %arg6[%dma_wait3A_1191, %dma_wait3A_1193, %dma_wait3A_1194, %dma_wait3A_1195] : memref<2x4x200x64xf32, #tpu.memory_space<vmem>> -> memref<1x4x200x64xf32, #tpu.memory_space<vmem>>
      %dma_wait3A_1197 = tpu.memref_squeeze %dma_wait3A_1196 : memref<1x4x200x64xf32, #tpu.memory_space<vmem>> -> memref<4x200x64xf32, #tpu.memory_space<vmem>>
      %dma_wait3A_1198 = arith.constant 0 : i32
      %dma_wait3A_1199 = arith.constant 0 : i32
      %dma_wait3A_1200 = tpu.memref_slice %dma_wait3A_1197[%dma_wait3A_1192, %dma_wait3A_1198, %dma_wait3A_1199] : memref<4x200x64xf32, #tpu.memory_space<vmem>> -> memref<1x200x64xf32, #tpu.memory_space<vmem>>
      %dma_wait3A_1201 = tpu.memref_squeeze %dma_wait3A_1200 : memref<1x200x64xf32, #tpu.memory_space<vmem>> -> memref<200x64xf32, #tpu.memory_space<vmem>>
      %dma_wait3A_1202 = arith.constant 0 : i32
      %dma_wait3A_1203 = arith.constant 0 : i32
      %dma_wait3A_1204 = tpu.memref_slice %dma_wait3A_1201[%dma_wait3A_1202, %dma_wait3A_1203] : memref<200x64xf32, #tpu.memory_space<vmem>> -> memref<128x64xf32, #tpu.memory_space<vmem>>
      %dma_wait3A_1205 = arith.constant 0 : i32
      %dma_wait3A_1206 = tpu.memref_slice %arg5[%add3A_1190, %dma_wait3A_1205] : memref<128x200xi32, #tpu.memory_space<vmem>> -> memref<1x128xi32, #tpu.memory_space<vmem>>
      %dma_wait3A_1207 = tpu.memref_squeeze %dma_wait3A_1206 : memref<1x128xi32, #tpu.memory_space<vmem>> -> memref<128xi32, #tpu.memory_space<vmem>>
      %dma_wait3A_1208 = arith.constant 0 : i32
      %dma_wait3A_1209 = arith.constant 0 : i32
      %dma_wait3A_1210 = tpu.memref_slice %arg2[%dma_wait3A_1208, %dma_wait3A_1209] : memref<1000000x64xf32, #tpu.memory_space<hbm>> -> memref<1000000x64xf32, #tpu.memory_space<hbm>>
      tpu.wait_indirect_dma semaphore(%arg8 : memref<!tpu.dma_semaphore, #tpu.memory_space<semaphore_mem>>) src(%dma_wait3A_1210 : memref<1000000x64xf32, #tpu.memory_space<hbm>>) dst(%dma_wait3A_1204 : memref<128x64xf32, #tpu.memory_space<vmem>>)
      %mul3A_1211 = arith.constant 4 : i32
      %mul3A_1212 = arith.muli %add3A_1186, %mul3A_1211 : i32
      %add3A_1213 = arith.constant 0 : i32
      %add3A_1214 = arith.addi %mul3A_1212, %add3A_1213 : i32
      %dma_wait3A_1215 = arith.constant 1 : i32
      %dma_wait3A_1216 = arith.constant 0 : i32
      %dma_wait3A_1217 = arith.constant 0 : i32
      %dma_wait3A_1218 = arith.constant 0 : i32
      %dma_wait3A_1219 = arith.constant 0 : i32
      %dma_wait3A_1220 = tpu.memref_slice %arg6[%dma_wait3A_1215, %dma_wait3A_1217, %dma_wait3A_1218, %dma_wait3A_1219] : memref<2x4x200x64xf32, #tpu.memory_space<vmem>> -> memref<1x4x200x64xf32, #tpu.memory_space<vmem>>
      %dma_wait3A_1221 = tpu.memref_squeeze %dma_wait3A_1220 : memref<1x4x200x64xf32, #tpu.memory_space<vmem>> -> memref<4x200x64xf32, #tpu.memory_space<vmem>>
      %dma_wait3A_1222 = arith.constant 0 : i32
      %dma_wait3A_1223 = arith.constant 0 : i32
      %dma_wait3A_1224 = tpu.memref_slice %dma_wait3A_1221[%dma_wait3A_1216, %dma_wait3A_1222, %dma_wait3A_1223] : memref<4x200x64xf32, #tpu.memory_space<vmem>> -> memref<1x200x64xf32, #tpu.memory_space<vmem>>
      %dma_wait3A_1225 = tpu.memref_squeeze %dma_wait3A_1224 : memref<1x200x64xf32, #tpu.memory_space<vmem>> -> memref<200x64xf32, #tpu.memory_space<vmem>>
      %dma_wait3A_1226 = arith.constant 128 : i32
      %dma_wait3A_1227 = arith.constant 0 : i32
      %dma_wait3A_1228 = tpu.memref_slice %dma_wait3A_1225[%dma_wait3A_1226, %dma_wait3A_1227] : memref<200x64xf32, #tpu.memory_space<vmem>> -> memref<72x64xf32, #tpu.memory_space<vmem>>
      %dma_wait3A_1229 = arith.constant 128 : i32
      %dma_wait3A_1230 = tpu.memref_slice %arg5[%add3A_1214, %dma_wait3A_1229] : memref<128x200xi32, #tpu.memory_space<vmem>> -> memref<1x72xi32, #tpu.memory_space<vmem>>
      %dma_wait3A_1231 = tpu.memref_squeeze %dma_wait3A_1230 : memref<1x72xi32, #tpu.memory_space<vmem>> -> memref<72xi32, #tpu.memory_space<vmem>>
      %dma_wait3A_1232 = arith.constant 0 : i32
      %dma_wait3A_1233 = arith.constant 0 : i32
      %dma_wait3A_1234 = tpu.memref_slice %arg2[%dma_wait3A_1232, %dma_wait3A_1233] : memref<1000000x64xf32, #tpu.memory_space<hbm>> -> memref<1000000x64xf32, #tpu.memory_space<hbm>>
      tpu.wait_indirect_dma semaphore(%arg8 : memref<!tpu.dma_semaphore, #tpu.memory_space<semaphore_mem>>) src(%dma_wait3A_1234 : memref<1000000x64xf32, #tpu.memory_space<hbm>>) dst(%dma_wait3A_1228 : memref<72x64xf32, #tpu.memory_space<vmem>>)
      %mul3A_1235 = arith.constant 4 : i32
      %mul3A_1236 = arith.muli %add3A_1186, %mul3A_1235 : i32
      %add3A_1237 = arith.constant 1 : i32
      %add3A_1238 = arith.addi %mul3A_1236, %add3A_1237 : i32
      %dma_wait3A_1239 = arith.constant 1 : i32
      %dma_wait3A_1240 = arith.constant 1 : i32
      %dma_wait3A_1241 = arith.constant 0 : i32
      %dma_wait3A_1242 = arith.constant 0 : i32
      %dma_wait3A_1243 = arith.constant 0 : i32
      %dma_wait3A_1244 = tpu.memref_slice %arg6[%dma_wait3A_1239, %dma_wait3A_1241, %dma_wait3A_1242, %dma_wait3A_1243] : memref<2x4x200x64xf32, #tpu.memory_space<vmem>> -> memref<1x4x200x64xf32, #tpu.memory_space<vmem>>
      %dma_wait3A_1245 = tpu.memref_squeeze %dma_wait3A_1244 : memref<1x4x200x64xf32, #tpu.memory_space<vmem>> -> memref<4x200x64xf32, #tpu.memory_space<vmem>>
      %dma_wait3A_1246 = arith.constant 0 : i32
      %dma_wait3A_1247 = arith.constant 0 : i32
      %dma_wait3A_1248 = tpu.memref_slice %dma_wait3A_1245[%dma_wait3A_1240, %dma_wait3A_1246, %dma_wait3A_1247] : memref<4x200x64xf32, #tpu.memory_space<vmem>> -> memref<1x200x64xf32, #tpu.memory_space<vmem>>
      %dma_wait3A_1249 = tpu.memref_squeeze %dma_wait3A_1248 : memref<1x200x64xf32, #tpu.memory_space<vmem>> -> memref<200x64xf32, #tpu.memory_space<vmem>>
      %dma_wait3A_1250 = arith.constant 0 : i32
      %dma_wait3A_1251 = arith.constant 0 : i32
      %dma_wait3A_1252 = tpu.memref_slice %dma_wait3A_1249[%dma_wait3A_1250, %dma_wait3A_1251] : memref<200x64xf32, #tpu.memory_space<vmem>> -> memref<128x64xf32, #tpu.memory_space<vmem>>
      %dma_wait3A_1253 = arith.constant 0 : i32
      %dma_wait3A_1254 = tpu.memref_slice %arg5[%add3A_1238, %dma_wait3A_1253] : memref<128x200xi32, #tpu.memory_space<vmem>> -> memref<1x128xi32, #tpu.memory_space<vmem>>
      %dma_wait3A_1255 = tpu.memref_squeeze %dma_wait3A_1254 : memref<1x128xi32, #tpu.memory_space<vmem>> -> memref<128xi32, #tpu.memory_space<vmem>>
      %dma_wait3A_1256 = arith.constant 0 : i32
      %dma_wait3A_1257 = arith.constant 0 : i32
      %dma_wait3A_1258 = tpu.memref_slice %arg2[%dma_wait3A_1256, %dma_wait3A_1257] : memref<1000000x64xf32, #tpu.memory_space<hbm>> -> memref<1000000x64xf32, #tpu.memory_space<hbm>>
      tpu.wait_indirect_dma semaphore(%arg8 : memref<!tpu.dma_semaphore, #tpu.memory_space<semaphore_mem>>) src(%dma_wait3A_1258 : memref<1000000x64xf32, #tpu.memory_space<hbm>>) dst(%dma_wait3A_1252 : memref<128x64xf32, #tpu.memory_space<vmem>>)
      %mul3A_1259 = arith.constant 4 : i32
      %mul3A_1260 = arith.muli %add3A_1186, %mul3A_1259 : i32
      %add3A_1261 = arith.constant 1 : i32
      %add3A_1262 = arith.addi %mul3A_1260, %add3A_1261 : i32
      %dma_wait3A_1263 = arith.constant 1 : i32
      %dma_wait3A_1264 = arith.constant 1 : i32
      %dma_wait3A_1265 = arith.constant 0 : i32
      %dma_wait3A_1266 = arith.constant 0 : i32
      %dma_wait3A_1267 = arith.constant 0 : i32
      %dma_wait3A_1268 = tpu.memref_slice %arg6[%dma_wait3A_1263, %dma_wait3A_1265, %dma_wait3A_1266, %dma_wait3A_1267] : memref<2x4x200x64xf32, #tpu.memory_space<vmem>> -> memref<1x4x200x64xf32, #tpu.memory_space<vmem>>
      %dma_wait3A_1269 = tpu.memref_squeeze %dma_wait3A_1268 : memref<1x4x200x64xf32, #tpu.memory_space<vmem>> -> memref<4x200x64xf32, #tpu.memory_space<vmem>>
      %dma_wait3A_1270 = arith.constant 0 : i32
      %dma_wait3A_1271 = arith.constant 0 : i32
      %dma_wait3A_1272 = tpu.memref_slice %dma_wait3A_1269[%dma_wait3A_1264, %dma_wait3A_1270, %dma_wait3A_1271] : memref<4x200x64xf32, #tpu.memory_space<vmem>> -> memref<1x200x64xf32, #tpu.memory_space<vmem>>
      %dma_wait3A_1273 = tpu.memref_squeeze %dma_wait3A_1272 : memref<1x200x64xf32, #tpu.memory_space<vmem>> -> memref<200x64xf32, #tpu.memory_space<vmem>>
      %dma_wait3A_1274 = arith.constant 128 : i32
      %dma_wait3A_1275 = arith.constant 0 : i32
      %dma_wait3A_1276 = tpu.memref_slice %dma_wait3A_1273[%dma_wait3A_1274, %dma_wait3A_1275] : memref<200x64xf32, #tpu.memory_space<vmem>> -> memref<72x64xf32, #tpu.memory_space<vmem>>
      %dma_wait3A_1277 = arith.constant 128 : i32
      %dma_wait3A_1278 = tpu.memref_slice %arg5[%add3A_1262, %dma_wait3A_1277] : memref<128x200xi32, #tpu.memory_space<vmem>> -> memref<1x72xi32, #tpu.memory_space<vmem>>
      %dma_wait3A_1279 = tpu.memref_squeeze %dma_wait3A_1278 : memref<1x72xi32, #tpu.memory_space<vmem>> -> memref<72xi32, #tpu.memory_space<vmem>>
      %dma_wait3A_1280 = arith.constant 0 : i32
      %dma_wait3A_1281 = arith.constant 0 : i32
      %dma_wait3A_1282 = tpu.memref_slice %arg2[%dma_wait3A_1280, %dma_wait3A_1281] : memref<1000000x64xf32, #tpu.memory_space<hbm>> -> memref<1000000x64xf32, #tpu.memory_space<hbm>>
      tpu.wait_indirect_dma semaphore(%arg8 : memref<!tpu.dma_semaphore, #tpu.memory_space<semaphore_mem>>) src(%dma_wait3A_1282 : memref<1000000x64xf32, #tpu.memory_space<hbm>>) dst(%dma_wait3A_1276 : memref<72x64xf32, #tpu.memory_space<vmem>>)
      %mul3A_1283 = arith.constant 4 : i32
      %mul3A_1284 = arith.muli %add3A_1186, %mul3A_1283 : i32
      %add3A_1285 = arith.constant 2 : i32
      %add3A_1286 = arith.addi %mul3A_1284, %add3A_1285 : i32
      %dma_wait3A_1287 = arith.constant 1 : i32
      %dma_wait3A_1288 = arith.constant 2 : i32
      %dma_wait3A_1289 = arith.constant 0 : i32
      %dma_wait3A_1290 = arith.constant 0 : i32
      %dma_wait3A_1291 = arith.constant 0 : i32
      %dma_wait3A_1292 = tpu.memref_slice %arg6[%dma_wait3A_1287, %dma_wait3A_1289, %dma_wait3A_1290, %dma_wait3A_1291] : memref<2x4x200x64xf32, #tpu.memory_space<vmem>> -> memref<1x4x200x64xf32, #tpu.memory_space<vmem>>
      %dma_wait3A_1293 = tpu.memref_squeeze %dma_wait3A_1292 : memref<1x4x200x64xf32, #tpu.memory_space<vmem>> -> memref<4x200x64xf32, #tpu.memory_space<vmem>>
      %dma_wait3A_1294 = arith.constant 0 : i32
      %dma_wait3A_1295 = arith.constant 0 : i32
      %dma_wait3A_1296 = tpu.memref_slice %dma_wait3A_1293[%dma_wait3A_1288, %dma_wait3A_1294, %dma_wait3A_1295] : memref<4x200x64xf32, #tpu.memory_space<vmem>> -> memref<1x200x64xf32, #tpu.memory_space<vmem>>
      %dma_wait3A_1297 = tpu.memref_squeeze %dma_wait3A_1296 : memref<1x200x64xf32, #tpu.memory_space<vmem>> -> memref<200x64xf32, #tpu.memory_space<vmem>>
      %dma_wait3A_1298 = arith.constant 0 : i32
      %dma_wait3A_1299 = arith.constant 0 : i32
      %dma_wait3A_1300 = tpu.memref_slice %dma_wait3A_1297[%dma_wait3A_1298, %dma_wait3A_1299] : memref<200x64xf32, #tpu.memory_space<vmem>> -> memref<128x64xf32, #tpu.memory_space<vmem>>
      %dma_wait3A_1301 = arith.constant 0 : i32
      %dma_wait3A_1302 = tpu.memref_slice %arg5[%add3A_1286, %dma_wait3A_1301] : memref<128x200xi32, #tpu.memory_space<vmem>> -> memref<1x128xi32, #tpu.memory_space<vmem>>
      %dma_wait3A_1303 = tpu.memref_squeeze %dma_wait3A_1302 : memref<1x128xi32, #tpu.memory_space<vmem>> -> memref<128xi32, #tpu.memory_space<vmem>>
      %dma_wait3A_1304 = arith.constant 0 : i32
      %dma_wait3A_1305 = arith.constant 0 : i32
      %dma_wait3A_1306 = tpu.memref_slice %arg2[%dma_wait3A_1304, %dma_wait3A_1305] : memref<1000000x64xf32, #tpu.memory_space<hbm>> -> memref<1000000x64xf32, #tpu.memory_space<hbm>>
      tpu.wait_indirect_dma semaphore(%arg8 : memref<!tpu.dma_semaphore, #tpu.memory_space<semaphore_mem>>) src(%dma_wait3A_1306 : memref<1000000x64xf32, #tpu.memory_space<hbm>>) dst(%dma_wait3A_1300 : memref<128x64xf32, #tpu.memory_space<vmem>>)
      %mul3A_1307 = arith.constant 4 : i32
      %mul3A_1308 = arith.muli %add3A_1186, %mul3A_1307 : i32
      %add3A_1309 = arith.constant 2 : i32
      %add3A_1310 = arith.addi %mul3A_1308, %add3A_1309 : i32
      %dma_wait3A_1311 = arith.constant 1 : i32
      %dma_wait3A_1312 = arith.constant 2 : i32
      %dma_wait3A_1313 = arith.constant 0 : i32
      %dma_wait3A_1314 = arith.constant 0 : i32
      %dma_wait3A_1315 = arith.constant 0 : i32
      %dma_wait3A_1316 = tpu.memref_slice %arg6[%dma_wait3A_1311, %dma_wait3A_1313, %dma_wait3A_1314, %dma_wait3A_1315] : memref<2x4x200x64xf32, #tpu.memory_space<vmem>> -> memref<1x4x200x64xf32, #tpu.memory_space<vmem>>
      %dma_wait3A_1317 = tpu.memref_squeeze %dma_wait3A_1316 : memref<1x4x200x64xf32, #tpu.memory_space<vmem>> -> memref<4x200x64xf32, #tpu.memory_space<vmem>>
      %dma_wait3A_1318 = arith.constant 0 : i32
      %dma_wait3A_1319 = arith.constant 0 : i32
      %dma_wait3A_1320 = tpu.memref_slice %dma_wait3A_1317[%dma_wait3A_1312, %dma_wait3A_1318, %dma_wait3A_1319] : memref<4x200x64xf32, #tpu.memory_space<vmem>> -> memref<1x200x64xf32, #tpu.memory_space<vmem>>
      %dma_wait3A_1321 = tpu.memref_squeeze %dma_wait3A_1320 : memref<1x200x64xf32, #tpu.memory_space<vmem>> -> memref<200x64xf32, #tpu.memory_space<vmem>>
      %dma_wait3A_1322 = arith.constant 128 : i32
      %dma_wait3A_1323 = arith.constant 0 : i32
      %dma_wait3A_1324 = tpu.memref_slice %dma_wait3A_1321[%dma_wait3A_1322, %dma_wait3A_1323] : memref<200x64xf32, #tpu.memory_space<vmem>> -> memref<72x64xf32, #tpu.memory_space<vmem>>
      %dma_wait3A_1325 = arith.constant 128 : i32
      %dma_wait3A_1326 = tpu.memref_slice %arg5[%add3A_1310, %dma_wait3A_1325] : memref<128x200xi32, #tpu.memory_space<vmem>> -> memref<1x72xi32, #tpu.memory_space<vmem>>
      %dma_wait3A_1327 = tpu.memref_squeeze %dma_wait3A_1326 : memref<1x72xi32, #tpu.memory_space<vmem>> -> memref<72xi32, #tpu.memory_space<vmem>>
      %dma_wait3A_1328 = arith.constant 0 : i32
      %dma_wait3A_1329 = arith.constant 0 : i32
      %dma_wait3A_1330 = tpu.memref_slice %arg2[%dma_wait3A_1328, %dma_wait3A_1329] : memref<1000000x64xf32, #tpu.memory_space<hbm>> -> memref<1000000x64xf32, #tpu.memory_space<hbm>>
      tpu.wait_indirect_dma semaphore(%arg8 : memref<!tpu.dma_semaphore, #tpu.memory_space<semaphore_mem>>) src(%dma_wait3A_1330 : memref<1000000x64xf32, #tpu.memory_space<hbm>>) dst(%dma_wait3A_1324 : memref<72x64xf32, #tpu.memory_space<vmem>>)
      %mul3A_1331 = arith.constant 4 : i32
      %mul3A_1332 = arith.muli %add3A_1186, %mul3A_1331 : i32
      %add3A_1333 = arith.constant 3 : i32
      %add3A_1334 = arith.addi %mul3A_1332, %add3A_1333 : i32
      %dma_wait3A_1335 = arith.constant 1 : i32
      %dma_wait3A_1336 = arith.constant 3 : i32
      %dma_wait3A_1337 = arith.constant 0 : i32
      %dma_wait3A_1338 = arith.constant 0 : i32
      %dma_wait3A_1339 = arith.constant 0 : i32
      %dma_wait3A_1340 = tpu.memref_slice %arg6[%dma_wait3A_1335, %dma_wait3A_1337, %dma_wait3A_1338, %dma_wait3A_1339] : memref<2x4x200x64xf32, #tpu.memory_space<vmem>> -> memref<1x4x200x64xf32, #tpu.memory_space<vmem>>
      %dma_wait3A_1341 = tpu.memref_squeeze %dma_wait3A_1340 : memref<1x4x200x64xf32, #tpu.memory_space<vmem>> -> memref<4x200x64xf32, #tpu.memory_space<vmem>>
      %dma_wait3A_1342 = arith.constant 0 : i32
      %dma_wait3A_1343 = arith.constant 0 : i32
      %dma_wait3A_1344 = tpu.memref_slice %dma_wait3A_1341[%dma_wait3A_1336, %dma_wait3A_1342, %dma_wait3A_1343] : memref<4x200x64xf32, #tpu.memory_space<vmem>> -> memref<1x200x64xf32, #tpu.memory_space<vmem>>
      %dma_wait3A_1345 = tpu.memref_squeeze %dma_wait3A_1344 : memref<1x200x64xf32, #tpu.memory_space<vmem>> -> memref<200x64xf32, #tpu.memory_space<vmem>>
      %dma_wait3A_1346 = arith.constant 0 : i32
      %dma_wait3A_1347 = arith.constant 0 : i32
      %dma_wait3A_1348 = tpu.memref_slice %dma_wait3A_1345[%dma_wait3A_1346, %dma_wait3A_1347] : memref<200x64xf32, #tpu.memory_space<vmem>> -> memref<128x64xf32, #tpu.memory_space<vmem>>
      %dma_wait3A_1349 = arith.constant 0 : i32
      %dma_wait3A_1350 = tpu.memref_slice %arg5[%add3A_1334, %dma_wait3A_1349] : memref<128x200xi32, #tpu.memory_space<vmem>> -> memref<1x128xi32, #tpu.memory_space<vmem>>
      %dma_wait3A_1351 = tpu.memref_squeeze %dma_wait3A_1350 : memref<1x128xi32, #tpu.memory_space<vmem>> -> memref<128xi32, #tpu.memory_space<vmem>>
      %dma_wait3A_1352 = arith.constant 0 : i32
      %dma_wait3A_1353 = arith.constant 0 : i32
      %dma_wait3A_1354 = tpu.memref_slice %arg2[%dma_wait3A_1352, %dma_wait3A_1353] : memref<1000000x64xf32, #tpu.memory_space<hbm>> -> memref<1000000x64xf32, #tpu.memory_space<hbm>>
      tpu.wait_indirect_dma semaphore(%arg8 : memref<!tpu.dma_semaphore, #tpu.memory_space<semaphore_mem>>) src(%dma_wait3A_1354 : memref<1000000x64xf32, #tpu.memory_space<hbm>>) dst(%dma_wait3A_1348 : memref<128x64xf32, #tpu.memory_space<vmem>>)
      %mul3A_1355 = arith.constant 4 : i32
      %mul3A_1356 = arith.muli %add3A_1186, %mul3A_1355 : i32
      %add3A_1357 = arith.constant 3 : i32
      %add3A_1358 = arith.addi %mul3A_1356, %add3A_1357 : i32
      %dma_wait3A_1359 = arith.constant 1 : i32
      %dma_wait3A_1360 = arith.constant 3 : i32
      %dma_wait3A_1361 = arith.constant 0 : i32
      %dma_wait3A_1362 = arith.constant 0 : i32
      %dma_wait3A_1363 = arith.constant 0 : i32
      %dma_wait3A_1364 = tpu.memref_slice %arg6[%dma_wait3A_1359, %dma_wait3A_1361, %dma_wait3A_1362, %dma_wait3A_1363] : memref<2x4x200x64xf32, #tpu.memory_space<vmem>> -> memref<1x4x200x64xf32, #tpu.memory_space<vmem>>
      %dma_wait3A_1365 = tpu.memref_squeeze %dma_wait3A_1364 : memref<1x4x200x64xf32, #tpu.memory_space<vmem>> -> memref<4x200x64xf32, #tpu.memory_space<vmem>>
      %dma_wait3A_1366 = arith.constant 0 : i32
      %dma_wait3A_1367 = arith.constant 0 : i32
      %dma_wait3A_1368 = tpu.memref_slice %dma_wait3A_1365[%dma_wait3A_1360, %dma_wait3A_1366, %dma_wait3A_1367] : memref<4x200x64xf32, #tpu.memory_space<vmem>> -> memref<1x200x64xf32, #tpu.memory_space<vmem>>
      %dma_wait3A_1369 = tpu.memref_squeeze %dma_wait3A_1368 : memref<1x200x64xf32, #tpu.memory_space<vmem>> -> memref<200x64xf32, #tpu.memory_space<vmem>>
      %dma_wait3A_1370 = arith.constant 128 : i32
      %dma_wait3A_1371 = arith.constant 0 : i32
      %dma_wait3A_1372 = tpu.memref_slice %dma_wait3A_1369[%dma_wait3A_1370, %dma_wait3A_1371] : memref<200x64xf32, #tpu.memory_space<vmem>> -> memref<72x64xf32, #tpu.memory_space<vmem>>
      %dma_wait3A_1373 = arith.constant 128 : i32
      %dma_wait3A_1374 = tpu.memref_slice %arg5[%add3A_1358, %dma_wait3A_1373] : memref<128x200xi32, #tpu.memory_space<vmem>> -> memref<1x72xi32, #tpu.memory_space<vmem>>
      %dma_wait3A_1375 = tpu.memref_squeeze %dma_wait3A_1374 : memref<1x72xi32, #tpu.memory_space<vmem>> -> memref<72xi32, #tpu.memory_space<vmem>>
      %dma_wait3A_1376 = arith.constant 0 : i32
      %dma_wait3A_1377 = arith.constant 0 : i32
      %dma_wait3A_1378 = tpu.memref_slice %arg2[%dma_wait3A_1376, %dma_wait3A_1377] : memref<1000000x64xf32, #tpu.memory_space<hbm>> -> memref<1000000x64xf32, #tpu.memory_space<hbm>>
      tpu.wait_indirect_dma semaphore(%arg8 : memref<!tpu.dma_semaphore, #tpu.memory_space<semaphore_mem>>) src(%dma_wait3A_1378 : memref<1000000x64xf32, #tpu.memory_space<hbm>>) dst(%dma_wait3A_1372 : memref<72x64xf32, #tpu.memory_space<vmem>>)
      %mul3A_1379 = arith.constant 4 : i32
      %mul3A_1380 = arith.muli %add3A_1186, %mul3A_1379 : i32
      %add3A_1381 = arith.addi %mul3A_2, %mul3A_1380 : i32
      %dma_start3A_1382 = arith.constant 1 : i32
      %dma_start3A_1383 = arith.constant 0 : i32
      %dma_start3A_1384 = arith.constant 0 : i32
      %dma_start3A_1385 = arith.constant 0 : i32
      %dma_start3A_1386 = tpu.memref_slice %arg6[%dma_start3A_1382, %dma_start3A_1383, %dma_start3A_1384, %dma_start3A_1385] : memref<2x4x200x64xf32, #tpu.memory_space<vmem>> -> memref<1x4x200x64xf32, #tpu.memory_space<vmem>>
      %dma_start3A_1387 = tpu.memref_squeeze %dma_start3A_1386 : memref<1x4x200x64xf32, #tpu.memory_space<vmem>> -> memref<4x200x64xf32, #tpu.memory_space<vmem>>
      %dma_start3A_1388 = arith.constant 0 : i32
      %dma_start3A_1389 = arith.constant 0 : i32
      %dma_start3A_1390 = tpu.memref_slice %arg4[%add3A_1381, %dma_start3A_1388, %dma_start3A_1389] : memref<4096x200x64xf32, #tpu.memory_space<hbm>> -> memref<4x200x64xf32, #tpu.memory_space<hbm>>
      %dma_start3A_1391 = arith.constant 0 : i32
      %dma_start3A_1392 = arith.constant 0 : i32
      %dma_start3A_1393 = tpu.memref_slice %arg4[%add3A_1381, %dma_start3A_1391, %dma_start3A_1392] : memref<4096x200x64xf32, #tpu.memory_space<hbm>> -> memref<4x200x64xf32, #tpu.memory_space<hbm>>
      %dma_start3A_1394 = arith.constant 0 : i32
      %dma_start3A_1395 = arith.constant 0 : i32
      %dma_start3A_1396 = arith.constant 0 : i32
      %dma_start3A_1397 = tpu.memref_slice %arg6[%dma_start3A_1382, %dma_start3A_1394, %dma_start3A_1395, %dma_start3A_1396] : memref<2x4x200x64xf32, #tpu.memory_space<vmem>> -> memref<1x4x200x64xf32, #tpu.memory_space<vmem>>
      %dma_start3A_1398 = tpu.memref_squeeze %dma_start3A_1397 : memref<1x4x200x64xf32, #tpu.memory_space<vmem>> -> memref<4x200x64xf32, #tpu.memory_space<vmem>>
      tpu.enqueue_dma source(%dma_start3A_1398 : memref<4x200x64xf32, #tpu.memory_space<vmem>>) target(%dma_start3A_1393 : memref<4x200x64xf32, #tpu.memory_space<hbm>>) target_semaphore(%arg10 : memref<!tpu.dma_semaphore, #tpu.memory_space<semaphore_mem>>)
      %mul3A_1399 = arith.constant 4 : i32
      %mul3A_1400 = arith.muli %add3A_1186, %mul3A_1399 : i32
      %add3A_1401 = arith.addi %mul3A_2, %mul3A_1400 : i32
      %dma_wait3A_1402 = arith.constant 1 : i32
      %dma_wait3A_1403 = arith.constant 0 : i32
      %dma_wait3A_1404 = arith.constant 0 : i32
      %dma_wait3A_1405 = arith.constant 0 : i32
      %dma_wait3A_1406 = tpu.memref_slice %arg6[%dma_wait3A_1402, %dma_wait3A_1403, %dma_wait3A_1404, %dma_wait3A_1405] : memref<2x4x200x64xf32, #tpu.memory_space<vmem>> -> memref<1x4x200x64xf32, #tpu.memory_space<vmem>>
      %dma_wait3A_1407 = tpu.memref_squeeze %dma_wait3A_1406 : memref<1x4x200x64xf32, #tpu.memory_space<vmem>> -> memref<4x200x64xf32, #tpu.memory_space<vmem>>
      %dma_wait3A_1408 = arith.constant 0 : i32
      %dma_wait3A_1409 = arith.constant 0 : i32
      %dma_wait3A_1410 = tpu.memref_slice %arg4[%add3A_1401, %dma_wait3A_1408, %dma_wait3A_1409] : memref<4096x200x64xf32, #tpu.memory_space<hbm>> -> memref<4x200x64xf32, #tpu.memory_space<hbm>>
      %dma_wait3A_1411 = arith.constant 0 : i32
      %dma_wait3A_1412 = arith.constant 0 : i32
      %dma_wait3A_1413 = tpu.memref_slice %arg4[%add3A_1401, %dma_wait3A_1411, %dma_wait3A_1412] : memref<4096x200x64xf32, #tpu.memory_space<hbm>> -> memref<4x200x64xf32, #tpu.memory_space<hbm>>
      %dma_wait3A_1414 = arith.constant 0 : i32
      %dma_wait3A_1415 = arith.constant 0 : i32
      %dma_wait3A_1416 = arith.constant 0 : i32
      %dma_wait3A_1417 = tpu.memref_slice %arg6[%dma_wait3A_1402, %dma_wait3A_1414, %dma_wait3A_1415, %dma_wait3A_1416] : memref<2x4x200x64xf32, #tpu.memory_space<vmem>> -> memref<1x4x200x64xf32, #tpu.memory_space<vmem>>
      %dma_wait3A_1418 = tpu.memref_squeeze %dma_wait3A_1417 : memref<1x4x200x64xf32, #tpu.memory_space<vmem>> -> memref<4x200x64xf32, #tpu.memory_space<vmem>>
      tpu.wait_dma2 semaphore(%arg10 : memref<!tpu.dma_semaphore, #tpu.memory_space<semaphore_mem>>) src(%dma_wait3A_1418 : memref<4x200x64xf32, #tpu.memory_space<vmem>>) dst(%dma_wait3A_1413 : memref<4x200x64xf32, #tpu.memory_space<hbm>>)
      %add3A_1419 = arith.constant 2 : i32
      %add3A_1420 = arith.addi %add3A_1186, %add3A_1419 : i32
      %mul3A_1421 = arith.constant 4 : i32
      %mul3A_1422 = arith.muli %add3A_1420, %mul3A_1421 : i32
      %add3A_1423 = arith.constant 0 : i32
      %add3A_1424 = arith.addi %mul3A_1422, %add3A_1423 : i32
      %dma_start3A_1425 = arith.constant 1 : i32
      %dma_start3A_1426 = arith.constant 0 : i32
      %dma_start3A_1427 = arith.constant 0 : i32
      %dma_start3A_1428 = arith.constant 0 : i32
      %dma_start3A_1429 = arith.constant 0 : i32
      %dma_start3A_1430 = tpu.memref_slice %arg6[%dma_start3A_1425, %dma_start3A_1427, %dma_start3A_1428, %dma_start3A_1429] : memref<2x4x200x64xf32, #tpu.memory_space<vmem>> -> memref<1x4x200x64xf32, #tpu.memory_space<vmem>>
      %dma_start3A_1431 = tpu.memref_squeeze %dma_start3A_1430 : memref<1x4x200x64xf32, #tpu.memory_space<vmem>> -> memref<4x200x64xf32, #tpu.memory_space<vmem>>
      %dma_start3A_1432 = arith.constant 0 : i32
      %dma_start3A_1433 = arith.constant 0 : i32
      %dma_start3A_1434 = tpu.memref_slice %dma_start3A_1431[%dma_start3A_1426, %dma_start3A_1432, %dma_start3A_1433] : memref<4x200x64xf32, #tpu.memory_space<vmem>> -> memref<1x200x64xf32, #tpu.memory_space<vmem>>
      %dma_start3A_1435 = tpu.memref_squeeze %dma_start3A_1434 : memref<1x200x64xf32, #tpu.memory_space<vmem>> -> memref<200x64xf32, #tpu.memory_space<vmem>>
      %dma_start3A_1436 = arith.constant 0 : i32
      %dma_start3A_1437 = arith.constant 0 : i32
      %dma_start3A_1438 = tpu.memref_slice %dma_start3A_1435[%dma_start3A_1436, %dma_start3A_1437] : memref<200x64xf32, #tpu.memory_space<vmem>> -> memref<128x64xf32, #tpu.memory_space<vmem>>
      %dma_start3A_1439 = arith.constant 0 : i32
      %dma_start3A_1440 = tpu.memref_slice %arg5[%add3A_1424, %dma_start3A_1439] : memref<128x200xi32, #tpu.memory_space<vmem>> -> memref<1x128xi32, #tpu.memory_space<vmem>>
      %dma_start3A_1441 = tpu.memref_squeeze %dma_start3A_1440 : memref<1x128xi32, #tpu.memory_space<vmem>> -> memref<128xi32, #tpu.memory_space<vmem>>
      %dma_start3A_1442 = arith.constant 0 : i32
      %dma_start3A_1443 = arith.constant 0 : i32
      %dma_start3A_1444 = tpu.memref_slice %arg2[%dma_start3A_1442, %dma_start3A_1443] : memref<1000000x64xf32, #tpu.memory_space<hbm>> -> memref<1000000x64xf32, #tpu.memory_space<hbm>>
      tpu.enqueue_indirect_dma source(%dma_start3A_1444 : memref<1000000x64xf32, #tpu.memory_space<hbm>>) target(%dma_start3A_1438 : memref<128x64xf32, #tpu.memory_space<vmem>>) offsets(%dma_start3A_1441 : memref<128xi32, #tpu.memory_space<vmem>>) semaphore(%arg8 : memref<!tpu.dma_semaphore, #tpu.memory_space<semaphore_mem>>)
      %mul3A_1445 = arith.constant 4 : i32
      %mul3A_1446 = arith.muli %add3A_1420, %mul3A_1445 : i32
      %add3A_1447 = arith.constant 0 : i32
      %add3A_1448 = arith.addi %mul3A_1446, %add3A_1447 : i32
      %dma_start3A_1449 = arith.constant 1 : i32
      %dma_start3A_1450 = arith.constant 0 : i32
      %dma_start3A_1451 = arith.constant 0 : i32
      %dma_start3A_1452 = arith.constant 0 : i32
      %dma_start3A_1453 = arith.constant 0 : i32
      %dma_start3A_1454 = tpu.memref_slice %arg6[%dma_start3A_1449, %dma_start3A_1451, %dma_start3A_1452, %dma_start3A_1453] : memref<2x4x200x64xf32, #tpu.memory_space<vmem>> -> memref<1x4x200x64xf32, #tpu.memory_space<vmem>>
      %dma_start3A_1455 = tpu.memref_squeeze %dma_start3A_1454 : memref<1x4x200x64xf32, #tpu.memory_space<vmem>> -> memref<4x200x64xf32, #tpu.memory_space<vmem>>
      %dma_start3A_1456 = arith.constant 0 : i32
      %dma_start3A_1457 = arith.constant 0 : i32
      %dma_start3A_1458 = tpu.memref_slice %dma_start3A_1455[%dma_start3A_1450, %dma_start3A_1456, %dma_start3A_1457] : memref<4x200x64xf32, #tpu.memory_space<vmem>> -> memref<1x200x64xf32, #tpu.memory_space<vmem>>
      %dma_start3A_1459 = tpu.memref_squeeze %dma_start3A_1458 : memref<1x200x64xf32, #tpu.memory_space<vmem>> -> memref<200x64xf32, #tpu.memory_space<vmem>>
      %dma_start3A_1460 = arith.constant 128 : i32
      %dma_start3A_1461 = arith.constant 0 : i32
      %dma_start3A_1462 = tpu.memref_slice %dma_start3A_1459[%dma_start3A_1460, %dma_start3A_1461] : memref<200x64xf32, #tpu.memory_space<vmem>> -> memref<72x64xf32, #tpu.memory_space<vmem>>
      %dma_start3A_1463 = arith.constant 128 : i32
      %dma_start3A_1464 = tpu.memref_slice %arg5[%add3A_1448, %dma_start3A_1463] : memref<128x200xi32, #tpu.memory_space<vmem>> -> memref<1x72xi32, #tpu.memory_space<vmem>>
      %dma_start3A_1465 = tpu.memref_squeeze %dma_start3A_1464 : memref<1x72xi32, #tpu.memory_space<vmem>> -> memref<72xi32, #tpu.memory_space<vmem>>
      %dma_start3A_1466 = arith.constant 0 : i32
      %dma_start3A_1467 = arith.constant 0 : i32
      %dma_start3A_1468 = tpu.memref_slice %arg2[%dma_start3A_1466, %dma_start3A_1467] : memref<1000000x64xf32, #tpu.memory_space<hbm>> -> memref<1000000x64xf32, #tpu.memory_space<hbm>>
      tpu.enqueue_indirect_dma source(%dma_start3A_1468 : memref<1000000x64xf32, #tpu.memory_space<hbm>>) target(%dma_start3A_1462 : memref<72x64xf32, #tpu.memory_space<vmem>>) offsets(%dma_start3A_1465 : memref<72xi32, #tpu.memory_space<vmem>>) semaphore(%arg8 : memref<!tpu.dma_semaphore, #tpu.memory_space<semaphore_mem>>)
      %mul3A_1469 = arith.constant 4 : i32
      %mul3A_1470 = arith.muli %add3A_1420, %mul3A_1469 : i32
      %add3A_1471 = arith.constant 1 : i32
      %add3A_1472 = arith.addi %mul3A_1470, %add3A_1471 : i32
      %dma_start3A_1473 = arith.constant 1 : i32
      %dma_start3A_1474 = arith.constant 1 : i32
      %dma_start3A_1475 = arith.constant 0 : i32
      %dma_start3A_1476 = arith.constant 0 : i32
      %dma_start3A_1477 = arith.constant 0 : i32
      %dma_start3A_1478 = tpu.memref_slice %arg6[%dma_start3A_1473, %dma_start3A_1475, %dma_start3A_1476, %dma_start3A_1477] : memref<2x4x200x64xf32, #tpu.memory_space<vmem>> -> memref<1x4x200x64xf32, #tpu.memory_space<vmem>>
      %dma_start3A_1479 = tpu.memref_squeeze %dma_start3A_1478 : memref<1x4x200x64xf32, #tpu.memory_space<vmem>> -> memref<4x200x64xf32, #tpu.memory_space<vmem>>
      %dma_start3A_1480 = arith.constant 0 : i32
      %dma_start3A_1481 = arith.constant 0 : i32
      %dma_start3A_1482 = tpu.memref_slice %dma_start3A_1479[%dma_start3A_1474, %dma_start3A_1480, %dma_start3A_1481] : memref<4x200x64xf32, #tpu.memory_space<vmem>> -> memref<1x200x64xf32, #tpu.memory_space<vmem>>
      %dma_start3A_1483 = tpu.memref_squeeze %dma_start3A_1482 : memref<1x200x64xf32, #tpu.memory_space<vmem>> -> memref<200x64xf32, #tpu.memory_space<vmem>>
      %dma_start3A_1484 = arith.constant 0 : i32
      %dma_start3A_1485 = arith.constant 0 : i32
      %dma_start3A_1486 = tpu.memref_slice %dma_start3A_1483[%dma_start3A_1484, %dma_start3A_1485] : memref<200x64xf32, #tpu.memory_space<vmem>> -> memref<128x64xf32, #tpu.memory_space<vmem>>
      %dma_start3A_1487 = arith.constant 0 : i32
      %dma_start3A_1488 = tpu.memref_slice %arg5[%add3A_1472, %dma_start3A_1487] : memref<128x200xi32, #tpu.memory_space<vmem>> -> memref<1x128xi32, #tpu.memory_space<vmem>>
      %dma_start3A_1489 = tpu.memref_squeeze %dma_start3A_1488 : memref<1x128xi32, #tpu.memory_space<vmem>> -> memref<128xi32, #tpu.memory_space<vmem>>
      %dma_start3A_1490 = arith.constant 0 : i32
      %dma_start3A_1491 = arith.constant 0 : i32
      %dma_start3A_1492 = tpu.memref_slice %arg2[%dma_start3A_1490, %dma_start3A_1491] : memref<1000000x64xf32, #tpu.memory_space<hbm>> -> memref<1000000x64xf32, #tpu.memory_space<hbm>>
      tpu.enqueue_indirect_dma source(%dma_start3A_1492 : memref<1000000x64xf32, #tpu.memory_space<hbm>>) target(%dma_start3A_1486 : memref<128x64xf32, #tpu.memory_space<vmem>>) offsets(%dma_start3A_1489 : memref<128xi32, #tpu.memory_space<vmem>>) semaphore(%arg8 : memref<!tpu.dma_semaphore, #tpu.memory_space<semaphore_mem>>)
      %mul3A_1493 = arith.constant 4 : i32
      %mul3A_1494 = arith.muli %add3A_1420, %mul3A_1493 : i32
      %add3A_1495 = arith.constant 1 : i32
      %add3A_1496 = arith.addi %mul3A_1494, %add3A_1495 : i32
      %dma_start3A_1497 = arith.constant 1 : i32
      %dma_start3A_1498 = arith.constant 1 : i32
      %dma_start3A_1499 = arith.constant 0 : i32
      %dma_start3A_1500 = arith.constant 0 : i32
      %dma_start3A_1501 = arith.constant 0 : i32
      %dma_start3A_1502 = tpu.memref_slice %arg6[%dma_start3A_1497, %dma_start3A_1499, %dma_start3A_1500, %dma_start3A_1501] : memref<2x4x200x64xf32, #tpu.memory_space<vmem>> -> memref<1x4x200x64xf32, #tpu.memory_space<vmem>>
      %dma_start3A_1503 = tpu.memref_squeeze %dma_start3A_1502 : memref<1x4x200x64xf32, #tpu.memory_space<vmem>> -> memref<4x200x64xf32, #tpu.memory_space<vmem>>
      %dma_start3A_1504 = arith.constant 0 : i32
      %dma_start3A_1505 = arith.constant 0 : i32
      %dma_start3A_1506 = tpu.memref_slice %dma_start3A_1503[%dma_start3A_1498, %dma_start3A_1504, %dma_start3A_1505] : memref<4x200x64xf32, #tpu.memory_space<vmem>> -> memref<1x200x64xf32, #tpu.memory_space<vmem>>
      %dma_start3A_1507 = tpu.memref_squeeze %dma_start3A_1506 : memref<1x200x64xf32, #tpu.memory_space<vmem>> -> memref<200x64xf32, #tpu.memory_space<vmem>>
      %dma_start3A_1508 = arith.constant 128 : i32
      %dma_start3A_1509 = arith.constant 0 : i32
      %dma_start3A_1510 = tpu.memref_slice %dma_start3A_1507[%dma_start3A_1508, %dma_start3A_1509] : memref<200x64xf32, #tpu.memory_space<vmem>> -> memref<72x64xf32, #tpu.memory_space<vmem>>
      %dma_start3A_1511 = arith.constant 128 : i32
      %dma_start3A_1512 = tpu.memref_slice %arg5[%add3A_1496, %dma_start3A_1511] : memref<128x200xi32, #tpu.memory_space<vmem>> -> memref<1x72xi32, #tpu.memory_space<vmem>>
      %dma_start3A_1513 = tpu.memref_squeeze %dma_start3A_1512 : memref<1x72xi32, #tpu.memory_space<vmem>> -> memref<72xi32, #tpu.memory_space<vmem>>
      %dma_start3A_1514 = arith.constant 0 : i32
      %dma_start3A_1515 = arith.constant 0 : i32
      %dma_start3A_1516 = tpu.memref_slice %arg2[%dma_start3A_1514, %dma_start3A_1515] : memref<1000000x64xf32, #tpu.memory_space<hbm>> -> memref<1000000x64xf32, #tpu.memory_space<hbm>>
      tpu.enqueue_indirect_dma source(%dma_start3A_1516 : memref<1000000x64xf32, #tpu.memory_space<hbm>>) target(%dma_start3A_1510 : memref<72x64xf32, #tpu.memory_space<vmem>>) offsets(%dma_start3A_1513 : memref<72xi32, #tpu.memory_space<vmem>>) semaphore(%arg8 : memref<!tpu.dma_semaphore, #tpu.memory_space<semaphore_mem>>)
      %mul3A_1517 = arith.constant 4 : i32
      %mul3A_1518 = arith.muli %add3A_1420, %mul3A_1517 : i32
      %add3A_1519 = arith.constant 2 : i32
      %add3A_1520 = arith.addi %mul3A_1518, %add3A_1519 : i32
      %dma_start3A_1521 = arith.constant 1 : i32
      %dma_start3A_1522 = arith.constant 2 : i32
      %dma_start3A_1523 = arith.constant 0 : i32
      %dma_start3A_1524 = arith.constant 0 : i32
      %dma_start3A_1525 = arith.constant 0 : i32
      %dma_start3A_1526 = tpu.memref_slice %arg6[%dma_start3A_1521, %dma_start3A_1523, %dma_start3A_1524, %dma_start3A_1525] : memref<2x4x200x64xf32, #tpu.memory_space<vmem>> -> memref<1x4x200x64xf32, #tpu.memory_space<vmem>>
      %dma_start3A_1527 = tpu.memref_squeeze %dma_start3A_1526 : memref<1x4x200x64xf32, #tpu.memory_space<vmem>> -> memref<4x200x64xf32, #tpu.memory_space<vmem>>
      %dma_start3A_1528 = arith.constant 0 : i32
      %dma_start3A_1529 = arith.constant 0 : i32
      %dma_start3A_1530 = tpu.memref_slice %dma_start3A_1527[%dma_start3A_1522, %dma_start3A_1528, %dma_start3A_1529] : memref<4x200x64xf32, #tpu.memory_space<vmem>> -> memref<1x200x64xf32, #tpu.memory_space<vmem>>
      %dma_start3A_1531 = tpu.memref_squeeze %dma_start3A_1530 : memref<1x200x64xf32, #tpu.memory_space<vmem>> -> memref<200x64xf32, #tpu.memory_space<vmem>>
      %dma_start3A_1532 = arith.constant 0 : i32
      %dma_start3A_1533 = arith.constant 0 : i32
      %dma_start3A_1534 = tpu.memref_slice %dma_start3A_1531[%dma_start3A_1532, %dma_start3A_1533] : memref<200x64xf32, #tpu.memory_space<vmem>> -> memref<128x64xf32, #tpu.memory_space<vmem>>
      %dma_start3A_1535 = arith.constant 0 : i32
      %dma_start3A_1536 = tpu.memref_slice %arg5[%add3A_1520, %dma_start3A_1535] : memref<128x200xi32, #tpu.memory_space<vmem>> -> memref<1x128xi32, #tpu.memory_space<vmem>>
      %dma_start3A_1537 = tpu.memref_squeeze %dma_start3A_1536 : memref<1x128xi32, #tpu.memory_space<vmem>> -> memref<128xi32, #tpu.memory_space<vmem>>
      %dma_start3A_1538 = arith.constant 0 : i32
      %dma_start3A_1539 = arith.constant 0 : i32
      %dma_start3A_1540 = tpu.memref_slice %arg2[%dma_start3A_1538, %dma_start3A_1539] : memref<1000000x64xf32, #tpu.memory_space<hbm>> -> memref<1000000x64xf32, #tpu.memory_space<hbm>>
      tpu.enqueue_indirect_dma source(%dma_start3A_1540 : memref<1000000x64xf32, #tpu.memory_space<hbm>>) target(%dma_start3A_1534 : memref<128x64xf32, #tpu.memory_space<vmem>>) offsets(%dma_start3A_1537 : memref<128xi32, #tpu.memory_space<vmem>>) semaphore(%arg8 : memref<!tpu.dma_semaphore, #tpu.memory_space<semaphore_mem>>)
      %mul3A_1541 = arith.constant 4 : i32
      %mul3A_1542 = arith.muli %add3A_1420, %mul3A_1541 : i32
      %add3A_1543 = arith.constant 2 : i32
      %add3A_1544 = arith.addi %mul3A_1542, %add3A_1543 : i32
      %dma_start3A_1545 = arith.constant 1 : i32
      %dma_start3A_1546 = arith.constant 2 : i32
      %dma_start3A_1547 = arith.constant 0 : i32
      %dma_start3A_1548 = arith.constant 0 : i32
      %dma_start3A_1549 = arith.constant 0 : i32
      %dma_start3A_1550 = tpu.memref_slice %arg6[%dma_start3A_1545, %dma_start3A_1547, %dma_start3A_1548, %dma_start3A_1549] : memref<2x4x200x64xf32, #tpu.memory_space<vmem>> -> memref<1x4x200x64xf32, #tpu.memory_space<vmem>>
      %dma_start3A_1551 = tpu.memref_squeeze %dma_start3A_1550 : memref<1x4x200x64xf32, #tpu.memory_space<vmem>> -> memref<4x200x64xf32, #tpu.memory_space<vmem>>
      %dma_start3A_1552 = arith.constant 0 : i32
      %dma_start3A_1553 = arith.constant 0 : i32
      %dma_start3A_1554 = tpu.memref_slice %dma_start3A_1551[%dma_start3A_1546, %dma_start3A_1552, %dma_start3A_1553] : memref<4x200x64xf32, #tpu.memory_space<vmem>> -> memref<1x200x64xf32, #tpu.memory_space<vmem>>
      %dma_start3A_1555 = tpu.memref_squeeze %dma_start3A_1554 : memref<1x200x64xf32, #tpu.memory_space<vmem>> -> memref<200x64xf32, #tpu.memory_space<vmem>>
      %dma_start3A_1556 = arith.constant 128 : i32
      %dma_start3A_1557 = arith.constant 0 : i32
      %dma_start3A_1558 = tpu.memref_slice %dma_start3A_1555[%dma_start3A_1556, %dma_start3A_1557] : memref<200x64xf32, #tpu.memory_space<vmem>> -> memref<72x64xf32, #tpu.memory_space<vmem>>
      %dma_start3A_1559 = arith.constant 128 : i32
      %dma_start3A_1560 = tpu.memref_slice %arg5[%add3A_1544, %dma_start3A_1559] : memref<128x200xi32, #tpu.memory_space<vmem>> -> memref<1x72xi32, #tpu.memory_space<vmem>>
      %dma_start3A_1561 = tpu.memref_squeeze %dma_start3A_1560 : memref<1x72xi32, #tpu.memory_space<vmem>> -> memref<72xi32, #tpu.memory_space<vmem>>
      %dma_start3A_1562 = arith.constant 0 : i32
      %dma_start3A_1563 = arith.constant 0 : i32
      %dma_start3A_1564 = tpu.memref_slice %arg2[%dma_start3A_1562, %dma_start3A_1563] : memref<1000000x64xf32, #tpu.memory_space<hbm>> -> memref<1000000x64xf32, #tpu.memory_space<hbm>>
      tpu.enqueue_indirect_dma source(%dma_start3A_1564 : memref<1000000x64xf32, #tpu.memory_space<hbm>>) target(%dma_start3A_1558 : memref<72x64xf32, #tpu.memory_space<vmem>>) offsets(%dma_start3A_1561 : memref<72xi32, #tpu.memory_space<vmem>>) semaphore(%arg8 : memref<!tpu.dma_semaphore, #tpu.memory_space<semaphore_mem>>)
      %mul3A_1565 = arith.constant 4 : i32
      %mul3A_1566 = arith.muli %add3A_1420, %mul3A_1565 : i32
      %add3A_1567 = arith.constant 3 : i32
      %add3A_1568 = arith.addi %mul3A_1566, %add3A_1567 : i32
      %dma_start3A_1569 = arith.constant 1 : i32
      %dma_start3A_1570 = arith.constant 3 : i32
      %dma_start3A_1571 = arith.constant 0 : i32
      %dma_start3A_1572 = arith.constant 0 : i32
      %dma_start3A_1573 = arith.constant 0 : i32
      %dma_start3A_1574 = tpu.memref_slice %arg6[%dma_start3A_1569, %dma_start3A_1571, %dma_start3A_1572, %dma_start3A_1573] : memref<2x4x200x64xf32, #tpu.memory_space<vmem>> -> memref<1x4x200x64xf32, #tpu.memory_space<vmem>>
      %dma_start3A_1575 = tpu.memref_squeeze %dma_start3A_1574 : memref<1x4x200x64xf32, #tpu.memory_space<vmem>> -> memref<4x200x64xf32, #tpu.memory_space<vmem>>
      %dma_start3A_1576 = arith.constant 0 : i32
      %dma_start3A_1577 = arith.constant 0 : i32
      %dma_start3A_1578 = tpu.memref_slice %dma_start3A_1575[%dma_start3A_1570, %dma_start3A_1576, %dma_start3A_1577] : memref<4x200x64xf32, #tpu.memory_space<vmem>> -> memref<1x200x64xf32, #tpu.memory_space<vmem>>
      %dma_start3A_1579 = tpu.memref_squeeze %dma_start3A_1578 : memref<1x200x64xf32, #tpu.memory_space<vmem>> -> memref<200x64xf32, #tpu.memory_space<vmem>>
      %dma_start3A_1580 = arith.constant 0 : i32
      %dma_start3A_1581 = arith.constant 0 : i32
      %dma_start3A_1582 = tpu.memref_slice %dma_start3A_1579[%dma_start3A_1580, %dma_start3A_1581] : memref<200x64xf32, #tpu.memory_space<vmem>> -> memref<128x64xf32, #tpu.memory_space<vmem>>
      %dma_start3A_1583 = arith.constant 0 : i32
      %dma_start3A_1584 = tpu.memref_slice %arg5[%add3A_1568, %dma_start3A_1583] : memref<128x200xi32, #tpu.memory_space<vmem>> -> memref<1x128xi32, #tpu.memory_space<vmem>>
      %dma_start3A_1585 = tpu.memref_squeeze %dma_start3A_1584 : memref<1x128xi32, #tpu.memory_space<vmem>> -> memref<128xi32, #tpu.memory_space<vmem>>
      %dma_start3A_1586 = arith.constant 0 : i32
      %dma_start3A_1587 = arith.constant 0 : i32
      %dma_start3A_1588 = tpu.memref_slice %arg2[%dma_start3A_1586, %dma_start3A_1587] : memref<1000000x64xf32, #tpu.memory_space<hbm>> -> memref<1000000x64xf32, #tpu.memory_space<hbm>>
      tpu.enqueue_indirect_dma source(%dma_start3A_1588 : memref<1000000x64xf32, #tpu.memory_space<hbm>>) target(%dma_start3A_1582 : memref<128x64xf32, #tpu.memory_space<vmem>>) offsets(%dma_start3A_1585 : memref<128xi32, #tpu.memory_space<vmem>>) semaphore(%arg8 : memref<!tpu.dma_semaphore, #tpu.memory_space<semaphore_mem>>)
      %mul3A_1589 = arith.constant 4 : i32
      %mul3A_1590 = arith.muli %add3A_1420, %mul3A_1589 : i32
      %add3A_1591 = arith.constant 3 : i32
      %add3A_1592 = arith.addi %mul3A_1590, %add3A_1591 : i32
      %dma_start3A_1593 = arith.constant 1 : i32
      %dma_start3A_1594 = arith.constant 3 : i32
      %dma_start3A_1595 = arith.constant 0 : i32
      %dma_start3A_1596 = arith.constant 0 : i32
      %dma_start3A_1597 = arith.constant 0 : i32
      %dma_start3A_1598 = tpu.memref_slice %arg6[%dma_start3A_1593, %dma_start3A_1595, %dma_start3A_1596, %dma_start3A_1597] : memref<2x4x200x64xf32, #tpu.memory_space<vmem>> -> memref<1x4x200x64xf32, #tpu.memory_space<vmem>>
      %dma_start3A_1599 = tpu.memref_squeeze %dma_start3A_1598 : memref<1x4x200x64xf32, #tpu.memory_space<vmem>> -> memref<4x200x64xf32, #tpu.memory_space<vmem>>
      %dma_start3A_1600 = arith.constant 0 : i32
      %dma_start3A_1601 = arith.constant 0 : i32
      %dma_start3A_1602 = tpu.memref_slice %dma_start3A_1599[%dma_start3A_1594, %dma_start3A_1600, %dma_start3A_1601] : memref<4x200x64xf32, #tpu.memory_space<vmem>> -> memref<1x200x64xf32, #tpu.memory_space<vmem>>
      %dma_start3A_1603 = tpu.memref_squeeze %dma_start3A_1602 : memref<1x200x64xf32, #tpu.memory_space<vmem>> -> memref<200x64xf32, #tpu.memory_space<vmem>>
      %dma_start3A_1604 = arith.constant 128 : i32
      %dma_start3A_1605 = arith.constant 0 : i32
      %dma_start3A_1606 = tpu.memref_slice %dma_start3A_1603[%dma_start3A_1604, %dma_start3A_1605] : memref<200x64xf32, #tpu.memory_space<vmem>> -> memref<72x64xf32, #tpu.memory_space<vmem>>
      %dma_start3A_1607 = arith.constant 128 : i32
      %dma_start3A_1608 = tpu.memref_slice %arg5[%add3A_1592, %dma_start3A_1607] : memref<128x200xi32, #tpu.memory_space<vmem>> -> memref<1x72xi32, #tpu.memory_space<vmem>>
      %dma_start3A_1609 = tpu.memref_squeeze %dma_start3A_1608 : memref<1x72xi32, #tpu.memory_space<vmem>> -> memref<72xi32, #tpu.memory_space<vmem>>
      %dma_start3A_1610 = arith.constant 0 : i32
      %dma_start3A_1611 = arith.constant 0 : i32
      %dma_start3A_1612 = tpu.memref_slice %arg2[%dma_start3A_1610, %dma_start3A_1611] : memref<1000000x64xf32, #tpu.memory_space<hbm>> -> memref<1000000x64xf32, #tpu.memory_space<hbm>>
      tpu.enqueue_indirect_dma source(%dma_start3A_1612 : memref<1000000x64xf32, #tpu.memory_space<hbm>>) target(%dma_start3A_1606 : memref<72x64xf32, #tpu.memory_space<vmem>>) offsets(%dma_start3A_1609 : memref<72xi32, #tpu.memory_space<vmem>>) semaphore(%arg8 : memref<!tpu.dma_semaphore, #tpu.memory_space<semaphore_mem>>)
    }
    %scan3A_342 = arith.constant 15 : i32
    %dma_wait3A = arith.constant 120 : i32
    %dma_wait3A_343 = arith.constant 0 : i32
    %dma_wait3A_344 = arith.constant 0 : i32
    %dma_wait3A_345 = arith.constant 0 : i32
    %dma_wait3A_346 = arith.constant 0 : i32
    %dma_wait3A_347 = arith.constant 0 : i32
    %dma_wait3A_348 = tpu.memref_slice %arg6[%dma_wait3A_343, %dma_wait3A_345, %dma_wait3A_346, %dma_wait3A_347] : memref<2x4x200x64xf32, #tpu.memory_space<vmem>> -> memref<1x4x200x64xf32, #tpu.memory_space<vmem>>
    %dma_wait3A_349 = tpu.memref_squeeze %dma_wait3A_348 : memref<1x4x200x64xf32, #tpu.memory_space<vmem>> -> memref<4x200x64xf32, #tpu.memory_space<vmem>>
    %dma_wait3A_350 = arith.constant 0 : i32
    %dma_wait3A_351 = arith.constant 0 : i32
    %dma_wait3A_352 = tpu.memref_slice %dma_wait3A_349[%dma_wait3A_344, %dma_wait3A_350, %dma_wait3A_351] : memref<4x200x64xf32, #tpu.memory_space<vmem>> -> memref<1x200x64xf32, #tpu.memory_space<vmem>>
    %dma_wait3A_353 = tpu.memref_squeeze %dma_wait3A_352 : memref<1x200x64xf32, #tpu.memory_space<vmem>> -> memref<200x64xf32, #tpu.memory_space<vmem>>
    %dma_wait3A_354 = arith.constant 0 : i32
    %dma_wait3A_355 = arith.constant 0 : i32
    %dma_wait3A_356 = tpu.memref_slice %dma_wait3A_353[%dma_wait3A_354, %dma_wait3A_355] : memref<200x64xf32, #tpu.memory_space<vmem>> -> memref<128x64xf32, #tpu.memory_space<vmem>>
    %dma_wait3A_357 = arith.constant 0 : i32
    %dma_wait3A_358 = tpu.memref_slice %arg5[%dma_wait3A, %dma_wait3A_357] : memref<128x200xi32, #tpu.memory_space<vmem>> -> memref<1x128xi32, #tpu.memory_space<vmem>>
    %dma_wait3A_359 = tpu.memref_squeeze %dma_wait3A_358 : memref<1x128xi32, #tpu.memory_space<vmem>> -> memref<128xi32, #tpu.memory_space<vmem>>
    %dma_wait3A_360 = arith.constant 0 : i32
    %dma_wait3A_361 = arith.constant 0 : i32
    %dma_wait3A_362 = tpu.memref_slice %arg2[%dma_wait3A_360, %dma_wait3A_361] : memref<1000000x64xf32, #tpu.memory_space<hbm>> -> memref<1000000x64xf32, #tpu.memory_space<hbm>>
    tpu.wait_indirect_dma semaphore(%arg7 : memref<!tpu.dma_semaphore, #tpu.memory_space<semaphore_mem>>) src(%dma_wait3A_362 : memref<1000000x64xf32, #tpu.memory_space<hbm>>) dst(%dma_wait3A_356 : memref<128x64xf32, #tpu.memory_space<vmem>>)
    %dma_wait3A_363 = arith.constant 120 : i32
    %dma_wait3A_364 = arith.constant 0 : i32
    %dma_wait3A_365 = arith.constant 0 : i32
    %dma_wait3A_366 = arith.constant 0 : i32
    %dma_wait3A_367 = arith.constant 0 : i32
    %dma_wait3A_368 = arith.constant 0 : i32
    %dma_wait3A_369 = tpu.memref_slice %arg6[%dma_wait3A_364, %dma_wait3A_366, %dma_wait3A_367, %dma_wait3A_368] : memref<2x4x200x64xf32, #tpu.memory_space<vmem>> -> memref<1x4x200x64xf32, #tpu.memory_space<vmem>>
    %dma_wait3A_370 = tpu.memref_squeeze %dma_wait3A_369 : memref<1x4x200x64xf32, #tpu.memory_space<vmem>> -> memref<4x200x64xf32, #tpu.memory_space<vmem>>
    %dma_wait3A_371 = arith.constant 0 : i32
    %dma_wait3A_372 = arith.constant 0 : i32
    %dma_wait3A_373 = tpu.memref_slice %dma_wait3A_370[%dma_wait3A_365, %dma_wait3A_371, %dma_wait3A_372] : memref<4x200x64xf32, #tpu.memory_space<vmem>> -> memref<1x200x64xf32, #tpu.memory_space<vmem>>
    %dma_wait3A_374 = tpu.memref_squeeze %dma_wait3A_373 : memref<1x200x64xf32, #tpu.memory_space<vmem>> -> memref<200x64xf32, #tpu.memory_space<vmem>>
    %dma_wait3A_375 = arith.constant 128 : i32
    %dma_wait3A_376 = arith.constant 0 : i32
    %dma_wait3A_377 = tpu.memref_slice %dma_wait3A_374[%dma_wait3A_375, %dma_wait3A_376] : memref<200x64xf32, #tpu.memory_space<vmem>> -> memref<72x64xf32, #tpu.memory_space<vmem>>
    %dma_wait3A_378 = arith.constant 128 : i32
    %dma_wait3A_379 = tpu.memref_slice %arg5[%dma_wait3A_363, %dma_wait3A_378] : memref<128x200xi32, #tpu.memory_space<vmem>> -> memref<1x72xi32, #tpu.memory_space<vmem>>
    %dma_wait3A_380 = tpu.memref_squeeze %dma_wait3A_379 : memref<1x72xi32, #tpu.memory_space<vmem>> -> memref<72xi32, #tpu.memory_space<vmem>>
    %dma_wait3A_381 = arith.constant 0 : i32
    %dma_wait3A_382 = arith.constant 0 : i32
    %dma_wait3A_383 = tpu.memref_slice %arg2[%dma_wait3A_381, %dma_wait3A_382] : memref<1000000x64xf32, #tpu.memory_space<hbm>> -> memref<1000000x64xf32, #tpu.memory_space<hbm>>
    tpu.wait_indirect_dma semaphore(%arg7 : memref<!tpu.dma_semaphore, #tpu.memory_space<semaphore_mem>>) src(%dma_wait3A_383 : memref<1000000x64xf32, #tpu.memory_space<hbm>>) dst(%dma_wait3A_377 : memref<72x64xf32, #tpu.memory_space<vmem>>)
    %dma_wait3A_384 = arith.constant 121 : i32
    %dma_wait3A_385 = arith.constant 0 : i32
    %dma_wait3A_386 = arith.constant 1 : i32
    %dma_wait3A_387 = arith.constant 0 : i32
    %dma_wait3A_388 = arith.constant 0 : i32
    %dma_wait3A_389 = arith.constant 0 : i32
    %dma_wait3A_390 = tpu.memref_slice %arg6[%dma_wait3A_385, %dma_wait3A_387, %dma_wait3A_388, %dma_wait3A_389] : memref<2x4x200x64xf32, #tpu.memory_space<vmem>> -> memref<1x4x200x64xf32, #tpu.memory_space<vmem>>
    %dma_wait3A_391 = tpu.memref_squeeze %dma_wait3A_390 : memref<1x4x200x64xf32, #tpu.memory_space<vmem>> -> memref<4x200x64xf32, #tpu.memory_space<vmem>>
    %dma_wait3A_392 = arith.constant 0 : i32
    %dma_wait3A_393 = arith.constant 0 : i32
    %dma_wait3A_394 = tpu.memref_slice %dma_wait3A_391[%dma_wait3A_386, %dma_wait3A_392, %dma_wait3A_393] : memref<4x200x64xf32, #tpu.memory_space<vmem>> -> memref<1x200x64xf32, #tpu.memory_space<vmem>>
    %dma_wait3A_395 = tpu.memref_squeeze %dma_wait3A_394 : memref<1x200x64xf32, #tpu.memory_space<vmem>> -> memref<200x64xf32, #tpu.memory_space<vmem>>
    %dma_wait3A_396 = arith.constant 0 : i32
    %dma_wait3A_397 = arith.constant 0 : i32
    %dma_wait3A_398 = tpu.memref_slice %dma_wait3A_395[%dma_wait3A_396, %dma_wait3A_397] : memref<200x64xf32, #tpu.memory_space<vmem>> -> memref<128x64xf32, #tpu.memory_space<vmem>>
    %dma_wait3A_399 = arith.constant 0 : i32
    %dma_wait3A_400 = tpu.memref_slice %arg5[%dma_wait3A_384, %dma_wait3A_399] : memref<128x200xi32, #tpu.memory_space<vmem>> -> memref<1x128xi32, #tpu.memory_space<vmem>>
    %dma_wait3A_401 = tpu.memref_squeeze %dma_wait3A_400 : memref<1x128xi32, #tpu.memory_space<vmem>> -> memref<128xi32, #tpu.memory_space<vmem>>
    %dma_wait3A_402 = arith.constant 0 : i32
    %dma_wait3A_403 = arith.constant 0 : i32
    %dma_wait3A_404 = tpu.memref_slice %arg2[%dma_wait3A_402, %dma_wait3A_403] : memref<1000000x64xf32, #tpu.memory_space<hbm>> -> memref<1000000x64xf32, #tpu.memory_space<hbm>>
    tpu.wait_indirect_dma semaphore(%arg7 : memref<!tpu.dma_semaphore, #tpu.memory_space<semaphore_mem>>) src(%dma_wait3A_404 : memref<1000000x64xf32, #tpu.memory_space<hbm>>) dst(%dma_wait3A_398 : memref<128x64xf32, #tpu.memory_space<vmem>>)
    %dma_wait3A_405 = arith.constant 121 : i32
    %dma_wait3A_406 = arith.constant 0 : i32
    %dma_wait3A_407 = arith.constant 1 : i32
    %dma_wait3A_408 = arith.constant 0 : i32
    %dma_wait3A_409 = arith.constant 0 : i32
    %dma_wait3A_410 = arith.constant 0 : i32
    %dma_wait3A_411 = tpu.memref_slice %arg6[%dma_wait3A_406, %dma_wait3A_408, %dma_wait3A_409, %dma_wait3A_410] : memref<2x4x200x64xf32, #tpu.memory_space<vmem>> -> memref<1x4x200x64xf32, #tpu.memory_space<vmem>>
    %dma_wait3A_412 = tpu.memref_squeeze %dma_wait3A_411 : memref<1x4x200x64xf32, #tpu.memory_space<vmem>> -> memref<4x200x64xf32, #tpu.memory_space<vmem>>
    %dma_wait3A_413 = arith.constant 0 : i32
    %dma_wait3A_414 = arith.constant 0 : i32
    %dma_wait3A_415 = tpu.memref_slice %dma_wait3A_412[%dma_wait3A_407, %dma_wait3A_413, %dma_wait3A_414] : memref<4x200x64xf32, #tpu.memory_space<vmem>> -> memref<1x200x64xf32, #tpu.memory_space<vmem>>
    %dma_wait3A_416 = tpu.memref_squeeze %dma_wait3A_415 : memref<1x200x64xf32, #tpu.memory_space<vmem>> -> memref<200x64xf32, #tpu.memory_space<vmem>>
    %dma_wait3A_417 = arith.constant 128 : i32
    %dma_wait3A_418 = arith.constant 0 : i32
    %dma_wait3A_419 = tpu.memref_slice %dma_wait3A_416[%dma_wait3A_417, %dma_wait3A_418] : memref<200x64xf32, #tpu.memory_space<vmem>> -> memref<72x64xf32, #tpu.memory_space<vmem>>
    %dma_wait3A_420 = arith.constant 128 : i32
    %dma_wait3A_421 = tpu.memref_slice %arg5[%dma_wait3A_405, %dma_wait3A_420] : memref<128x200xi32, #tpu.memory_space<vmem>> -> memref<1x72xi32, #tpu.memory_space<vmem>>
    %dma_wait3A_422 = tpu.memref_squeeze %dma_wait3A_421 : memref<1x72xi32, #tpu.memory_space<vmem>> -> memref<72xi32, #tpu.memory_space<vmem>>
    %dma_wait3A_423 = arith.constant 0 : i32
    %dma_wait3A_424 = arith.constant 0 : i32
    %dma_wait3A_425 = tpu.memref_slice %arg2[%dma_wait3A_423, %dma_wait3A_424] : memref<1000000x64xf32, #tpu.memory_space<hbm>> -> memref<1000000x64xf32, #tpu.memory_space<hbm>>
    tpu.wait_indirect_dma semaphore(%arg7 : memref<!tpu.dma_semaphore, #tpu.memory_space<semaphore_mem>>) src(%dma_wait3A_425 : memref<1000000x64xf32, #tpu.memory_space<hbm>>) dst(%dma_wait3A_419 : memref<72x64xf32, #tpu.memory_space<vmem>>)
    %dma_wait3A_426 = arith.constant 122 : i32
    %dma_wait3A_427 = arith.constant 0 : i32
    %dma_wait3A_428 = arith.constant 2 : i32
    %dma_wait3A_429 = arith.constant 0 : i32
    %dma_wait3A_430 = arith.constant 0 : i32
    %dma_wait3A_431 = arith.constant 0 : i32
    %dma_wait3A_432 = tpu.memref_slice %arg6[%dma_wait3A_427, %dma_wait3A_429, %dma_wait3A_430, %dma_wait3A_431] : memref<2x4x200x64xf32, #tpu.memory_space<vmem>> -> memref<1x4x200x64xf32, #tpu.memory_space<vmem>>
    %dma_wait3A_433 = tpu.memref_squeeze %dma_wait3A_432 : memref<1x4x200x64xf32, #tpu.memory_space<vmem>> -> memref<4x200x64xf32, #tpu.memory_space<vmem>>
    %dma_wait3A_434 = arith.constant 0 : i32
    %dma_wait3A_435 = arith.constant 0 : i32
    %dma_wait3A_436 = tpu.memref_slice %dma_wait3A_433[%dma_wait3A_428, %dma_wait3A_434, %dma_wait3A_435] : memref<4x200x64xf32, #tpu.memory_space<vmem>> -> memref<1x200x64xf32, #tpu.memory_space<vmem>>
    %dma_wait3A_437 = tpu.memref_squeeze %dma_wait3A_436 : memref<1x200x64xf32, #tpu.memory_space<vmem>> -> memref<200x64xf32, #tpu.memory_space<vmem>>
    %dma_wait3A_438 = arith.constant 0 : i32
    %dma_wait3A_439 = arith.constant 0 : i32
    %dma_wait3A_440 = tpu.memref_slice %dma_wait3A_437[%dma_wait3A_438, %dma_wait3A_439] : memref<200x64xf32, #tpu.memory_space<vmem>> -> memref<128x64xf32, #tpu.memory_space<vmem>>
    %dma_wait3A_441 = arith.constant 0 : i32
    %dma_wait3A_442 = tpu.memref_slice %arg5[%dma_wait3A_426, %dma_wait3A_441] : memref<128x200xi32, #tpu.memory_space<vmem>> -> memref<1x128xi32, #tpu.memory_space<vmem>>
    %dma_wait3A_443 = tpu.memref_squeeze %dma_wait3A_442 : memref<1x128xi32, #tpu.memory_space<vmem>> -> memref<128xi32, #tpu.memory_space<vmem>>
    %dma_wait3A_444 = arith.constant 0 : i32
    %dma_wait3A_445 = arith.constant 0 : i32
    %dma_wait3A_446 = tpu.memref_slice %arg2[%dma_wait3A_444, %dma_wait3A_445] : memref<1000000x64xf32, #tpu.memory_space<hbm>> -> memref<1000000x64xf32, #tpu.memory_space<hbm>>
    tpu.wait_indirect_dma semaphore(%arg7 : memref<!tpu.dma_semaphore, #tpu.memory_space<semaphore_mem>>) src(%dma_wait3A_446 : memref<1000000x64xf32, #tpu.memory_space<hbm>>) dst(%dma_wait3A_440 : memref<128x64xf32, #tpu.memory_space<vmem>>)
    %dma_wait3A_447 = arith.constant 122 : i32
    %dma_wait3A_448 = arith.constant 0 : i32
    %dma_wait3A_449 = arith.constant 2 : i32
    %dma_wait3A_450 = arith.constant 0 : i32
    %dma_wait3A_451 = arith.constant 0 : i32
    %dma_wait3A_452 = arith.constant 0 : i32
    %dma_wait3A_453 = tpu.memref_slice %arg6[%dma_wait3A_448, %dma_wait3A_450, %dma_wait3A_451, %dma_wait3A_452] : memref<2x4x200x64xf32, #tpu.memory_space<vmem>> -> memref<1x4x200x64xf32, #tpu.memory_space<vmem>>
    %dma_wait3A_454 = tpu.memref_squeeze %dma_wait3A_453 : memref<1x4x200x64xf32, #tpu.memory_space<vmem>> -> memref<4x200x64xf32, #tpu.memory_space<vmem>>
    %dma_wait3A_455 = arith.constant 0 : i32
    %dma_wait3A_456 = arith.constant 0 : i32
    %dma_wait3A_457 = tpu.memref_slice %dma_wait3A_454[%dma_wait3A_449, %dma_wait3A_455, %dma_wait3A_456] : memref<4x200x64xf32, #tpu.memory_space<vmem>> -> memref<1x200x64xf32, #tpu.memory_space<vmem>>
    %dma_wait3A_458 = tpu.memref_squeeze %dma_wait3A_457 : memref<1x200x64xf32, #tpu.memory_space<vmem>> -> memref<200x64xf32, #tpu.memory_space<vmem>>
    %dma_wait3A_459 = arith.constant 128 : i32
    %dma_wait3A_460 = arith.constant 0 : i32
    %dma_wait3A_461 = tpu.memref_slice %dma_wait3A_458[%dma_wait3A_459, %dma_wait3A_460] : memref<200x64xf32, #tpu.memory_space<vmem>> -> memref<72x64xf32, #tpu.memory_space<vmem>>
    %dma_wait3A_462 = arith.constant 128 : i32
    %dma_wait3A_463 = tpu.memref_slice %arg5[%dma_wait3A_447, %dma_wait3A_462] : memref<128x200xi32, #tpu.memory_space<vmem>> -> memref<1x72xi32, #tpu.memory_space<vmem>>
    %dma_wait3A_464 = tpu.memref_squeeze %dma_wait3A_463 : memref<1x72xi32, #tpu.memory_space<vmem>> -> memref<72xi32, #tpu.memory_space<vmem>>
    %dma_wait3A_465 = arith.constant 0 : i32
    %dma_wait3A_466 = arith.constant 0 : i32
    %dma_wait3A_467 = tpu.memref_slice %arg2[%dma_wait3A_465, %dma_wait3A_466] : memref<1000000x64xf32, #tpu.memory_space<hbm>> -> memref<1000000x64xf32, #tpu.memory_space<hbm>>
    tpu.wait_indirect_dma semaphore(%arg7 : memref<!tpu.dma_semaphore, #tpu.memory_space<semaphore_mem>>) src(%dma_wait3A_467 : memref<1000000x64xf32, #tpu.memory_space<hbm>>) dst(%dma_wait3A_461 : memref<72x64xf32, #tpu.memory_space<vmem>>)
    %dma_wait3A_468 = arith.constant 123 : i32
    %dma_wait3A_469 = arith.constant 0 : i32
    %dma_wait3A_470 = arith.constant 3 : i32
    %dma_wait3A_471 = arith.constant 0 : i32
    %dma_wait3A_472 = arith.constant 0 : i32
    %dma_wait3A_473 = arith.constant 0 : i32
    %dma_wait3A_474 = tpu.memref_slice %arg6[%dma_wait3A_469, %dma_wait3A_471, %dma_wait3A_472, %dma_wait3A_473] : memref<2x4x200x64xf32, #tpu.memory_space<vmem>> -> memref<1x4x200x64xf32, #tpu.memory_space<vmem>>
    %dma_wait3A_475 = tpu.memref_squeeze %dma_wait3A_474 : memref<1x4x200x64xf32, #tpu.memory_space<vmem>> -> memref<4x200x64xf32, #tpu.memory_space<vmem>>
    %dma_wait3A_476 = arith.constant 0 : i32
    %dma_wait3A_477 = arith.constant 0 : i32
    %dma_wait3A_478 = tpu.memref_slice %dma_wait3A_475[%dma_wait3A_470, %dma_wait3A_476, %dma_wait3A_477] : memref<4x200x64xf32, #tpu.memory_space<vmem>> -> memref<1x200x64xf32, #tpu.memory_space<vmem>>
    %dma_wait3A_479 = tpu.memref_squeeze %dma_wait3A_478 : memref<1x200x64xf32, #tpu.memory_space<vmem>> -> memref<200x64xf32, #tpu.memory_space<vmem>>
    %dma_wait3A_480 = arith.constant 0 : i32
    %dma_wait3A_481 = arith.constant 0 : i32
    %dma_wait3A_482 = tpu.memref_slice %dma_wait3A_479[%dma_wait3A_480, %dma_wait3A_481] : memref<200x64xf32, #tpu.memory_space<vmem>> -> memref<128x64xf32, #tpu.memory_space<vmem>>
    %dma_wait3A_483 = arith.constant 0 : i32
    %dma_wait3A_484 = tpu.memref_slice %arg5[%dma_wait3A_468, %dma_wait3A_483] : memref<128x200xi32, #tpu.memory_space<vmem>> -> memref<1x128xi32, #tpu.memory_space<vmem>>
    %dma_wait3A_485 = tpu.memref_squeeze %dma_wait3A_484 : memref<1x128xi32, #tpu.memory_space<vmem>> -> memref<128xi32, #tpu.memory_space<vmem>>
    %dma_wait3A_486 = arith.constant 0 : i32
    %dma_wait3A_487 = arith.constant 0 : i32
    %dma_wait3A_488 = tpu.memref_slice %arg2[%dma_wait3A_486, %dma_wait3A_487] : memref<1000000x64xf32, #tpu.memory_space<hbm>> -> memref<1000000x64xf32, #tpu.memory_space<hbm>>
    tpu.wait_indirect_dma semaphore(%arg7 : memref<!tpu.dma_semaphore, #tpu.memory_space<semaphore_mem>>) src(%dma_wait3A_488 : memref<1000000x64xf32, #tpu.memory_space<hbm>>) dst(%dma_wait3A_482 : memref<128x64xf32, #tpu.memory_space<vmem>>)
    %dma_wait3A_489 = arith.constant 123 : i32
    %dma_wait3A_490 = arith.constant 0 : i32
    %dma_wait3A_491 = arith.constant 3 : i32
    %dma_wait3A_492 = arith.constant 0 : i32
    %dma_wait3A_493 = arith.constant 0 : i32
    %dma_wait3A_494 = arith.constant 0 : i32
    %dma_wait3A_495 = tpu.memref_slice %arg6[%dma_wait3A_490, %dma_wait3A_492, %dma_wait3A_493, %dma_wait3A_494] : memref<2x4x200x64xf32, #tpu.memory_space<vmem>> -> memref<1x4x200x64xf32, #tpu.memory_space<vmem>>
    %dma_wait3A_496 = tpu.memref_squeeze %dma_wait3A_495 : memref<1x4x200x64xf32, #tpu.memory_space<vmem>> -> memref<4x200x64xf32, #tpu.memory_space<vmem>>
    %dma_wait3A_497 = arith.constant 0 : i32
    %dma_wait3A_498 = arith.constant 0 : i32
    %dma_wait3A_499 = tpu.memref_slice %dma_wait3A_496[%dma_wait3A_491, %dma_wait3A_497, %dma_wait3A_498] : memref<4x200x64xf32, #tpu.memory_space<vmem>> -> memref<1x200x64xf32, #tpu.memory_space<vmem>>
    %dma_wait3A_500 = tpu.memref_squeeze %dma_wait3A_499 : memref<1x200x64xf32, #tpu.memory_space<vmem>> -> memref<200x64xf32, #tpu.memory_space<vmem>>
    %dma_wait3A_501 = arith.constant 128 : i32
    %dma_wait3A_502 = arith.constant 0 : i32
    %dma_wait3A_503 = tpu.memref_slice %dma_wait3A_500[%dma_wait3A_501, %dma_wait3A_502] : memref<200x64xf32, #tpu.memory_space<vmem>> -> memref<72x64xf32, #tpu.memory_space<vmem>>
    %dma_wait3A_504 = arith.constant 128 : i32
    %dma_wait3A_505 = tpu.memref_slice %arg5[%dma_wait3A_489, %dma_wait3A_504] : memref<128x200xi32, #tpu.memory_space<vmem>> -> memref<1x72xi32, #tpu.memory_space<vmem>>
    %dma_wait3A_506 = tpu.memref_squeeze %dma_wait3A_505 : memref<1x72xi32, #tpu.memory_space<vmem>> -> memref<72xi32, #tpu.memory_space<vmem>>
    %dma_wait3A_507 = arith.constant 0 : i32
    %dma_wait3A_508 = arith.constant 0 : i32
    %dma_wait3A_509 = tpu.memref_slice %arg2[%dma_wait3A_507, %dma_wait3A_508] : memref<1000000x64xf32, #tpu.memory_space<hbm>> -> memref<1000000x64xf32, #tpu.memory_space<hbm>>
    tpu.wait_indirect_dma semaphore(%arg7 : memref<!tpu.dma_semaphore, #tpu.memory_space<semaphore_mem>>) src(%dma_wait3A_509 : memref<1000000x64xf32, #tpu.memory_space<hbm>>) dst(%dma_wait3A_503 : memref<72x64xf32, #tpu.memory_space<vmem>>)
    %add3A_510 = arith.constant 120 : i32
    %add3A_511 = arith.addi %mul3A_2, %add3A_510 : i32
    %dma_start3A_512 = arith.constant 0 : i32
    %dma_start3A_513 = arith.constant 0 : i32
    %dma_start3A_514 = arith.constant 0 : i32
    %dma_start3A_515 = arith.constant 0 : i32
    %dma_start3A_516 = tpu.memref_slice %arg6[%dma_start3A_512, %dma_start3A_513, %dma_start3A_514, %dma_start3A_515] : memref<2x4x200x64xf32, #tpu.memory_space<vmem>> -> memref<1x4x200x64xf32, #tpu.memory_space<vmem>>
    %dma_start3A_517 = tpu.memref_squeeze %dma_start3A_516 : memref<1x4x200x64xf32, #tpu.memory_space<vmem>> -> memref<4x200x64xf32, #tpu.memory_space<vmem>>
    %dma_start3A_518 = arith.constant 0 : i32
    %dma_start3A_519 = arith.constant 0 : i32
    %dma_start3A_520 = tpu.memref_slice %arg4[%add3A_511, %dma_start3A_518, %dma_start3A_519] : memref<4096x200x64xf32, #tpu.memory_space<hbm>> -> memref<4x200x64xf32, #tpu.memory_space<hbm>>
    %dma_start3A_521 = arith.constant 0 : i32
    %dma_start3A_522 = arith.constant 0 : i32
    %dma_start3A_523 = tpu.memref_slice %arg4[%add3A_511, %dma_start3A_521, %dma_start3A_522] : memref<4096x200x64xf32, #tpu.memory_space<hbm>> -> memref<4x200x64xf32, #tpu.memory_space<hbm>>
    %dma_start3A_524 = arith.constant 0 : i32
    %dma_start3A_525 = arith.constant 0 : i32
    %dma_start3A_526 = arith.constant 0 : i32
    %dma_start3A_527 = tpu.memref_slice %arg6[%dma_start3A_512, %dma_start3A_524, %dma_start3A_525, %dma_start3A_526] : memref<2x4x200x64xf32, #tpu.memory_space<vmem>> -> memref<1x4x200x64xf32, #tpu.memory_space<vmem>>
    %dma_start3A_528 = tpu.memref_squeeze %dma_start3A_527 : memref<1x4x200x64xf32, #tpu.memory_space<vmem>> -> memref<4x200x64xf32, #tpu.memory_space<vmem>>
    tpu.enqueue_dma source(%dma_start3A_528 : memref<4x200x64xf32, #tpu.memory_space<vmem>>) target(%dma_start3A_523 : memref<4x200x64xf32, #tpu.memory_space<hbm>>) target_semaphore(%arg9 : memref<!tpu.dma_semaphore, #tpu.memory_space<semaphore_mem>>)
    %dma_wait3A_529 = arith.constant 124 : i32
    %dma_wait3A_530 = arith.constant 1 : i32
    %dma_wait3A_531 = arith.constant 0 : i32
    %dma_wait3A_532 = arith.constant 0 : i32
    %dma_wait3A_533 = arith.constant 0 : i32
    %dma_wait3A_534 = arith.constant 0 : i32
    %dma_wait3A_535 = tpu.memref_slice %arg6[%dma_wait3A_530, %dma_wait3A_532, %dma_wait3A_533, %dma_wait3A_534] : memref<2x4x200x64xf32, #tpu.memory_space<vmem>> -> memref<1x4x200x64xf32, #tpu.memory_space<vmem>>
    %dma_wait3A_536 = tpu.memref_squeeze %dma_wait3A_535 : memref<1x4x200x64xf32, #tpu.memory_space<vmem>> -> memref<4x200x64xf32, #tpu.memory_space<vmem>>
    %dma_wait3A_537 = arith.constant 0 : i32
    %dma_wait3A_538 = arith.constant 0 : i32
    %dma_wait3A_539 = tpu.memref_slice %dma_wait3A_536[%dma_wait3A_531, %dma_wait3A_537, %dma_wait3A_538] : memref<4x200x64xf32, #tpu.memory_space<vmem>> -> memref<1x200x64xf32, #tpu.memory_space<vmem>>
    %dma_wait3A_540 = tpu.memref_squeeze %dma_wait3A_539 : memref<1x200x64xf32, #tpu.memory_space<vmem>> -> memref<200x64xf32, #tpu.memory_space<vmem>>
    %dma_wait3A_541 = arith.constant 0 : i32
    %dma_wait3A_542 = arith.constant 0 : i32
    %dma_wait3A_543 = tpu.memref_slice %dma_wait3A_540[%dma_wait3A_541, %dma_wait3A_542] : memref<200x64xf32, #tpu.memory_space<vmem>> -> memref<128x64xf32, #tpu.memory_space<vmem>>
    %dma_wait3A_544 = arith.constant 0 : i32
    %dma_wait3A_545 = tpu.memref_slice %arg5[%dma_wait3A_529, %dma_wait3A_544] : memref<128x200xi32, #tpu.memory_space<vmem>> -> memref<1x128xi32, #tpu.memory_space<vmem>>
    %dma_wait3A_546 = tpu.memref_squeeze %dma_wait3A_545 : memref<1x128xi32, #tpu.memory_space<vmem>> -> memref<128xi32, #tpu.memory_space<vmem>>
    %dma_wait3A_547 = arith.constant 0 : i32
    %dma_wait3A_548 = arith.constant 0 : i32
    %dma_wait3A_549 = tpu.memref_slice %arg2[%dma_wait3A_547, %dma_wait3A_548] : memref<1000000x64xf32, #tpu.memory_space<hbm>> -> memref<1000000x64xf32, #tpu.memory_space<hbm>>
    tpu.wait_indirect_dma semaphore(%arg8 : memref<!tpu.dma_semaphore, #tpu.memory_space<semaphore_mem>>) src(%dma_wait3A_549 : memref<1000000x64xf32, #tpu.memory_space<hbm>>) dst(%dma_wait3A_543 : memref<128x64xf32, #tpu.memory_space<vmem>>)
    %dma_wait3A_550 = arith.constant 124 : i32
    %dma_wait3A_551 = arith.constant 1 : i32
    %dma_wait3A_552 = arith.constant 0 : i32
    %dma_wait3A_553 = arith.constant 0 : i32
    %dma_wait3A_554 = arith.constant 0 : i32
    %dma_wait3A_555 = arith.constant 0 : i32
    %dma_wait3A_556 = tpu.memref_slice %arg6[%dma_wait3A_551, %dma_wait3A_553, %dma_wait3A_554, %dma_wait3A_555] : memref<2x4x200x64xf32, #tpu.memory_space<vmem>> -> memref<1x4x200x64xf32, #tpu.memory_space<vmem>>
    %dma_wait3A_557 = tpu.memref_squeeze %dma_wait3A_556 : memref<1x4x200x64xf32, #tpu.memory_space<vmem>> -> memref<4x200x64xf32, #tpu.memory_space<vmem>>
    %dma_wait3A_558 = arith.constant 0 : i32
    %dma_wait3A_559 = arith.constant 0 : i32
    %dma_wait3A_560 = tpu.memref_slice %dma_wait3A_557[%dma_wait3A_552, %dma_wait3A_558, %dma_wait3A_559] : memref<4x200x64xf32, #tpu.memory_space<vmem>> -> memref<1x200x64xf32, #tpu.memory_space<vmem>>
    %dma_wait3A_561 = tpu.memref_squeeze %dma_wait3A_560 : memref<1x200x64xf32, #tpu.memory_space<vmem>> -> memref<200x64xf32, #tpu.memory_space<vmem>>
    %dma_wait3A_562 = arith.constant 128 : i32
    %dma_wait3A_563 = arith.constant 0 : i32
    %dma_wait3A_564 = tpu.memref_slice %dma_wait3A_561[%dma_wait3A_562, %dma_wait3A_563] : memref<200x64xf32, #tpu.memory_space<vmem>> -> memref<72x64xf32, #tpu.memory_space<vmem>>
    %dma_wait3A_565 = arith.constant 128 : i32
    %dma_wait3A_566 = tpu.memref_slice %arg5[%dma_wait3A_550, %dma_wait3A_565] : memref<128x200xi32, #tpu.memory_space<vmem>> -> memref<1x72xi32, #tpu.memory_space<vmem>>
    %dma_wait3A_567 = tpu.memref_squeeze %dma_wait3A_566 : memref<1x72xi32, #tpu.memory_space<vmem>> -> memref<72xi32, #tpu.memory_space<vmem>>
    %dma_wait3A_568 = arith.constant 0 : i32
    %dma_wait3A_569 = arith.constant 0 : i32
    %dma_wait3A_570 = tpu.memref_slice %arg2[%dma_wait3A_568, %dma_wait3A_569] : memref<1000000x64xf32, #tpu.memory_space<hbm>> -> memref<1000000x64xf32, #tpu.memory_space<hbm>>
    tpu.wait_indirect_dma semaphore(%arg8 : memref<!tpu.dma_semaphore, #tpu.memory_space<semaphore_mem>>) src(%dma_wait3A_570 : memref<1000000x64xf32, #tpu.memory_space<hbm>>) dst(%dma_wait3A_564 : memref<72x64xf32, #tpu.memory_space<vmem>>)
    %dma_wait3A_571 = arith.constant 125 : i32
    %dma_wait3A_572 = arith.constant 1 : i32
    %dma_wait3A_573 = arith.constant 1 : i32
    %dma_wait3A_574 = arith.constant 0 : i32
    %dma_wait3A_575 = arith.constant 0 : i32
    %dma_wait3A_576 = arith.constant 0 : i32
    %dma_wait3A_577 = tpu.memref_slice %arg6[%dma_wait3A_572, %dma_wait3A_574, %dma_wait3A_575, %dma_wait3A_576] : memref<2x4x200x64xf32, #tpu.memory_space<vmem>> -> memref<1x4x200x64xf32, #tpu.memory_space<vmem>>
    %dma_wait3A_578 = tpu.memref_squeeze %dma_wait3A_577 : memref<1x4x200x64xf32, #tpu.memory_space<vmem>> -> memref<4x200x64xf32, #tpu.memory_space<vmem>>
    %dma_wait3A_579 = arith.constant 0 : i32
    %dma_wait3A_580 = arith.constant 0 : i32
    %dma_wait3A_581 = tpu.memref_slice %dma_wait3A_578[%dma_wait3A_573, %dma_wait3A_579, %dma_wait3A_580] : memref<4x200x64xf32, #tpu.memory_space<vmem>> -> memref<1x200x64xf32, #tpu.memory_space<vmem>>
    %dma_wait3A_582 = tpu.memref_squeeze %dma_wait3A_581 : memref<1x200x64xf32, #tpu.memory_space<vmem>> -> memref<200x64xf32, #tpu.memory_space<vmem>>
    %dma_wait3A_583 = arith.constant 0 : i32
    %dma_wait3A_584 = arith.constant 0 : i32
    %dma_wait3A_585 = tpu.memref_slice %dma_wait3A_582[%dma_wait3A_583, %dma_wait3A_584] : memref<200x64xf32, #tpu.memory_space<vmem>> -> memref<128x64xf32, #tpu.memory_space<vmem>>
    %dma_wait3A_586 = arith.constant 0 : i32
    %dma_wait3A_587 = tpu.memref_slice %arg5[%dma_wait3A_571, %dma_wait3A_586] : memref<128x200xi32, #tpu.memory_space<vmem>> -> memref<1x128xi32, #tpu.memory_space<vmem>>
    %dma_wait3A_588 = tpu.memref_squeeze %dma_wait3A_587 : memref<1x128xi32, #tpu.memory_space<vmem>> -> memref<128xi32, #tpu.memory_space<vmem>>
    %dma_wait3A_589 = arith.constant 0 : i32
    %dma_wait3A_590 = arith.constant 0 : i32
    %dma_wait3A_591 = tpu.memref_slice %arg2[%dma_wait3A_589, %dma_wait3A_590] : memref<1000000x64xf32, #tpu.memory_space<hbm>> -> memref<1000000x64xf32, #tpu.memory_space<hbm>>
    tpu.wait_indirect_dma semaphore(%arg8 : memref<!tpu.dma_semaphore, #tpu.memory_space<semaphore_mem>>) src(%dma_wait3A_591 : memref<1000000x64xf32, #tpu.memory_space<hbm>>) dst(%dma_wait3A_585 : memref<128x64xf32, #tpu.memory_space<vmem>>)
    %dma_wait3A_592 = arith.constant 125 : i32
    %dma_wait3A_593 = arith.constant 1 : i32
    %dma_wait3A_594 = arith.constant 1 : i32
    %dma_wait3A_595 = arith.constant 0 : i32
    %dma_wait3A_596 = arith.constant 0 : i32
    %dma_wait3A_597 = arith.constant 0 : i32
    %dma_wait3A_598 = tpu.memref_slice %arg6[%dma_wait3A_593, %dma_wait3A_595, %dma_wait3A_596, %dma_wait3A_597] : memref<2x4x200x64xf32, #tpu.memory_space<vmem>> -> memref<1x4x200x64xf32, #tpu.memory_space<vmem>>
    %dma_wait3A_599 = tpu.memref_squeeze %dma_wait3A_598 : memref<1x4x200x64xf32, #tpu.memory_space<vmem>> -> memref<4x200x64xf32, #tpu.memory_space<vmem>>
    %dma_wait3A_600 = arith.constant 0 : i32
    %dma_wait3A_601 = arith.constant 0 : i32
    %dma_wait3A_602 = tpu.memref_slice %dma_wait3A_599[%dma_wait3A_594, %dma_wait3A_600, %dma_wait3A_601] : memref<4x200x64xf32, #tpu.memory_space<vmem>> -> memref<1x200x64xf32, #tpu.memory_space<vmem>>
    %dma_wait3A_603 = tpu.memref_squeeze %dma_wait3A_602 : memref<1x200x64xf32, #tpu.memory_space<vmem>> -> memref<200x64xf32, #tpu.memory_space<vmem>>
    %dma_wait3A_604 = arith.constant 128 : i32
    %dma_wait3A_605 = arith.constant 0 : i32
    %dma_wait3A_606 = tpu.memref_slice %dma_wait3A_603[%dma_wait3A_604, %dma_wait3A_605] : memref<200x64xf32, #tpu.memory_space<vmem>> -> memref<72x64xf32, #tpu.memory_space<vmem>>
    %dma_wait3A_607 = arith.constant 128 : i32
    %dma_wait3A_608 = tpu.memref_slice %arg5[%dma_wait3A_592, %dma_wait3A_607] : memref<128x200xi32, #tpu.memory_space<vmem>> -> memref<1x72xi32, #tpu.memory_space<vmem>>
    %dma_wait3A_609 = tpu.memref_squeeze %dma_wait3A_608 : memref<1x72xi32, #tpu.memory_space<vmem>> -> memref<72xi32, #tpu.memory_space<vmem>>
    %dma_wait3A_610 = arith.constant 0 : i32
    %dma_wait3A_611 = arith.constant 0 : i32
    %dma_wait3A_612 = tpu.memref_slice %arg2[%dma_wait3A_610, %dma_wait3A_611] : memref<1000000x64xf32, #tpu.memory_space<hbm>> -> memref<1000000x64xf32, #tpu.memory_space<hbm>>
    tpu.wait_indirect_dma semaphore(%arg8 : memref<!tpu.dma_semaphore, #tpu.memory_space<semaphore_mem>>) src(%dma_wait3A_612 : memref<1000000x64xf32, #tpu.memory_space<hbm>>) dst(%dma_wait3A_606 : memref<72x64xf32, #tpu.memory_space<vmem>>)
    %dma_wait3A_613 = arith.constant 126 : i32
    %dma_wait3A_614 = arith.constant 1 : i32
    %dma_wait3A_615 = arith.constant 2 : i32
    %dma_wait3A_616 = arith.constant 0 : i32
    %dma_wait3A_617 = arith.constant 0 : i32
    %dma_wait3A_618 = arith.constant 0 : i32
    %dma_wait3A_619 = tpu.memref_slice %arg6[%dma_wait3A_614, %dma_wait3A_616, %dma_wait3A_617, %dma_wait3A_618] : memref<2x4x200x64xf32, #tpu.memory_space<vmem>> -> memref<1x4x200x64xf32, #tpu.memory_space<vmem>>
    %dma_wait3A_620 = tpu.memref_squeeze %dma_wait3A_619 : memref<1x4x200x64xf32, #tpu.memory_space<vmem>> -> memref<4x200x64xf32, #tpu.memory_space<vmem>>
    %dma_wait3A_621 = arith.constant 0 : i32
    %dma_wait3A_622 = arith.constant 0 : i32
    %dma_wait3A_623 = tpu.memref_slice %dma_wait3A_620[%dma_wait3A_615, %dma_wait3A_621, %dma_wait3A_622] : memref<4x200x64xf32, #tpu.memory_space<vmem>> -> memref<1x200x64xf32, #tpu.memory_space<vmem>>
    %dma_wait3A_624 = tpu.memref_squeeze %dma_wait3A_623 : memref<1x200x64xf32, #tpu.memory_space<vmem>> -> memref<200x64xf32, #tpu.memory_space<vmem>>
    %dma_wait3A_625 = arith.constant 0 : i32
    %dma_wait3A_626 = arith.constant 0 : i32
    %dma_wait3A_627 = tpu.memref_slice %dma_wait3A_624[%dma_wait3A_625, %dma_wait3A_626] : memref<200x64xf32, #tpu.memory_space<vmem>> -> memref<128x64xf32, #tpu.memory_space<vmem>>
    %dma_wait3A_628 = arith.constant 0 : i32
    %dma_wait3A_629 = tpu.memref_slice %arg5[%dma_wait3A_613, %dma_wait3A_628] : memref<128x200xi32, #tpu.memory_space<vmem>> -> memref<1x128xi32, #tpu.memory_space<vmem>>
    %dma_wait3A_630 = tpu.memref_squeeze %dma_wait3A_629 : memref<1x128xi32, #tpu.memory_space<vmem>> -> memref<128xi32, #tpu.memory_space<vmem>>
    %dma_wait3A_631 = arith.constant 0 : i32
    %dma_wait3A_632 = arith.constant 0 : i32
    %dma_wait3A_633 = tpu.memref_slice %arg2[%dma_wait3A_631, %dma_wait3A_632] : memref<1000000x64xf32, #tpu.memory_space<hbm>> -> memref<1000000x64xf32, #tpu.memory_space<hbm>>
    tpu.wait_indirect_dma semaphore(%arg8 : memref<!tpu.dma_semaphore, #tpu.memory_space<semaphore_mem>>) src(%dma_wait3A_633 : memref<1000000x64xf32, #tpu.memory_space<hbm>>) dst(%dma_wait3A_627 : memref<128x64xf32, #tpu.memory_space<vmem>>)
    %dma_wait3A_634 = arith.constant 126 : i32
    %dma_wait3A_635 = arith.constant 1 : i32
    %dma_wait3A_636 = arith.constant 2 : i32
    %dma_wait3A_637 = arith.constant 0 : i32
    %dma_wait3A_638 = arith.constant 0 : i32
    %dma_wait3A_639 = arith.constant 0 : i32
    %dma_wait3A_640 = tpu.memref_slice %arg6[%dma_wait3A_635, %dma_wait3A_637, %dma_wait3A_638, %dma_wait3A_639] : memref<2x4x200x64xf32, #tpu.memory_space<vmem>> -> memref<1x4x200x64xf32, #tpu.memory_space<vmem>>
    %dma_wait3A_641 = tpu.memref_squeeze %dma_wait3A_640 : memref<1x4x200x64xf32, #tpu.memory_space<vmem>> -> memref<4x200x64xf32, #tpu.memory_space<vmem>>
    %dma_wait3A_642 = arith.constant 0 : i32
    %dma_wait3A_643 = arith.constant 0 : i32
    %dma_wait3A_644 = tpu.memref_slice %dma_wait3A_641[%dma_wait3A_636, %dma_wait3A_642, %dma_wait3A_643] : memref<4x200x64xf32, #tpu.memory_space<vmem>> -> memref<1x200x64xf32, #tpu.memory_space<vmem>>
    %dma_wait3A_645 = tpu.memref_squeeze %dma_wait3A_644 : memref<1x200x64xf32, #tpu.memory_space<vmem>> -> memref<200x64xf32, #tpu.memory_space<vmem>>
    %dma_wait3A_646 = arith.constant 128 : i32
    %dma_wait3A_647 = arith.constant 0 : i32
    %dma_wait3A_648 = tpu.memref_slice %dma_wait3A_645[%dma_wait3A_646, %dma_wait3A_647] : memref<200x64xf32, #tpu.memory_space<vmem>> -> memref<72x64xf32, #tpu.memory_space<vmem>>
    %dma_wait3A_649 = arith.constant 128 : i32
    %dma_wait3A_650 = tpu.memref_slice %arg5[%dma_wait3A_634, %dma_wait3A_649] : memref<128x200xi32, #tpu.memory_space<vmem>> -> memref<1x72xi32, #tpu.memory_space<vmem>>
    %dma_wait3A_651 = tpu.memref_squeeze %dma_wait3A_650 : memref<1x72xi32, #tpu.memory_space<vmem>> -> memref<72xi32, #tpu.memory_space<vmem>>
    %dma_wait3A_652 = arith.constant 0 : i32
    %dma_wait3A_653 = arith.constant 0 : i32
    %dma_wait3A_654 = tpu.memref_slice %arg2[%dma_wait3A_652, %dma_wait3A_653] : memref<1000000x64xf32, #tpu.memory_space<hbm>> -> memref<1000000x64xf32, #tpu.memory_space<hbm>>
    tpu.wait_indirect_dma semaphore(%arg8 : memref<!tpu.dma_semaphore, #tpu.memory_space<semaphore_mem>>) src(%dma_wait3A_654 : memref<1000000x64xf32, #tpu.memory_space<hbm>>) dst(%dma_wait3A_648 : memref<72x64xf32, #tpu.memory_space<vmem>>)
    %dma_wait3A_655 = arith.constant 127 : i32
    %dma_wait3A_656 = arith.constant 1 : i32
    %dma_wait3A_657 = arith.constant 3 : i32
    %dma_wait3A_658 = arith.constant 0 : i32
    %dma_wait3A_659 = arith.constant 0 : i32
    %dma_wait3A_660 = arith.constant 0 : i32
    %dma_wait3A_661 = tpu.memref_slice %arg6[%dma_wait3A_656, %dma_wait3A_658, %dma_wait3A_659, %dma_wait3A_660] : memref<2x4x200x64xf32, #tpu.memory_space<vmem>> -> memref<1x4x200x64xf32, #tpu.memory_space<vmem>>
    %dma_wait3A_662 = tpu.memref_squeeze %dma_wait3A_661 : memref<1x4x200x64xf32, #tpu.memory_space<vmem>> -> memref<4x200x64xf32, #tpu.memory_space<vmem>>
    %dma_wait3A_663 = arith.constant 0 : i32
    %dma_wait3A_664 = arith.constant 0 : i32
    %dma_wait3A_665 = tpu.memref_slice %dma_wait3A_662[%dma_wait3A_657, %dma_wait3A_663, %dma_wait3A_664] : memref<4x200x64xf32, #tpu.memory_space<vmem>> -> memref<1x200x64xf32, #tpu.memory_space<vmem>>
    %dma_wait3A_666 = tpu.memref_squeeze %dma_wait3A_665 : memref<1x200x64xf32, #tpu.memory_space<vmem>> -> memref<200x64xf32, #tpu.memory_space<vmem>>
    %dma_wait3A_667 = arith.constant 0 : i32
    %dma_wait3A_668 = arith.constant 0 : i32
    %dma_wait3A_669 = tpu.memref_slice %dma_wait3A_666[%dma_wait3A_667, %dma_wait3A_668] : memref<200x64xf32, #tpu.memory_space<vmem>> -> memref<128x64xf32, #tpu.memory_space<vmem>>
    %dma_wait3A_670 = arith.constant 0 : i32
    %dma_wait3A_671 = tpu.memref_slice %arg5[%dma_wait3A_655, %dma_wait3A_670] : memref<128x200xi32, #tpu.memory_space<vmem>> -> memref<1x128xi32, #tpu.memory_space<vmem>>
    %dma_wait3A_672 = tpu.memref_squeeze %dma_wait3A_671 : memref<1x128xi32, #tpu.memory_space<vmem>> -> memref<128xi32, #tpu.memory_space<vmem>>
    %dma_wait3A_673 = arith.constant 0 : i32
    %dma_wait3A_674 = arith.constant 0 : i32
    %dma_wait3A_675 = tpu.memref_slice %arg2[%dma_wait3A_673, %dma_wait3A_674] : memref<1000000x64xf32, #tpu.memory_space<hbm>> -> memref<1000000x64xf32, #tpu.memory_space<hbm>>
    tpu.wait_indirect_dma semaphore(%arg8 : memref<!tpu.dma_semaphore, #tpu.memory_space<semaphore_mem>>) src(%dma_wait3A_675 : memref<1000000x64xf32, #tpu.memory_space<hbm>>) dst(%dma_wait3A_669 : memref<128x64xf32, #tpu.memory_space<vmem>>)
    %dma_wait3A_676 = arith.constant 127 : i32
    %dma_wait3A_677 = arith.constant 1 : i32
    %dma_wait3A_678 = arith.constant 3 : i32
    %dma_wait3A_679 = arith.constant 0 : i32
    %dma_wait3A_680 = arith.constant 0 : i32
    %dma_wait3A_681 = arith.constant 0 : i32
    %dma_wait3A_682 = tpu.memref_slice %arg6[%dma_wait3A_677, %dma_wait3A_679, %dma_wait3A_680, %dma_wait3A_681] : memref<2x4x200x64xf32, #tpu.memory_space<vmem>> -> memref<1x4x200x64xf32, #tpu.memory_space<vmem>>
    %dma_wait3A_683 = tpu.memref_squeeze %dma_wait3A_682 : memref<1x4x200x64xf32, #tpu.memory_space<vmem>> -> memref<4x200x64xf32, #tpu.memory_space<vmem>>
    %dma_wait3A_684 = arith.constant 0 : i32
    %dma_wait3A_685 = arith.constant 0 : i32
    %dma_wait3A_686 = tpu.memref_slice %dma_wait3A_683[%dma_wait3A_678, %dma_wait3A_684, %dma_wait3A_685] : memref<4x200x64xf32, #tpu.memory_space<vmem>> -> memref<1x200x64xf32, #tpu.memory_space<vmem>>
    %dma_wait3A_687 = tpu.memref_squeeze %dma_wait3A_686 : memref<1x200x64xf32, #tpu.memory_space<vmem>> -> memref<200x64xf32, #tpu.memory_space<vmem>>
    %dma_wait3A_688 = arith.constant 128 : i32
    %dma_wait3A_689 = arith.constant 0 : i32
    %dma_wait3A_690 = tpu.memref_slice %dma_wait3A_687[%dma_wait3A_688, %dma_wait3A_689] : memref<200x64xf32, #tpu.memory_space<vmem>> -> memref<72x64xf32, #tpu.memory_space<vmem>>
    %dma_wait3A_691 = arith.constant 128 : i32
    %dma_wait3A_692 = tpu.memref_slice %arg5[%dma_wait3A_676, %dma_wait3A_691] : memref<128x200xi32, #tpu.memory_space<vmem>> -> memref<1x72xi32, #tpu.memory_space<vmem>>
    %dma_wait3A_693 = tpu.memref_squeeze %dma_wait3A_692 : memref<1x72xi32, #tpu.memory_space<vmem>> -> memref<72xi32, #tpu.memory_space<vmem>>
    %dma_wait3A_694 = arith.constant 0 : i32
    %dma_wait3A_695 = arith.constant 0 : i32
    %dma_wait3A_696 = tpu.memref_slice %arg2[%dma_wait3A_694, %dma_wait3A_695] : memref<1000000x64xf32, #tpu.memory_space<hbm>> -> memref<1000000x64xf32, #tpu.memory_space<hbm>>
    tpu.wait_indirect_dma semaphore(%arg8 : memref<!tpu.dma_semaphore, #tpu.memory_space<semaphore_mem>>) src(%dma_wait3A_696 : memref<1000000x64xf32, #tpu.memory_space<hbm>>) dst(%dma_wait3A_690 : memref<72x64xf32, #tpu.memory_space<vmem>>)
    %add3A_697 = arith.constant 124 : i32
    %add3A_698 = arith.addi %mul3A_2, %add3A_697 : i32
    %dma_start3A_699 = arith.constant 1 : i32
    %dma_start3A_700 = arith.constant 0 : i32
    %dma_start3A_701 = arith.constant 0 : i32
    %dma_start3A_702 = arith.constant 0 : i32
    %dma_start3A_703 = tpu.memref_slice %arg6[%dma_start3A_699, %dma_start3A_700, %dma_start3A_701, %dma_start3A_702] : memref<2x4x200x64xf32, #tpu.memory_space<vmem>> -> memref<1x4x200x64xf32, #tpu.memory_space<vmem>>
    %dma_start3A_704 = tpu.memref_squeeze %dma_start3A_703 : memref<1x4x200x64xf32, #tpu.memory_space<vmem>> -> memref<4x200x64xf32, #tpu.memory_space<vmem>>
    %dma_start3A_705 = arith.constant 0 : i32
    %dma_start3A_706 = arith.constant 0 : i32
    %dma_start3A_707 = tpu.memref_slice %arg4[%add3A_698, %dma_start3A_705, %dma_start3A_706] : memref<4096x200x64xf32, #tpu.memory_space<hbm>> -> memref<4x200x64xf32, #tpu.memory_space<hbm>>
    %dma_start3A_708 = arith.constant 0 : i32
    %dma_start3A_709 = arith.constant 0 : i32
    %dma_start3A_710 = tpu.memref_slice %arg4[%add3A_698, %dma_start3A_708, %dma_start3A_709] : memref<4096x200x64xf32, #tpu.memory_space<hbm>> -> memref<4x200x64xf32, #tpu.memory_space<hbm>>
    %dma_start3A_711 = arith.constant 0 : i32
    %dma_start3A_712 = arith.constant 0 : i32
    %dma_start3A_713 = arith.constant 0 : i32
    %dma_start3A_714 = tpu.memref_slice %arg6[%dma_start3A_699, %dma_start3A_711, %dma_start3A_712, %dma_start3A_713] : memref<2x4x200x64xf32, #tpu.memory_space<vmem>> -> memref<1x4x200x64xf32, #tpu.memory_space<vmem>>
    %dma_start3A_715 = tpu.memref_squeeze %dma_start3A_714 : memref<1x4x200x64xf32, #tpu.memory_space<vmem>> -> memref<4x200x64xf32, #tpu.memory_space<vmem>>
    tpu.enqueue_dma source(%dma_start3A_715 : memref<4x200x64xf32, #tpu.memory_space<vmem>>) target(%dma_start3A_710 : memref<4x200x64xf32, #tpu.memory_space<hbm>>) target_semaphore(%arg10 : memref<!tpu.dma_semaphore, #tpu.memory_space<semaphore_mem>>)
    %add3A_716 = arith.constant 120 : i32
    %add3A_717 = arith.addi %mul3A_2, %add3A_716 : i32
    %dma_wait3A_718 = arith.constant 0 : i32
    %dma_wait3A_719 = arith.constant 0 : i32
    %dma_wait3A_720 = arith.constant 0 : i32
    %dma_wait3A_721 = arith.constant 0 : i32
    %dma_wait3A_722 = tpu.memref_slice %arg6[%dma_wait3A_718, %dma_wait3A_719, %dma_wait3A_720, %dma_wait3A_721] : memref<2x4x200x64xf32, #tpu.memory_space<vmem>> -> memref<1x4x200x64xf32, #tpu.memory_space<vmem>>
    %dma_wait3A_723 = tpu.memref_squeeze %dma_wait3A_722 : memref<1x4x200x64xf32, #tpu.memory_space<vmem>> -> memref<4x200x64xf32, #tpu.memory_space<vmem>>
    %dma_wait3A_724 = arith.constant 0 : i32
    %dma_wait3A_725 = arith.constant 0 : i32
    %dma_wait3A_726 = tpu.memref_slice %arg4[%add3A_717, %dma_wait3A_724, %dma_wait3A_725] : memref<4096x200x64xf32, #tpu.memory_space<hbm>> -> memref<4x200x64xf32, #tpu.memory_space<hbm>>
    %dma_wait3A_727 = arith.constant 0 : i32
    %dma_wait3A_728 = arith.constant 0 : i32
    %dma_wait3A_729 = tpu.memref_slice %arg4[%add3A_717, %dma_wait3A_727, %dma_wait3A_728] : memref<4096x200x64xf32, #tpu.memory_space<hbm>> -> memref<4x200x64xf32, #tpu.memory_space<hbm>>
    %dma_wait3A_730 = arith.constant 0 : i32
    %dma_wait3A_731 = arith.constant 0 : i32
    %dma_wait3A_732 = arith.constant 0 : i32
    %dma_wait3A_733 = tpu.memref_slice %arg6[%dma_wait3A_718, %dma_wait3A_730, %dma_wait3A_731, %dma_wait3A_732] : memref<2x4x200x64xf32, #tpu.memory_space<vmem>> -> memref<1x4x200x64xf32, #tpu.memory_space<vmem>>
    %dma_wait3A_734 = tpu.memref_squeeze %dma_wait3A_733 : memref<1x4x200x64xf32, #tpu.memory_space<vmem>> -> memref<4x200x64xf32, #tpu.memory_space<vmem>>
    tpu.wait_dma2 semaphore(%arg9 : memref<!tpu.dma_semaphore, #tpu.memory_space<semaphore_mem>>) src(%dma_wait3A_734 : memref<4x200x64xf32, #tpu.memory_space<vmem>>) dst(%dma_wait3A_729 : memref<4x200x64xf32, #tpu.memory_space<hbm>>)
    %add3A_735 = arith.constant 124 : i32
    %add3A_736 = arith.addi %mul3A_2, %add3A_735 : i32
    %dma_wait3A_737 = arith.constant 1 : i32
    %dma_wait3A_738 = arith.constant 0 : i32
    %dma_wait3A_739 = arith.constant 0 : i32
    %dma_wait3A_740 = arith.constant 0 : i32
    %dma_wait3A_741 = tpu.memref_slice %arg6[%dma_wait3A_737, %dma_wait3A_738, %dma_wait3A_739, %dma_wait3A_740] : memref<2x4x200x64xf32, #tpu.memory_space<vmem>> -> memref<1x4x200x64xf32, #tpu.memory_space<vmem>>
    %dma_wait3A_742 = tpu.memref_squeeze %dma_wait3A_741 : memref<1x4x200x64xf32, #tpu.memory_space<vmem>> -> memref<4x200x64xf32, #tpu.memory_space<vmem>>
    %dma_wait3A_743 = arith.constant 0 : i32
    %dma_wait3A_744 = arith.constant 0 : i32
    %dma_wait3A_745 = tpu.memref_slice %arg4[%add3A_736, %dma_wait3A_743, %dma_wait3A_744] : memref<4096x200x64xf32, #tpu.memory_space<hbm>> -> memref<4x200x64xf32, #tpu.memory_space<hbm>>
    %dma_wait3A_746 = arith.constant 0 : i32
    %dma_wait3A_747 = arith.constant 0 : i32
    %dma_wait3A_748 = tpu.memref_slice %arg4[%add3A_736, %dma_wait3A_746, %dma_wait3A_747] : memref<4096x200x64xf32, #tpu.memory_space<hbm>> -> memref<4x200x64xf32, #tpu.memory_space<hbm>>
    %dma_wait3A_749 = arith.constant 0 : i32
    %dma_wait3A_750 = arith.constant 0 : i32
    %dma_wait3A_751 = arith.constant 0 : i32
    %dma_wait3A_752 = tpu.memref_slice %arg6[%dma_wait3A_737, %dma_wait3A_749, %dma_wait3A_750, %dma_wait3A_751] : memref<2x4x200x64xf32, #tpu.memory_space<vmem>> -> memref<1x4x200x64xf32, #tpu.memory_space<vmem>>
    %dma_wait3A_753 = tpu.memref_squeeze %dma_wait3A_752 : memref<1x4x200x64xf32, #tpu.memory_space<vmem>> -> memref<4x200x64xf32, #tpu.memory_space<vmem>>
    tpu.wait_dma2 semaphore(%arg10 : memref<!tpu.dma_semaphore, #tpu.memory_space<semaphore_mem>>) src(%dma_wait3A_753 : memref<4x200x64xf32, #tpu.memory_space<vmem>>) dst(%dma_wait3A_748 : memref<4x200x64xf32, #tpu.memory_space<hbm>>)
    return
  }
}

</mosaic_0001>

<sc_bundles>
// kernel: kernel.3.cloned.1.call-start
scs
__scs_entry_jumppad:
0x0: {  	(pc) =	sbr.rel $0x88, $3  }
0x1: {  	(tag) =	ssettag $0x0;
	lr =	simm.s32 $0x1  }
0x2: {  	[smem:$0x3F9F] =	sst lr;
	_ =	strace $0xD0000000  }
0x3: {  	_ = 	snop  }
0x4: {  	_ = 	snop  }
0x5: {  	_ = 	snop  }
0x6: {  	_ = 	snop  }
0x7: {  	_ = 	snop  }
__scs_overlays_trampoline_lowered:
0x8: {  	[smem:$0x3FAE] =	sst s0  }
0x9: {  	[smem:$0x3FAF] =	sst s1  }
0xa: {  	[smem:$0x3FB0] =	sst s2  }
0xb: {  	[smem:$0x3FB1] =	sst s3  }
0xc: {  	[smem:$0x3FB2] =	sst s4  }
0xd: {  	[smem:$0x3FB3] =	sst s5  }
0xe: {  	[smem:$0x3FB4] =	sst s6  }
0xf: {  	[smem:$0x3FB5] =	sst s7  }
0x10: {  	[smem:$0x3FB6] =	sst s8  }
0x11: {  	[smem:$0x3FB7] =	sst s9;
	s0 =	simm.s32 @!p0 $0x0  }
0x12: {  	s1 =	sld [smem:$0x3F9D];
	s0 =	simm.s32 @p0 $0x1  }
0x13: {  	[smem:$0x3FB8] =	sst s0;
	s0 =	simm.s32 @!p1 $0x0  }
0x14: {  	s2 =	sld [smem:$0x3F9C];
	s0 =	simm.s32 @p1 $0x1  }
0x15: {  	[smem:$0x3FB9] =	sst s0;
	s0 =	simm.s32 @!p2 $0x0  }
0x16: {  	s3 =	sld [smem:$0x3FDB];
	s0 =	simm.s32 @p2 $0x1  }
0x17: {  	s4 =	simm.s32 $0x1BF5;
	[smem:$0x3FBB] =	sst s0  }
0x18: {  	s0 =	sld [smem:$0x3F9E];
	_ =	swait.ge [sflag:s4], $0x0  }
0x19: {  	s7 =	sld [smem:$0x3F9F]  }
0x1a: {  	s8 =	sadd.s32 $0xFFFFE003, lr  }
0x1b: {  	s9 =	sadd.s32 $0xFFFFFEF7, lr;
	s5 =	simm.s32 $0xFFFFFFFF;
	p2 =	slt.u32 s8, $0xFFFFF086  }
0x1c: {  	p1 =	slt.u32 s9, $0xF7A;
	s5 =	simm.s32 @!p2 $0x0  }
0x1d: {  	s5 =	simm.s32 @p1 $0x1;
	p0 =	seq.s32 s7, s2  }
0x1e: {  	s7 =	smul.u32 @!p0 $0xF7A, s2;
	p2 =	seq.s32 @!p0 s5, $0x0  }
0x1f: {  	s9 =	smul.u32 $0xF7A, s1;
	s8 =	simm.s32 @!p0 $0x1BF5;
	p2 =	por !p2, p0  }
0x20: {  	[sflag:s8] =	ssyncset.s32 @!p0 $0xFFFFF086;
	s6 =	sadd.s32 @!p0 s3, s7;
	s7 =	simm.s32 @!p0 $0x108  }
0x21: {  	s3 =	sadd.s32 s3, s9;
	s6 =	sadd.s32 @!p0 $0x88, s6;
	s7 =	simm.s32 @p2 $0x1082  }
0x22: {  	[simem:s7], [sflag:s8] =	dma.local @!p0 [hbm:s6], $0xF7A  }
0x23: {  	s9 =	sor.u32 $0xD0000000, s2;
	s6 =	simm.s32 $0x108;
	_ =	swait.ge @!p0 [sflag:s8], $0x0  }
0x24: {  	s3 =	sadd.s32 $0x88, s3;
	s6 =	simm.s32 @!p1 $0x1082;
	[sflag:s4] =	ssyncset.s32 $0xFFFFF086  }
0x25: {  	[simem:s6], [sflag:s4] =	dma.local [hbm:s3], $0xF7A  }
0x26: {  	[smem:$0x3F9F] =	sst s1;
	(tag) =	ssettag s2;
	_ =	strace s9  }
0x27: {  	s1 =	sld [smem:$0x3FAF]  }
0x28: {  	s2 =	sld [smem:$0x3FB0]  }
0x29: {  	s4 =	sld [smem:$0x3FB2]  }
0x2a: {  	p0 =	seq.s32 s5, $0x0;
	s5 =	sld [smem:$0x3FB3]  }
0x2b: {  	s6 =	sld [smem:$0x3FB4]  }
0x2c: {  	s7 =	sld [smem:$0x3FB5]  }
0x2d: {  	s3 =	simm.s32 $0x108;
	s8 =	sld [smem:$0x3FB6]  }
0x2e: {  	s3 =	simm.s32 @!p0 $0x1082;
	s9 =	sld [smem:$0x3FB7]  }
0x2f: {  	lr =	sadd.s32 s0, s3;
	s0 =	sld [smem:$0x3FAE]  }
0x30: {  	s3 =	sld [smem:$0x3FB1]  }
0x31: {  	[smem:$0x3FBA] =	sst s10  }
0x32: {  	s10 =	sld [smem:$0x3FB8];
	_ =	sdelay $0x3  }
0x33: {  	p0 =	seq.s32 s10, $0x1;
	s10 =	sld [smem:$0x3FBA];
	_ =	sdelay $0x3  }
0x34: {  	[smem:$0x3FBA] =	sst s10  }
0x35: {  	s10 =	sld [smem:$0x3FB9];
	_ =	sdelay $0x3  }
0x36: {  	p1 =	seq.s32 s10, $0x1;
	s10 =	sld [smem:$0x3FBA];
	_ =	sdelay $0x3  }
0x37: {  	[smem:$0x3FBA] =	sst s10  }
0x38: {  	s10 =	sld [smem:$0x3FBB]  }
0x39: {  	_ = 	snop;
	(pc) =	sbr.ind lr, $3  }
0x3a: {  	_ = 	snop  }
0x3b: {  	_ = 	snop  }
0x3c: {  	p2 =	seq.s32 s10, $0x1;
	s10 =	sld [smem:$0x3FBA]  }
0x3d: {  	_ =	shalt  }
0x3e: {  	_ =	shalt  }
0x3f: {  	_ =	shalt  }
0x40: {  	_ =	shalt  }
0x41: {  	_ =	shalt  }
0x42: {  	_ =	shalt  }
0x43: {  	_ =	shalt  }
0x44: {  	_ =	shalt  }
0x45: {  	_ =	shalt  }
0x46: {  	_ =	shalt  }
0x47: {  	_ =	shalt  }
0x48: {  	_ =	shalt  }
0x49: {  	_ =	shalt  }
0x4a: {  	_ =	shalt  }
0x4b: {  	_ =	shalt  }
0x4c: {  	_ =	shalt  }
0x4d: {  	_ =	shalt  }
0x4e: {  	_ =	shalt  }
0x4f: {  	_ =	shalt  }
0x50: {  	_ =	shalt  }
0x51: {  	_ =	shalt  }
0x52: {  	_ =	shalt  }
0x53: {  	_ =	shalt  }
0x54: {  	_ =	shalt  }
0x55: {  	_ =	shalt  }
0x56: {  	_ =	shalt  }
0x57: {  	_ =	shalt  }
0x58: {  	_ =	shalt  }
0x59: {  	_ =	shalt  }
0x5a: {  	_ =	shalt  }
0x5b: {  	_ =	shalt  }
0x5c: {  	_ =	shalt  }
0x5d: {  	_ =	shalt  }
0x5e: {  	_ =	shalt  }
0x5f: {  	_ =	shalt  }
0x60: {  	_ =	shalt  }
0x61: {  	_ =	shalt  }
0x62: {  	_ =	shalt  }
0x63: {  	_ =	shalt  }
0x64: {  	_ =	shalt  }
0x65: {  	_ =	shalt  }
0x66: {  	_ =	shalt  }
0x67: {  	_ =	shalt  }
0x68: {  	_ =	shalt  }
0x69: {  	_ =	shalt  }
0x6a: {  	_ =	shalt  }
0x6b: {  	_ =	shalt  }
0x6c: {  	_ =	shalt  }
0x6d: {  	_ =	shalt  }
0x6e: {  	_ =	shalt  }
0x6f: {  	_ =	shalt  }
0x70: {  	_ =	shalt  }
0x71: {  	_ =	shalt  }
0x72: {  	_ =	shalt  }
0x73: {  	_ =	shalt  }
0x74: {  	_ =	shalt  }
0x75: {  	_ =	shalt  }
0x76: {  	_ =	shalt  }
0x77: {  	_ =	shalt  }
0x78: {  	_ =	shalt  }
0x79: {  	_ =	shalt  }
0x7a: {  	_ =	shalt  }
0x7b: {  	_ =	shalt  }
0x7c: {  	_ =	shalt  }
0x7d: {  	_ =	shalt  }
0x7e: {  	_ =	shalt  }
0x7f: {  	_ =	shalt  }
0x80: {  	_ =	shalt  }
0x81: {  	_ =	shalt  }
0x82: {  	_ =	shalt  }
0x83: {  	_ =	shalt  }
0x84: {  	_ =	shalt  }
0x85: {  	_ =	shalt  }
0x86: {  	_ =	shalt  }
0x87: {  	_ =	shalt  }
.Lfunc_end0:
.L_simem_size_0:
called_computation.1_lowered:
.L_overlay_start_0:
0x88: {  	s2 =	sld [smem:$0x3FD9]  }
0x89: {  	s3 =	sld [smem:$0x3FFE];
	_ =	sdelay $0x1  }
0x8a: {  	s1 =	srdreg.scid  }
0x8b: {  	s0 =	sand.u32 $0x1, s1  }
0x8c: {  	s17 =	sshll.u32 s0, $0xA;
	s2 =	sadd.s32 s3, s2  }
0x8d: {  	s2 =	sadd.s32 s2, s17  }
0x8e: {  	[smem:$0x3FC6] =	sst s2  }
0x8f: {  	_ = 	snop  }
0x90: {  	s2 =	sld [smem:$0x3FD0];
	(tm) =	ssettm $0x1  }
0x91: {  	s18 =	sld [smem:$0x3FFB];
	_ =	sdelay $0x3  }
0x92: {  	_ =	strace s18  }
0x93: {  	s3 =	sld [smem:$0x3FFC];
	_ =	sdelay $0x3  }
0x94: {  	_ =	strace s3  }
0x95: {  	s3 =	sld [smem:$0x3FFD];
	_ =	sdelay $0x3  }
0x96: {  	_ =	strace s3  }
0x97: {  	_ =	strace $0x8FFFFFFF  }
0x98: {  	s19 =	sld [smem:$0x3FDB];
	_ =	sdelay $0x1  }
0x99: {  	s4 =	simm.s32 $_scs_section_size  }
0x9a: {  	s5 =	simm.s32 $_size__tile_overlayer_lowered;
	s6 =	simm.s32 $_tile_overlayer_lowered  }
0x9b: {  	s22 =	simm.s32 $0x1BFF;
	s21 =	sshll.u32 s6, $0x1;
	s3 =	sadd.s32 s4, s19  }
0x9c: {  	s7 =	simm.s32 $0x0;
	s20 =	sshll.u32 s5, $0x1;
	s5 =	sadd.s32 s21, s3  }
0x9d: {  	[timem:s7], [sflag:s22] =	dma.local [hbm:s5], s20  }
0x9e: {  	_ =	swait.ge [sflag:s22], s20  }
0x9f: {  	s4 =	ssub.s32 $0x0, s20;
	[sflag:s22] =	ssyncset.done $0x0  }
0xa0: {  	[sflag:s22] =	ssyncadd.s32 s4;
	_ =	sdelay $0x1  }
0xa1: {  	s23 =	simm.s32 $0x1B8B  }
0xa2: {  	_ =	swait.ge [sflag:s23], $0x1  }
0xa3: {  	[sflag:s23] =	ssyncset.done $0x0  }
0xa4: {  	s25 =	simm.s32 $0x1B8E;
	s24 =	sld [smem:$0x3FFE];
	[sflag:s23] =	ssyncadd.s32 $0xFFFFFFFF  }
0xa5: {  	s26 =	simm.s32 $execute0_lowered;
	[smem:$0x3FD2] =	sst s25  }
0xa6: {  	s5 =	sshll.u32 s26, $0x1;
	_ =	strace $0x80000046;
	[dreg:$0x1] =	wrdreg $0xFFFFFFFF  }
0xa7: {  	s28 =	simm.s32 $_size_execute0_lowered;
	s3 =	sadd.s32 s3, s5;
	[dreg:$0x0] =	wrdreg $0x0  }
0xa8: {  	s5 =	sshll.u32 s28, $0x1;
	[dreg:$0x2] =	wrdreg s3  }
0xa9: {  	[dreg:$0x3] =	wrdreg s5  }
0xaa: {  	[dreg:$0x4] =	wrdreg $0xC0  }
0xab: {  	_ =	task [dreg:s7], $0x5FFFF  }
0xac: {  	[dreg:$0x1] =	wrdreg $0xFFFFFFFF  }
0xad: {  	[dreg:$0x0] =	wrdreg $0x60  }
0xae: {  	[dreg:$0x2] =	wrdreg s24  }
0xaf: {  	[dreg:$0x3] =	wrdreg s2  }
0xb0: {  	[dreg:$0x4] =	wrdreg $0x9  }
0xb1: {  	_ =	task.clear_ibuf [dreg:s7], $0x5FFFF;
	_ =	strace $0x90000046  }
0xb2: {  	s29 =	simm.s32 $0x9;
	_ =	strace $0x80000048  }
0xb3: {  	_ =	swait.ge [sflag:s29], $0x1  }
0xb4: {  	[sflag:s29] =	ssyncadd.s32 $0xFFFFFFFF  }
0xb5: {  	_ =	strace $0x90000048  }
0xb6: {  	_ =	sfence  }
0xb7: {  	s30 =	sld [smem:$0x0];
	_ =	sdelay $0x2  }
0xb8: {  	s31 =	sshll.u32 s1, $0xD;
	s1 =	sshrl.u32 s1, $0x2  }
0xb9: {  	s3 =	sand.u32 $0x4000, s31;
	s1 =	sadd.s32 s1, s30  }
0xba: {  	s0 =	sor.u32 s3, s0;
	s1 =	sshll.u32 s1, $0x11  }
0xbb: {  	s0 =	sor.u32 s1, s0  }
0xbc: {  	s0 =	sadd.s32 $0x8F2B, s0  }
0xbd: {  	[sflag:s0] =	ssyncadd.remote.s32 $0x1  }
0xbe: {  	_ =	sfence.sel $0xFFFF  }
0xbf: {  	[dreg:$0x0] =	wrdreg $0xFFFFFFFF;
	(pc) =	sbr.abs _section_cstart, $3  }
0xc0: {  	[dreg:$0x1] =	wrdreg $0xFFFFFFFF  }
0xc1: {  	_ =	task.clear_ibuf [dreg:s7], $0x2FFFF;
	_ =	strace $0x9FFFFFFF  }
0xc2: {  	(tm) =	ssettm $0x7FFFFFFF  }
0xc3: {  	_ =	shalt  }
tec
execute0_lowered:
.L_overlay_start_1:
0x0: {  	(tag) =	ssettag $0x1  }
0x1: {  	s0 =	srdreg.scid;
	s1 =	rddreg [dreg:$0x0]  }
0x2: {  	s8 =	stileid.u32;
	s4 =	rddreg [dreg:$0x1];
	s9 =	simm.s32 $0x5  }
0x3: {  	s10 =	simm.s32 $0x80;
	s11 =	simm.s32 $0x6400;
	s12 =	simm.s32 $0x48  }
0x4: {  	s13 =	simm.s32 $0x8400;
	s15 =	simm.s32 $0x9600;
	s17 =	simm.s32 $0xB600  }
0x5: {  	s19 =	simm.s32 $0xC800;
	s21 =	simm.s32 $0xE800;
	s28 =	simm.s32 $0x12C00  }
0x6: {  	s30 =	simm.s32 $0x14C00;
	s14 =	simm.s32 $0x17E00;
	s18 =	simm.s32 $0x19000  }
0x7: {  	s31 =	simm.s32 $0x1E200;
	s16 =	simm.s32 $0x3;
	s20 =	simm.s32 $0x2  }
0x8: {  	s29 =	simm.s32 $0x0;
	s0 =	sand.u32 $0x1, s0;
	s2 =	sshll.u32 s8, $0x8  }
0x9: {  	s8 =	smul.u32 $0x64000, s8;
	s3 =	sshll.u32 s0, $0x7;
	s7 =	ssub.s32 $0x2, s0  }
0xa: {  	s0 =	smul.u32 $0x32000, s0;
	s3 =	sor.u32 s3, s2;
	s2 =	simm.s32 $0x0  }
0xb: {  	s22 =	sshrl.u32 s7, $0x1;
	s26 =	sadd.s32 s8, s4;
	s5 =	smul.u32 $0x19, s3  }
0xc: {  	[smem:$0x7FF] =	sst s2;
	s6 =	smul.u32 $0x3200, s3;
	s3 =	sadd.s32 $0xF42E00, s1  }
0xd: {  	s8 =	sadd.s32 s0, s26;
	s26 =	simm.s32 $0x1C200;
	s0 =	simm.s32 $0x1  }
0xe: {  	_ =	strace $0x80000047;
	s1 =	sadd.s32 s5, s1;
	s6 =	sshrl.u32 s6, $0x3  }
0xf: {  	s5 =	ssub.s32 s7, s22;
	s22 =	simm.s32 $0x1B000;
	s1 =	sadd.s32 $0xA00, s1  }
0x10: {  	s6 =	sadd.s32 s4, s6;
	s25 =	smax.u32 s5, $0x1;
	[dreg:$0x3] =	wrdreg s1  }
0x11: {  	s23 =	sadd.s32 $0x2EE00, s6;
	s24 =	sadd.s32 $0x30700, s6;
	[dreg:$0x6] =	wrdreg s25  }
0x12: {  	s25 =	simm.s32 $0x11A00;
	s1 =	simm.s32 $0x15E00;
	[dreg:$0x4] =	wrdreg s23  }
0x13: {  	[dreg:$0x5] =	wrdreg s24;
	s23 =	simm.s32 $0xFA00;
	s24 =	simm.s32 $0x4  }
.LBB2_1:
0x14: {  	s4 =	rddreg [dreg:$0x3]  }
0x15: {  	[tilespmem:s2], [sflag:$0x5] =	stream.linear.gather [hbm4b:s4+s2], $0x6400, $0x38;
	[tilespmem:$0x1F400] =	vst v63  }
0x16: {  	_ =	swait.ge [sflag:s9], $0x6400  }
0x17: {  	[sflag:s9] =	ssyncset.done $0x0  }
0x18: {  	[sflag:s9] =	ssyncadd.s32 $0xFFFF9C00  }
0x19: {  	[tilespmem:s11], [sflag:$0x1] =	stream.indirect.gather [hbm4b:s3+s10], $0x40, s2, s10, $0xb8;
	[tilespmem:$0x1F400] =	vst v63  }
0x1a: {  	_ = 	snop  }
0x1b: {  	[tilespmem:s13], [sflag:$0x1] =	stream.indirect.gather [hbm4b:s3+s12], $0x40, s10, s12, $0xb8;
	[tilespmem:$0x1F400] =	vst v63  }
0x1c: {  	s5 =	simm.s32 $0xC8  }
0x1d: {  	[tilespmem:s15], [sflag:$0x1] =	stream.indirect.gather [hbm4b:s3+s10], $0x40, s5, s10, $0xb8;
	[tilespmem:$0x1F400] =	vst v63  }
0x1e: {  	s6 =	simm.s32 $0x148  }
0x1f: {  	[tilespmem:s17], [sflag:$0x1] =	stream.indirect.gather [hbm4b:s3+s12], $0x40, s6, s12, $0xb8;
	[tilespmem:$0x1F400] =	vst v63  }
0x20: {  	s7 =	simm.s32 $0x190  }
0x21: {  	[tilespmem:s19], [sflag:$0x1] =	stream.indirect.gather [hbm4b:s3+s10], $0x40, s7, s10, $0xb8;
	[tilespmem:$0x1F400] =	vst v63  }
0x22: {  	s5 =	simm.s32 $0x210  }
0x23: {  	[tilespmem:s21], [sflag:$0x1] =	stream.indirect.gather [hbm4b:s3+s12], $0x40, s5, s12, $0xb8;
	[tilespmem:$0x1F400] =	vst v63  }
0x24: {  	s6 =	simm.s32 $0x258  }
0x25: {  	[tilespmem:s23], [sflag:$0x1] =	stream.indirect.gather [hbm4b:s3+s10], $0x40, s6, s10, $0xb8;
	[tilespmem:$0x1F400] =	vst v63  }
0x26: {  	s7 =	simm.s32 $0x2D8  }
0x27: {  	[tilespmem:s25], [sflag:$0x1] =	stream.indirect.gather [hbm4b:s3+s12], $0x40, s7, s12, $0xb8;
	[tilespmem:$0x1F400] =	vst v63  }
0x28: {  	s5 =	simm.s32 $0x320  }
0x29: {  	[tilespmem:s28], [sflag:$0x2] =	stream.indirect.gather [hbm4b:s3+s10], $0x40, s5, s10, $0xb8;
	[tilespmem:$0x1F400] =	vst v63  }
0x2a: {  	s6 =	simm.s32 $0x3A0  }
0x2b: {  	[tilespmem:s30], [sflag:$0x2] =	stream.indirect.gather [hbm4b:s3+s12], $0x40, s6, s12, $0xb8;
	[tilespmem:$0x1F400] =	vst v63  }
0x2c: {  	s7 =	simm.s32 $0x3E8  }
0x2d: {  	[tilespmem:s1], [sflag:$0x2] =	stream.indirect.gather [hbm4b:s3+s10], $0x40, s7, s10, $0xb8;
	[tilespmem:$0x1F400] =	vst v63  }
0x2e: {  	s5 =	simm.s32 $0x468  }
0x2f: {  	[tilespmem:s14], [sflag:$0x2] =	stream.indirect.gather [hbm4b:s3+s12], $0x40, s5, s12, $0xb8;
	[tilespmem:$0x1F400] =	vst v63  }
0x30: {  	s6 =	simm.s32 $0x4B0  }
0x31: {  	[tilespmem:s18], [sflag:$0x2] =	stream.indirect.gather [hbm4b:s3+s10], $0x40, s6, s10, $0xb8;
	[tilespmem:$0x1F400] =	vst v63  }
0x32: {  	s7 =	simm.s32 $0x530  }
0x33: {  	[tilespmem:s22], [sflag:$0x2] =	stream.indirect.gather [hbm4b:s3+s12], $0x40, s7, s12, $0xb8;
	[tilespmem:$0x1F400] =	vst v63  }
0x34: {  	s5 =	simm.s32 $0x578  }
0x35: {  	[tilespmem:s26], [sflag:$0x2] =	stream.indirect.gather [hbm4b:s3+s10], $0x40, s5, s10, $0xb8;
	[tilespmem:$0x1F400] =	vst v63  }
0x36: {  	s6 =	simm.s32 $0x5F8  }
0x37: {  	[tilespmem:s31], [sflag:$0x2] =	stream.indirect.gather [hbm4b:s3+s12], $0x40, s6, s12, $0xb8;
	[tilespmem:$0x1F400] =	vst v63  }
0x38: {  	_ =	swait.ge [sflag:s0], $0x2000  }
0x39: {  	[sflag:s0] =	ssyncset.done $0x0  }
0x3a: {  	[sflag:s0] =	ssyncadd.s32 $0xFFFFE000  }
0x3b: {  	_ =	swait.ge [sflag:s0], $0x1200  }
0x3c: {  	[sflag:s0] =	ssyncset.done $0x0  }
0x3d: {  	[sflag:s0] =	ssyncadd.s32 $0xFFFFEE00  }
0x3e: {  	_ =	swait.ge [sflag:s0], $0x2000  }
0x3f: {  	[sflag:s0] =	ssyncset.done $0x0  }
0x40: {  	[sflag:s0] =	ssyncadd.s32 $0xFFFFE000  }
0x41: {  	_ =	swait.ge [sflag:s0], $0x1200  }
0x42: {  	[sflag:s0] =	ssyncset.done $0x0  }
0x43: {  	[sflag:s0] =	ssyncadd.s32 $0xFFFFEE00  }
0x44: {  	_ =	swait.ge [sflag:s0], $0x2000  }
0x45: {  	[sflag:s0] =	ssyncset.done $0x0  }
0x46: {  	[sflag:s0] =	ssyncadd.s32 $0xFFFFE000  }
0x47: {  	_ =	swait.ge [sflag:s0], $0x1200  }
0x48: {  	[sflag:s0] =	ssyncset.done $0x0  }
0x49: {  	[sflag:s0] =	ssyncadd.s32 $0xFFFFEE00  }
0x4a: {  	_ =	swait.ge [sflag:s0], $0x2000  }
0x4b: {  	[sflag:s0] =	ssyncset.done $0x0  }
0x4c: {  	[sflag:s0] =	ssyncadd.s32 $0xFFFFE000  }
0x4d: {  	_ =	swait.ge [sflag:s0], $0x1200  }
0x4e: {  	[sflag:s0] =	ssyncset.done $0x0  }
0x4f: {  	[sflag:s0] =	ssyncadd.s32 $0xFFFFEE00  }
0x50: {  	[hbm4b:s8+s2] =	stream.linear.scatter [tilespmem:s11], [sflag:$0x3], $0xC800, $0x38;
	[tilespmem:$0x1F400] =	vst v63  }
0x51: {  	_ =	swait.ge [sflag:s16], $0xC800  }
0x52: {  	[sflag:s16] =	ssyncset.done $0x0  }
0x53: {  	s7 =	simm.s32 $0x640;
	[sflag:s16] =	ssyncadd.s32 $0xFFFF3800  }
0x54: {  	[tilespmem:s11], [sflag:$0x1] =	stream.indirect.gather [hbm4b:s3+s10], $0x40, s7, s10, $0xb8;
	[tilespmem:$0x1F400] =	vst v63  }
0x55: {  	s5 =	simm.s32 $0x6C0  }
0x56: {  	[tilespmem:s13], [sflag:$0x1] =	stream.indirect.gather [hbm4b:s3+s12], $0x40, s5, s12, $0xb8;
	[tilespmem:$0x1F400] =	vst v63  }
0x57: {  	s6 =	simm.s32 $0x708  }
0x58: {  	[tilespmem:s15], [sflag:$0x1] =	stream.indirect.gather [hbm4b:s3+s10], $0x40, s6, s10, $0xb8;
	[tilespmem:$0x1F400] =	vst v63  }
0x59: {  	s7 =	simm.s32 $0x788  }
0x5a: {  	[tilespmem:s17], [sflag:$0x1] =	stream.indirect.gather [hbm4b:s3+s12], $0x40, s7, s12, $0xb8;
	[tilespmem:$0x1F400] =	vst v63  }
0x5b: {  	s5 =	simm.s32 $0x7D0  }
0x5c: {  	[tilespmem:s19], [sflag:$0x1] =	stream.indirect.gather [hbm4b:s3+s10], $0x40, s5, s10, $0xb8;
	[tilespmem:$0x1F400] =	vst v63  }
0x5d: {  	s6 =	simm.s32 $0x850  }
0x5e: {  	[tilespmem:s21], [sflag:$0x1] =	stream.indirect.gather [hbm4b:s3+s12], $0x40, s6, s12, $0xb8;
	[tilespmem:$0x1F400] =	vst v63  }
0x5f: {  	s7 =	simm.s32 $0x898  }
0x60: {  	[tilespmem:s23], [sflag:$0x1] =	stream.indirect.gather [hbm4b:s3+s10], $0x40, s7, s10, $0xb8;
	[tilespmem:$0x1F400] =	vst v63  }
0x61: {  	s5 =	simm.s32 $0x918  }
0x62: {  	[tilespmem:s25], [sflag:$0x1] =	stream.indirect.gather [hbm4b:s3+s12], $0x40, s5, s12, $0xb8;
	[tilespmem:$0x1F400] =	vst v63  }
0x63: {  	_ =	swait.ge [sflag:s20], $0x2000  }
0x64: {  	[sflag:s20] =	ssyncset.done $0x0  }
0x65: {  	[sflag:s20] =	ssyncadd.s32 $0xFFFFE000  }
0x66: {  	_ =	swait.ge [sflag:s20], $0x1200  }
0x67: {  	[sflag:s20] =	ssyncset.done $0x0  }
0x68: {  	[sflag:s20] =	ssyncadd.s32 $0xFFFFEE00  }
0x69: {  	_ =	swait.ge [sflag:s20], $0x2000  }
0x6a: {  	[sflag:s20] =	ssyncset.done $0x0  }
0x6b: {  	[sflag:s20] =	ssyncadd.s32 $0xFFFFE000  }
0x6c: {  	_ =	swait.ge [sflag:s20], $0x1200  }
0x6d: {  	[sflag:s20] =	ssyncset.done $0x0  }
0x6e: {  	[sflag:s20] =	ssyncadd.s32 $0xFFFFEE00  }
0x6f: {  	_ =	swait.ge [sflag:s20], $0x2000  }
0x70: {  	[sflag:s20] =	ssyncset.done $0x0  }
0x71: {  	[sflag:s20] =	ssyncadd.s32 $0xFFFFE000  }
0x72: {  	_ =	swait.ge [sflag:s20], $0x1200  }
0x73: {  	[sflag:s20] =	ssyncset.done $0x0  }
0x74: {  	[sflag:s20] =	ssyncadd.s32 $0xFFFFEE00  }
0x75: {  	_ =	swait.ge [sflag:s20], $0x2000  }
0x76: {  	[sflag:s20] =	ssyncset.done $0x0  }
0x77: {  	[sflag:s20] =	ssyncadd.s32 $0xFFFFE000  }
0x78: {  	_ =	swait.ge [sflag:s20], $0x1200  }
0x79: {  	[sflag:s20] =	ssyncset.done $0x0  }
0x7a: {  	s6 =	sadd.s32 $0x1900, s8;
	[sflag:s20] =	ssyncadd.s32 $0xFFFFEE00  }
0x7b: {  	[hbm4b:s6+s2] =	stream.linear.scatter [tilespmem:s28], [sflag:$0x4], $0xC800, $0x38;
	[tilespmem:$0x1F400] =	vst v63  }
0x7c: {  	_ =	swait.ge [sflag:s24], $0xC800  }
0x7d: {  	[sflag:s24] =	ssyncset.done $0x0  }
0x7e: {  	s7 =	simm.s32 $0x960;
	[sflag:s24] =	ssyncadd.s32 $0xFFFF3800  }
0x7f: {  	[tilespmem:s28], [sflag:$0x2] =	stream.indirect.gather [hbm4b:s3+s10], $0x40, s7, s10, $0xb8;
	[tilespmem:$0x1F400] =	vst v63  }
0x80: {  	s5 =	simm.s32 $0x9E0  }
0x81: {  	[tilespmem:s30], [sflag:$0x2] =	stream.indirect.gather [hbm4b:s3+s12], $0x40, s5, s12, $0xb8;
	[tilespmem:$0x1F400] =	vst v63  }
0x82: {  	s6 =	simm.s32 $0xA28  }
0x83: {  	[tilespmem:s1], [sflag:$0x2] =	stream.indirect.gather [hbm4b:s3+s10], $0x40, s6, s10, $0xb8;
	[tilespmem:$0x1F400] =	vst v63  }
0x84: {  	s7 =	simm.s32 $0xAA8  }
0x85: {  	[tilespmem:s14], [sflag:$0x2] =	stream.indirect.gather [hbm4b:s3+s12], $0x40, s7, s12, $0xb8;
	[tilespmem:$0x1F400] =	vst v63  }
0x86: {  	s5 =	simm.s32 $0xAF0  }
0x87: {  	[tilespmem:s18], [sflag:$0x2] =	stream.indirect.gather [hbm4b:s3+s10], $0x40, s5, s10, $0xb8;
	[tilespmem:$0x1F400] =	vst v63  }
0x88: {  	s4 =	simm.s32 $0x1900;
	s6 =	simm.s32 $0xB70  }
0x89: {  	[tilespmem:s22], [sflag:$0x2] =	stream.indirect.gather [hbm4b:s3+s12], $0x40, s6, s12, $0xb8;
	[tilespmem:$0x1F400] =	vst v63  }
0x8a: {  	s7 =	simm.s32 $0xBB8;
	s5 =	sadd.s32 $0x3200, s8;
	s6 =	simm.s32 $0xC38  }
0x8b: {  	[tilespmem:s26], [sflag:$0x2] =	stream.indirect.gather [hbm4b:s3+s10], $0x40, s7, s10, $0xb8;
	[tilespmem:$0x1F400] =	vst v63  }
.LBB2_2:
0x8c: {  	[tilespmem:s31], [sflag:$0x2] =	stream.indirect.gather [hbm4b:s3+s12], $0x40, s6, s12, $0xb8;
	[tilespmem:$0x1F400] =	vst v63  }
0x8d: {  	s6 =	smov.u32 s4  }
0x8e: {  	p0 =	sne.s32 s4, $0x15E00;
	s4 =	sadd.s32 $0x1900, s4;
	_ =	swait.ge [sflag:s0], $0x2000  }
0x8f: {  	[sflag:s0] =	ssyncset.done $0x0  }
0x90: {  	[sflag:s0] =	ssyncadd.s32 $0xFFFFE000  }
0x91: {  	_ =	swait.ge [sflag:s0], $0x1200  }
0x92: {  	[sflag:s0] =	ssyncset.done $0x0  }
0x93: {  	[sflag:s0] =	ssyncadd.s32 $0xFFFFEE00  }
0x94: {  	_ =	swait.ge [sflag:s0], $0x2000  }
0x95: {  	[sflag:s0] =	ssyncset.done $0x0  }
0x96: {  	[sflag:s0] =	ssyncadd.s32 $0xFFFFE000  }
0x97: {  	_ =	swait.ge [sflag:s0], $0x1200  }
0x98: {  	[sflag:s0] =	ssyncset.done $0x0  }
0x99: {  	[sflag:s0] =	ssyncadd.s32 $0xFFFFEE00  }
0x9a: {  	_ =	swait.ge [sflag:s0], $0x2000  }
0x9b: {  	[sflag:s0] =	ssyncset.done $0x0  }
0x9c: {  	[sflag:s0] =	ssyncadd.s32 $0xFFFFE000  }
0x9d: {  	_ =	swait.ge [sflag:s0], $0x1200  }
0x9e: {  	[sflag:s0] =	ssyncset.done $0x0  }
0x9f: {  	[sflag:s0] =	ssyncadd.s32 $0xFFFFEE00  }
0xa0: {  	_ =	swait.ge [sflag:s0], $0x2000  }
0xa1: {  	[sflag:s0] =	ssyncset.done $0x0  }
0xa2: {  	[sflag:s0] =	ssyncadd.s32 $0xFFFFE000  }
0xa3: {  	_ =	swait.ge [sflag:s0], $0x1200  }
0xa4: {  	[sflag:s0] =	ssyncset.done $0x0  }
0xa5: {  	[sflag:s0] =	ssyncadd.s32 $0xFFFFEE00  }
0xa6: {  	[hbm4b:s5+s2] =	stream.linear.scatter [tilespmem:s11], [sflag:$0x3], $0xC800, $0x38;
	[tilespmem:$0x1F400] =	vst v63  }
0xa7: {  	_ =	swait.ge [sflag:s16], $0xC800  }
0xa8: {  	s6 =	sshra.s32 s6, $0x2;
	[sflag:s16] =	ssyncset.done $0x0  }
0xa9: {  	s7 =	sadd.s32 $0x640, s6;
	[sflag:s16] =	ssyncadd.s32 $0xFFFF3800  }
0xaa: {  	[tilespmem:s11], [sflag:$0x1] =	stream.indirect.gather [hbm4b:s3+s10], $0x40, s7, s10, $0xb8;
	[tilespmem:$0x1F400] =	vst v63  }
0xab: {  	s7 =	sadd.s32 $0x6C0, s6  }
0xac: {  	[tilespmem:s13], [sflag:$0x1] =	stream.indirect.gather [hbm4b:s3+s12], $0x40, s7, s12, $0xb8;
	[tilespmem:$0x1F400] =	vst v63  }
0xad: {  	s7 =	sadd.s32 $0x708, s6  }
0xae: {  	[tilespmem:s15], [sflag:$0x1] =	stream.indirect.gather [hbm4b:s3+s10], $0x40, s7, s10, $0xb8;
	[tilespmem:$0x1F400] =	vst v63  }
0xaf: {  	s7 =	sadd.s32 $0x788, s6  }
0xb0: {  	[tilespmem:s17], [sflag:$0x1] =	stream.indirect.gather [hbm4b:s3+s12], $0x40, s7, s12, $0xb8;
	[tilespmem:$0x1F400] =	vst v63  }
0xb1: {  	s7 =	sadd.s32 $0x7D0, s6  }
0xb2: {  	[tilespmem:s19], [sflag:$0x1] =	stream.indirect.gather [hbm4b:s3+s10], $0x40, s7, s10, $0xb8;
	[tilespmem:$0x1F400] =	vst v63  }
0xb3: {  	s7 =	sadd.s32 $0x850, s6  }
0xb4: {  	[tilespmem:s21], [sflag:$0x1] =	stream.indirect.gather [hbm4b:s3+s12], $0x40, s7, s12, $0xb8;
	[tilespmem:$0x1F400] =	vst v63  }
0xb5: {  	s7 =	sadd.s32 $0x898, s6  }
0xb6: {  	[tilespmem:s23], [sflag:$0x1] =	stream.indirect.gather [hbm4b:s3+s10], $0x40, s7, s10, $0xb8;
	[tilespmem:$0x1F400] =	vst v63  }
0xb7: {  	s7 =	sadd.s32 $0x918, s6  }
0xb8: {  	[tilespmem:s25], [sflag:$0x1] =	stream.indirect.gather [hbm4b:s3+s12], $0x40, s7, s12, $0xb8;
	[tilespmem:$0x1F400] =	vst v63  }
0xb9: {  	_ =	swait.ge [sflag:s20], $0x2000  }
0xba: {  	[sflag:s20] =	ssyncset.done $0x0  }
0xbb: {  	[sflag:s20] =	ssyncadd.s32 $0xFFFFE000  }
0xbc: {  	_ =	swait.ge [sflag:s20], $0x1200  }
0xbd: {  	[sflag:s20] =	ssyncset.done $0x0  }
0xbe: {  	[sflag:s20] =	ssyncadd.s32 $0xFFFFEE00  }
0xbf: {  	_ =	swait.ge [sflag:s20], $0x2000  }
0xc0: {  	[sflag:s20] =	ssyncset.done $0x0  }
0xc1: {  	[sflag:s20] =	ssyncadd.s32 $0xFFFFE000  }
0xc2: {  	_ =	swait.ge [sflag:s20], $0x1200  }
0xc3: {  	[sflag:s20] =	ssyncset.done $0x0  }
0xc4: {  	[sflag:s20] =	ssyncadd.s32 $0xFFFFEE00  }
0xc5: {  	_ =	swait.ge [sflag:s20], $0x2000  }
0xc6: {  	[sflag:s20] =	ssyncset.done $0x0  }
0xc7: {  	[sflag:s20] =	ssyncadd.s32 $0xFFFFE000  }
0xc8: {  	_ =	swait.ge [sflag:s20], $0x1200  }
0xc9: {  	[sflag:s20] =	ssyncset.done $0x0  }
0xca: {  	[sflag:s20] =	ssyncadd.s32 $0xFFFFEE00  }
0xcb: {  	_ =	swait.ge [sflag:s20], $0x2000  }
0xcc: {  	[sflag:s20] =	ssyncset.done $0x0  }
0xcd: {  	[sflag:s20] =	ssyncadd.s32 $0xFFFFE000  }
0xce: {  	_ =	swait.ge [sflag:s20], $0x1200  }
0xcf: {  	[sflag:s20] =	ssyncset.done $0x0  }
0xd0: {  	s7 =	sadd.s32 $0x1900, s5;
	[sflag:s20] =	ssyncadd.s32 $0xFFFFEE00  }
0xd1: {  	[hbm4b:s7+s2] =	stream.linear.scatter [tilespmem:s28], [sflag:$0x4], $0xC800, $0x38;
	[tilespmem:$0x1F400] =	vst v63  }
0xd2: {  	_ =	swait.ge [sflag:s24], $0xC800  }
0xd3: {  	[sflag:s24] =	ssyncset.done $0x0  }
0xd4: {  	s7 =	sadd.s32 $0x960, s6;
	[sflag:s24] =	ssyncadd.s32 $0xFFFF3800  }
0xd5: {  	[tilespmem:s28], [sflag:$0x2] =	stream.indirect.gather [hbm4b:s3+s10], $0x40, s7, s10, $0xb8;
	[tilespmem:$0x1F400] =	vst v63  }
0xd6: {  	s7 =	sadd.s32 $0x9E0, s6  }
0xd7: {  	[tilespmem:s30], [sflag:$0x2] =	stream.indirect.gather [hbm4b:s3+s12], $0x40, s7, s12, $0xb8;
	[tilespmem:$0x1F400] =	vst v63  }
0xd8: {  	s7 =	sadd.s32 $0xA28, s6  }
0xd9: {  	[tilespmem:s1], [sflag:$0x2] =	stream.indirect.gather [hbm4b:s3+s10], $0x40, s7, s10, $0xb8;
	[tilespmem:$0x1F400] =	vst v63  }
0xda: {  	s7 =	sadd.s32 $0xAA8, s6  }
0xdb: {  	[tilespmem:s14], [sflag:$0x2] =	stream.indirect.gather [hbm4b:s3+s12], $0x40, s7, s12, $0xb8;
	[tilespmem:$0x1F400] =	vst v63  }
0xdc: {  	s7 =	sadd.s32 $0xAF0, s6  }
0xdd: {  	[tilespmem:s18], [sflag:$0x2] =	stream.indirect.gather [hbm4b:s3+s10], $0x40, s7, s10, $0xb8;
	[tilespmem:$0x1F400] =	vst v63  }
.Ltmp0:
0xde: {  	s7 =	sadd.s32 $0xB70, s6;
	(pc) =	sbr.rel @p0 .LBB2_2-.Ltmp0, $4  }
0xdf: {  	[tilespmem:s22], [sflag:$0x2] =	stream.indirect.gather [hbm4b:s3+s12], $0x40, s7, s12, $0xb8;
	[tilespmem:$0x1F400] =	vst v63  }
0xe0: {  	s7 =	sadd.s32 $0xBB8, s6  }
0xe1: {  	[tilespmem:s26], [sflag:$0x2] =	stream.indirect.gather [hbm4b:s3+s10], $0x40, s7, s10, $0xb8;
	[tilespmem:$0x1F400] =	vst v63  }
0xe2: {  	s5 =	sadd.s32 $0x3200, s5;
	s6 =	sadd.s32 $0xC38, s6  }
0xe3: {  	[tilespmem:s31], [sflag:$0x2] =	stream.indirect.gather [hbm4b:s3+s12], $0x40, s6, s12, $0xb8;
	[tilespmem:$0x1F400] =	vst v63  }
0xe4: {  	_ =	swait.ge [sflag:s0], $0x2000  }
0xe5: {  	[sflag:s0] =	ssyncset.done $0x0  }
0xe6: {  	[sflag:s0] =	ssyncadd.s32 $0xFFFFE000  }
0xe7: {  	_ =	swait.ge [sflag:s0], $0x1200  }
0xe8: {  	[sflag:s0] =	ssyncset.done $0x0  }
0xe9: {  	[sflag:s0] =	ssyncadd.s32 $0xFFFFEE00  }
0xea: {  	_ =	swait.ge [sflag:s0], $0x2000  }
0xeb: {  	[sflag:s0] =	ssyncset.done $0x0  }
0xec: {  	[sflag:s0] =	ssyncadd.s32 $0xFFFFE000  }
0xed: {  	_ =	swait.ge [sflag:s0], $0x1200  }
0xee: {  	[sflag:s0] =	ssyncset.done $0x0  }
0xef: {  	[sflag:s0] =	ssyncadd.s32 $0xFFFFEE00  }
0xf0: {  	_ =	swait.ge [sflag:s0], $0x2000  }
0xf1: {  	[sflag:s0] =	ssyncset.done $0x0  }
0xf2: {  	[sflag:s0] =	ssyncadd.s32 $0xFFFFE000  }
0xf3: {  	_ =	swait.ge [sflag:s0], $0x1200  }
0xf4: {  	[sflag:s0] =	ssyncset.done $0x0  }
0xf5: {  	[sflag:s0] =	ssyncadd.s32 $0xFFFFEE00  }
0xf6: {  	_ =	swait.ge [sflag:s0], $0x2000  }
0xf7: {  	[sflag:s0] =	ssyncset.done $0x0  }
0xf8: {  	[sflag:s0] =	ssyncadd.s32 $0xFFFFE000  }
0xf9: {  	_ =	swait.ge [sflag:s0], $0x1200  }
0xfa: {  	[sflag:s0] =	ssyncset.done $0x0  }
0xfb: {  	s4 =	rddreg [dreg:$0x4];
	[sflag:s0] =	ssyncadd.s32 $0xFFFFEE00  }
0xfc: {  	[hbm4b:s4+s2] =	stream.linear.scatter [tilespmem:s11], [sflag:$0x3], $0xC800, $0x38;
	[tilespmem:$0x1F400] =	vst v63  }
0xfd: {  	_ =	swait.ge [sflag:s20], $0x2000  }
0xfe: {  	[sflag:s20] =	ssyncset.done $0x0  }
0xff: {  	[sflag:s20] =	ssyncadd.s32 $0xFFFFE000  }
0x100: {  	_ =	swait.ge [sflag:s20], $0x1200  }
0x101: {  	[sflag:s20] =	ssyncset.done $0x0  }
0x102: {  	[sflag:s20] =	ssyncadd.s32 $0xFFFFEE00  }
0x103: {  	_ =	swait.ge [sflag:s20], $0x2000  }
0x104: {  	[sflag:s20] =	ssyncset.done $0x0  }
0x105: {  	[sflag:s20] =	ssyncadd.s32 $0xFFFFE000  }
0x106: {  	_ =	swait.ge [sflag:s20], $0x1200  }
0x107: {  	[sflag:s20] =	ssyncset.done $0x0  }
0x108: {  	[sflag:s20] =	ssyncadd.s32 $0xFFFFEE00  }
0x109: {  	_ =	swait.ge [sflag:s20], $0x2000  }
0x10a: {  	[sflag:s20] =	ssyncset.done $0x0  }
0x10b: {  	[sflag:s20] =	ssyncadd.s32 $0xFFFFE000  }
0x10c: {  	_ =	swait.ge [sflag:s20], $0x1200  }
0x10d: {  	[sflag:s20] =	ssyncset.done $0x0  }
0x10e: {  	[sflag:s20] =	ssyncadd.s32 $0xFFFFEE00  }
0x10f: {  	_ =	swait.ge [sflag:s20], $0x2000  }
0x110: {  	[sflag:s20] =	ssyncset.done $0x0  }
0x111: {  	[sflag:s20] =	ssyncadd.s32 $0xFFFFE000  }
0x112: {  	_ =	swait.ge [sflag:s20], $0x1200  }
0x113: {  	[sflag:s20] =	ssyncset.done $0x0  }
0x114: {  	s6 =	rddreg [dreg:$0x5];
	[sflag:s20] =	ssyncadd.s32 $0xFFFFEE00  }
0x115: {  	[hbm4b:s6+s2] =	stream.linear.scatter [tilespmem:s28], [sflag:$0x4], $0xC800, $0x38;
	[tilespmem:$0x1F400] =	vst v63  }
0x116: {  	_ =	swait.ge [sflag:s16], $0xC800  }
0x117: {  	[sflag:s16] =	ssyncset.done $0x0  }
0x118: {  	[sflag:s16] =	ssyncadd.s32 $0xFFFF3800  }
0x119: {  	_ =	swait.ge [sflag:s24], $0xC800  }
0x11a: {  	s29 =	sadd.s32 $0x1, s29;
	s7 =	rddreg [dreg:$0x6]  }
0x11b: {  	p0 =	sne.s32 s29, s7  }
.Ltmp1:
0x11c: {  	_ = 	snop;
	(pc) =	sbr.rel @p0 .LBB2_1-.Ltmp1, $3  }
0x11d: {  	_ =	sdelay $0x1  }
0x11e: {  	[sflag:s24] =	ssyncset.done $0x0  }
0x11f: {  	[sflag:s24] =	ssyncadd.s32 $0xFFFF3800  }
0x120: {  	_ =	sfence.sel $0x180000  }
0x121: {  	[bflag:$0x0] =	sbarrier.arrive $0xFFFF  }
0x122: {  	_ =	strace $0x90000047  }
0x123: {  	s0 =	stileid.u32;
	[bflag:$0x2] =	sbarrier.arrive $0xFFFF  }
0x124: {  	p0 =	sne.s32 s0, $0x0;
	s0 =	rddreg [dreg:$0x2]  }
0x125: {  	s0 =	sadd.s32 @!p0 $0x100000, s0  }
0x126: {  	[sflag:s0] =	ssyncadd.tile.s32 @!p0 $0x1;
	_ =	shalt  }
.Lfunc_end2:
_tile_overlayer_lowered:
.L_overlay_start_2:
0x127: {  	(tag) =	ssettag $0x2  }
0x128: {  	s0 =	rddreg [dreg:$0x0];
	s2 =	stileid.u32  }
0x129: {  	s1 =	rddreg [dreg:$0x1];
	p0 =	sne.s32 s2, $0x0  }
0x12a: {  	s3 =	rddreg [dreg:$0x2];
	[bflag:$0x3] =	sbarrier.arrive $0xFFFF;
	s2 =	simm.s32 @!p0 $0x1C05  }
0x12b: {  	[timem:s3], [sflag:s2] =	dma.local @!p0 [hbm:s0], s1  }
0x12c: {  	s0 =	simm.s32 @!p0 $0x5  }
0x12d: {  	_ =	swait.ge @!p0 [sflag:s0], s1  }
0x12e: {  	s1 =	ssub.s32 @!p0 $0x0, s1;
	[sflag:s0] =	ssyncset.done @!p0 $0x0  }
0x12f: {  	[sflag:s0] =	ssyncadd.s32 @!p0 s1  }
0x130: {  	[bflag:$0x3] =	sbarrier.arrive $0xFFFF  }
0x131: {  	_ =	shalt  }

// kernel: sparse-core-data-format-call.cloned.1.call-start
scs
called_computation_lowered:
.L_overlay_start_0:
0x0: {  	s2 =	sld [smem:$0x3FD9]  }
0x1: {  	s3 =	sld [smem:$0x3FFE];
	_ =	sdelay $0x1  }
0x2: {  	s1 =	srdreg.scid  }
0x3: {  	s0 =	sand.u32 $0x1, s1  }
0x4: {  	s18 =	sshll.u32 s0, $0xA;
	s2 =	sadd.s32 s3, s2  }
0x5: {  	s2 =	sadd.s32 s2, s18  }
0x6: {  	[smem:$0x3FC6] =	sst s2  }
0x7: {  	_ = 	snop  }
0x8: {  	s2 =	sld [smem:$0x3FD0];
	(tm) =	ssettm $0x1  }
0x9: {  	s19 =	sld [smem:$0x3FFB];
	_ =	sdelay $0x3  }
0xa: {  	_ =	strace s19  }
0xb: {  	s3 =	sld [smem:$0x3FFC];
	_ =	sdelay $0x3  }
0xc: {  	_ =	strace s3  }
0xd: {  	s3 =	sld [smem:$0x3FFD];
	_ =	sdelay $0x3  }
0xe: {  	_ =	strace s3  }
0xf: {  	_ =	strace $0x8FFFFFFF  }
0x10: {  	s20 =	sld [smem:$0x3FDB];
	_ =	sdelay $0x1  }
0x11: {  	s4 =	simm.s32 $_scs_section_size  }
0x12: {  	s5 =	simm.s32 $_size__tile_overlayer_lowered;
	s6 =	simm.s32 $_tile_overlayer_lowered  }
0x13: {  	s23 =	simm.s32 $0x1BFF;
	s22 =	sshll.u32 s6, $0x1;
	s3 =	sadd.s32 s4, s20  }
0x14: {  	s7 =	simm.s32 $0x0;
	s21 =	sshll.u32 s5, $0x1;
	s5 =	sadd.s32 s22, s3  }
0x15: {  	[timem:s7], [sflag:s23] =	dma.local [hbm:s5], s21  }
0x16: {  	_ =	swait.ge [sflag:s23], s21  }
0x17: {  	s4 =	ssub.s32 $0x0, s21;
	[sflag:s23] =	ssyncset.done $0x0  }
0x18: {  	[sflag:s23] =	ssyncadd.s32 s4;
	_ =	sdelay $0x1  }
0x19: {  	s24 =	simm.s32 $0x1B8B  }
0x1a: {  	_ =	swait.ge [sflag:s24], $0x1  }
0x1b: {  	[sflag:s24] =	ssyncset.done $0x0  }
0x1c: {  	s26 =	simm.s32 $0x1B8E;
	s25 =	sld [smem:$0x3FFE];
	[sflag:s24] =	ssyncadd.s32 $0xFFFFFFFF  }
0x1d: {  	s27 =	simm.s32 $execute0_lowered;
	[smem:$0x3FD2] =	sst s26  }
0x1e: {  	s5 =	sshll.u32 s27, $0x1;
	_ =	strace $0x80000049;
	[dreg:$0x1] =	wrdreg $0xFFFFFFFF  }
0x1f: {  	s28 =	simm.s32 $_size_execute0_lowered;
	s3 =	sadd.s32 s3, s5;
	[dreg:$0x0] =	wrdreg $0x0  }
0x20: {  	s5 =	sshll.u32 s28, $0x1;
	[dreg:$0x2] =	wrdreg s3  }
0x21: {  	[dreg:$0x3] =	wrdreg s5  }
0x22: {  	[dreg:$0x4] =	wrdreg $0xC0  }
0x23: {  	_ =	task [dreg:s7], $0x5FFFF  }
0x24: {  	[dreg:$0x1] =	wrdreg $0xFFFFFFFF  }
0x25: {  	[dreg:$0x0] =	wrdreg $0x60  }
0x26: {  	[dreg:$0x2] =	wrdreg s25  }
0x27: {  	[dreg:$0x3] =	wrdreg s2  }
0x28: {  	[dreg:$0x4] =	wrdreg $0x9  }
0x29: {  	_ =	task.clear_ibuf [dreg:s7], $0x5FFFF;
	_ =	strace $0x90000049  }
0x2a: {  	s29 =	simm.s32 $0x9;
	_ =	strace $0x8000004B  }
0x2b: {  	_ =	swait.ge [sflag:s29], $0x1  }
0x2c: {  	[sflag:s29] =	ssyncadd.s32 $0xFFFFFFFF  }
0x2d: {  	_ =	strace $0x9000004B  }
0x2e: {  	_ =	sfence  }
0x2f: {  	s30 =	sld [smem:$0x0];
	_ =	sdelay $0x2  }
0x30: {  	s31 =	sshll.u32 s1, $0xD;
	s1 =	sshrl.u32 s1, $0x2  }
0x31: {  	s3 =	sand.u32 $0x4000, s31;
	s1 =	sadd.s32 s1, s30  }
0x32: {  	s0 =	sor.u32 s3, s0;
	s1 =	sshll.u32 s1, $0x11  }
0x33: {  	s0 =	sor.u32 s1, s0  }
0x34: {  	s0 =	sadd.s32 $0x8F2B, s0  }
0x35: {  	[sflag:s0] =	ssyncadd.remote.s32 $0x1  }
0x36: {  	_ =	sfence.sel $0xFFFF  }
0x37: {  	[dreg:$0x0] =	wrdreg $0xFFFFFFFF;
	(pc) =	sbr.abs _section_cstart, $3  }
0x38: {  	[dreg:$0x1] =	wrdreg $0xFFFFFFFF  }
0x39: {  	_ =	task.clear_ibuf [dreg:s7], $0x2FFFF;
	_ =	strace $0x9FFFFFFF  }
0x3a: {  	(tm) =	ssettm $0x7FFFFFFF  }
0x3b: {  	_ =	shalt  }
tec
execute0_lowered:
.L_overlay_start_1:
0x0: {  	(tag) =	ssettag $0x1  }
0x1: {  	s0 =	srdreg.scid  }
0x2: {  	s1 =	sshll.u32 s0, $0x4  }
0x3: {  	s0 =	stileid.u32;
	s1 =	sand.u32 $0x10, s1  }
0x4: {  	s1 =	sor.u32 s0, s1  }
0x5: {  	s6 =	rddreg [dreg:$0x0];
	s4 =	simm.s32 $0x1;
	s2 =	sshll.u32 s1, $0x7  }
0x6: {  	s7 =	simm.s32 $0x2;
	s12 =	simm.s32 $0x0;
	s1 =	ssub.s32 $0x1000, s2  }
0x7: {  	s8 =	simm.s32 $0x8000;
	s13 =	simm.s32 $0x0;
	s3 =	sand.u32 $0xF80, s1  }
0x8: {  	s9 =	simm.s32 $0x0;
	s5 =	sshrl.u32 s1, $0xC;
	p0 =	sne.s32 s3, $0x0  }
.Ltmp0:
0x9: {  	s1 =	rddreg [dreg:$0x2];
	s4 =	simm.s32 @!p0 $0x0;
	(pc) =	sbr.rel .LBB1_1-.Ltmp0, $4  }
0xa: {  	s11 =	simm.s32 $0x0;
	s3 =	rddreg [dreg:$0x1];
	s5 =	sadd.s32 s4, s5  }
0xb: {  	_ =	strace $0x8000004A;
	s4 =	simm.s32 $0x1;
	s5 =	smul.u32 $0xC8, s5  }
0xc: {  	s6 =	sadd.s32 $0xA00, s6;
	s10 =	smov.u32 s2;
	[sflag:s4] =	ssyncpa.u1 $0x0  }
0xd: {  	p0 =	por $0x0, $0x0;
	[sflag:s7] =	ssyncpa.u1 $0x0;
	s7 =	sor.u32 $0x1, s5  }
.LBB1_4:
0xe: {  	s16 =	sshll.u32 s13, $0x3;
	s17 =	sand.u32 $0x78, s13  }
0xf: {  	s30 =	sand.u32 $0x7E00, s13;
	s12 =	sshll.u32 s12, $0xF;
	s16 =	sand.u32 $0xC00, s16  }
0x10: {  	[tilespmem:s15+$0x810 ss:$0x81] =	vst.msk $0xffff, v2;
	s31 =	sand.u32 $0x7, s13;
	s16 =	sor.u32 s17, s16;
	s17 =	sadd.s32 s3, s30  }
0x11: {  	[tilespmem:s15+$0x1020 ss:$0x81] =	vst.msk $0xffff, v0;
	s13 =	sshll.u32 s31, $0x12;
	s12 =	sadd.s32 s12, s17;
	s16 =	sshrl.u32 s16, $0x3  }
0x12: {  	[tilespmem:s15+$0x0 ss:$0x81] =	vst.msk $0xffff, v1;
	s13 =	sor.u32 $0x400, s13;
	s12 =	sadd.s32 s16, s12  }
0x13: {  	[hbm4b:s12+s13] =	stream.strided.scatter [tilespmem:s14], [sflag:$0x2], $0x2000, s8, s13, $0x20;
	[tilespmem:$0x8080] =	vst v63  }
.LBB1_5:
0x14: {  	s14 =	sadd.s32 $0x1, s9  }
0x15: {  	s12 =	sadd.s32 $0x1000, s10;
	s16 =	smov.u32 s10;
	p2 =	sgt.s32 s14, $0xC7  }
0x16: {  	s16 =	smov.u32 @p2 s12  }
0x17: {  	s14 =	simm.s32 @p2 $0x0;
	p2 =	sgt.s32 s16, $0xFFF  }
0x18: {  	s16 =	smov.u32 @p2 s2;
	p2 =	sne.s32 s11, s7  }
.Ltmp1:
0x19: {  	p1 =	slt.u32 s11, $0x2;
	(pc) =	sbr.rel @!p2 .LBB1_6-.Ltmp1, $4  }
0x1a: {  	s15 =	simm.s32 @!p1 $0x2  }
0x1b: {  	s13 =	smov.u32 s10;
	p0 =	por !p0, !p0;
	_ =	swait.ge @!p1 [sflag:s15], $0x2000  }
0x1c: {  	s12 =	smov.u32 s9;
	[sflag:s15] =	ssyncset.done @!p1 $0x0;
	s9 =	smov.u32 s14  }
0x1d: {  	s11 =	sadd.s32 $0x1, s11;
	[sflag:s15] =	ssyncadd.s32 @!p1 $0xFFFFE000;
	s10 =	smov.u32 s16  }
.LBB1_1:
0x1e: {  	p1 =	sge.u32 s11, s5  }
0x1f: {  	s14 =	sand.u32 @!p1 $0x1FFFFFF, s9  }
0x20: {  	s15 =	smulhi.u32 @!p1 $0x147AE15, s14;
	_ =	sdelay $0x1  }
0x21: {  	s15 =	smul.u32 @!p1 $0xC8, s15  }
0x22: {  	s16 =	sxor.u32 @!p1 $0xFFFFFFFF, s11;
	s17 =	smul.u32 @!p1 $0xC80, s10  }
0x23: {  	s31 =	sadd.s32 $0xFFFFFFFF, s11;
	s16 =	sshll.u32 @!p1 s16, $0xD;
	s14 =	ssub.s32 @!p1 s14, s15  }
0x24: {  	s15 =	sand.u32 @!p1 $0x2000, s16;
	s16 =	sadd.s32 @!p1 s6, s17;
	s14 =	sshll.u32 @!p1 s14, $0x4  }
0x25: {  	s17 =	simm.s32 @!p1 $0x6400;
	s14 =	sadd.s32 @!p1 s14, s16;
	s16 =	simm.s32 @!p1 $0x40  }
0x26: {  	[tilespmem:s15], [sflag:$0x1] =	stream.strided.gather @!p1 [hbm4b:s14+s16], $0x2000, s17, s16, $0x38;
	[tilespmem:$0x8080] =	vst v63  }
0x27: {  	p1 =	sge.u32 s31, s5  }
.Ltmp2:
0x28: {  	_ = 	snop;
	(pc) =	sbr.rel @p1 .LBB1_5-.Ltmp2, $1  }
0x29: {  	_ =	sdelay $0x3  }
0x2a: {  	s14 =	simm.s32 $0x1  }
0x2b: {  	_ =	swait.ge [sflag:s4], $0x2000;
	s14 =	simm.s32 @!p0 $0x0  }
0x2c: {  	[sflag:s4] =	ssyncset.done $0x0;
	s15 =	sshll.u32 s14, $0xD  }
0x2d: {  	[sflag:s4] =	ssyncadd.s32 $0xFFFFE000;
	s18 =	sor.u32 $0x20, s15  }
0x2e: {  	s14 =	smul.u32 $0x8100, s14;
	v3 =	vld [tilespmem:s18+$0x10]  }
0x2f: {  	s30 =	sand.u32 $0x1, s11;
	v2 =	vld [tilespmem:s18+$0xFFFFFFF0]  }
0x30: {  	s15 =	smul.u32 $0x8100, s30;
	s14 =	sshrl.u32 s14, $0x2;
	v0 =	vld [tilespmem:s18+$0x0]  }
0x31: {  	v1 =	vld [tilespmem:s18+$0xFFFFFFE0];
	s16 =	sor.u32 $0x4000, s14  }
0x32: {  	s31 =	sshrl.u32 s15, $0x2;
	s15 =	sadd.s32 $0x0, s16  }
0x33: {  	s17 =	simm.s32 $0x4;
	s18 =	sadd.s32 $0x40, s18;
	s14 =	sor.u32 $0x4000, s31;
	[tilespmem:s15+$0x1830 ss:$0x81] =	vst.msk $0xffff, v3  }
.LBB1_3:
0x34: {  	v3 =	vld [tilespmem:s18+$0x10];
	p1 =	sne.s32 s17, $0x1FC;
	[tilespmem:s15+$0x810 ss:$0x81] =	vst.msk $0xffff, v2;
	s19 =	smov.u32 s17;
	s17 =	sadd.s32 $0x4, s17  }
.Ltmp3:
0x35: {  	v2 =	vld [tilespmem:s18+$0xFFFFFFF0];
	[tilespmem:s15+$0x1020 ss:$0x81] =	vst.msk $0xffff, v0;
	(pc) =	sbr.rel @p1 .LBB1_3-.Ltmp3, $4  }
0x36: {  	v0 =	vld [tilespmem:s18+$0x0];
	[tilespmem:s15+$0x0 ss:$0x81] =	vst.msk $0xffff, v1  }
0x37: {  	s15 =	sshra.s32 s19, $0x2;
	v1 =	vld [tilespmem:s18+$0xFFFFFFE0]  }
0x38: {  	s15 =	sadd.s32 s15, s16  }
0x39: {  	s18 =	sadd.s32 $0x40, s18;
	[tilespmem:s15+$0x1830 ss:$0x81] =	vst.msk $0xffff, v3  }
.Ltmp4:
0x3a: {  	_ = 	snop;
	(pc) =	sbr.rel .LBB1_4-.Ltmp4, $1  }
0x3b: {  	_ =	sdelay $0x3  }
.LBB1_6:
0x3c: {  	_ =	sfence.sel $0x180000  }
0x3d: {  	s2 =	simm.s32 $0x1;
	[bflag:$0x0] =	sbarrier.arrive $0xFFFF  }
0x3e: {  	s31 =	simm.s32 $0x2;
	[sflag:s2] =	ssyncpa.u1 $0x1  }
0x3f: {  	[sflag:s31] =	ssyncpa.u1 $0x1  }
0x40: {  	p0 =	sne.s32 s0, $0x0;
	_ =	strace $0x9000004A  }
0x41: {  	s0 =	sadd.s32 @!p0 $0x100000, s1;
	[bflag:$0x2] =	sbarrier.arrive $0xFFFF  }
0x42: {  	[sflag:s0] =	ssyncadd.tile.s32 @!p0 $0x1;
	_ =	shalt  }
.Lfunc_end1:
_tile_overlayer_lowered:
.L_overlay_start_2:
0x43: {  	(tag) =	ssettag $0x2  }
0x44: {  	s0 =	rddreg [dreg:$0x0];
	s2 =	stileid.u32  }
0x45: {  	s1 =	rddreg [dreg:$0x1];
	p0 =	sne.s32 s2, $0x0  }
0x46: {  	s3 =	rddreg [dreg:$0x2];
	[bflag:$0x3] =	sbarrier.arrive $0xFFFF;
	s2 =	simm.s32 @!p0 $0x1C01  }
0x47: {  	[timem:s3], [sflag:s2] =	dma.local @!p0 [hbm:s0], s1  }
0x48: {  	s0 =	simm.s32 @!p0 $0x1  }
0x49: {  	_ =	swait.ge @!p0 [sflag:s0], s1  }
0x4a: {  	s1 =	ssub.s32 @!p0 $0x0, s1;
	[sflag:s0] =	ssyncset.done @!p0 $0x0  }
0x4b: {  	[sflag:s0] =	ssyncadd.s32 @!p0 s1  }
0x4c: {  	[bflag:$0x3] =	sbarrier.arrive $0xFFFF  }
0x4d: {  	_ =	shalt  }

</sc_bundles>
